<compile_context>
chip_gen: v7x
topology: tpu7x:2x2x1
jax: 0.10.2.dev20260603
libtpu: 0.0.44.dev20260713+nightly
codegen_flags: <defaults>
</compile_context>

<pallas_src>
import functools

import jax
import jax.numpy as jnp
from jax import lax
from jax.experimental import pallas as pl
from jax.experimental.pallas import tpu as pltpu
from jax.experimental.pallas import tpu_sc as plsc

CHUNK = 32
NBUF = 8


@functools.partial(
    jax.jit, static_argnames=("n", "d", "nc", "ns", "nchunks", "n_acc"))
def _sc_aggregate(h, pk3, *, n, d, nc, ns, nchunks, n_acc):
    zpart = 8 * (n_acc // (8 * ns))
    zlast = n_acc - zpart * (ns - 1)
    opart = 8 * (n // (8 * ns))
    olast = n - opart * (ns - 1)
    mesh = plsc.VectorSubcoreMesh(core_axis_name="c", subcore_axis_name="s")

    @functools.partial(
        pl.kernel,
        out_type=jax.ShapeDtypeStruct((nc, n, d), jnp.float32),
        mesh=mesh,
        scratch_types=[
            pltpu.VMEM((nchunks // 4, 4 * CHUNK), jnp.int32),
            *([pltpu.VMEM((1, CHUNK), jnp.int32)] * (2 * NBUF)),
            *([pltpu.VMEM((CHUNK, d), jnp.float32)] * NBUF),
            pltpu.VMEM_SHARED((n_acc, d), jnp.float32),
            *([pltpu.SemaphoreType.DMA] * NBUF),
        ],
    )
    def k(h_hbm, pk_hbm, out_hbm, pk_v, *rest):
        sus = rest[0:2 * NBUF:2]
        dus = rest[1:2 * NBUF:2]
        rows = rest[2 * NBUF:3 * NBUF]
        acc_sh = rest[3 * NBUF]
        sems = rest[3 * NBUF + 1:]
        rows_v = rows[0]
        cid = lax.axis_index("c")
        sid = lax.axis_index("s")
        wid = cid * ns + sid

        def zrow(i, _):
            for k8 in range(d // 16):
                rows_v[i, pl.ds(k8 * 16, 16)] = jnp.zeros((16,), jnp.float32)
            return 0

        lax.fori_loop(0, CHUNK, zrow, 0)

        def zero_rows(nrows):
            base = sid * zpart
            full, rem = nrows // CHUNK, nrows % CHUNK
            for z in range(full):
                pltpu.sync_copy(rows_v, acc_sh.at[pl.ds(base + z * CHUNK, CHUNK)])
            if rem:
                pltpu.sync_copy(rows_v.at[pl.ds(0, rem)],
                                acc_sh.at[pl.ds(base + full * CHUNK, rem)])

        pl.when(sid < ns - 1)(lambda: zero_rows(zpart))
        pl.when(sid == ns - 1)(lambda: zero_rows(zlast))
        plsc.subcore_barrier()

        pltpu.sync_copy(pk_hbm.at[wid], pk_v)

        hoff = (cid * 4 + lax.div(sid, 4)) * n

        def unpack(j, su, du):
            half = (j % 4) * CHUNK
            for k8 in range(CHUNK // 16):
                w = pk_v[j // 4, pl.ds(half + k8 * 16, 16)]
                su[0, pl.ds(k8 * 16, 16)] = (w & 0xFFFF) + hoff
                du[0, pl.ds(k8 * 16, 16)] = lax.shift_right_logical(w, 16)

        drains = [pltpu.make_async_copy(h_hbm.at[sus[b].at[0]], rows[b], sems[b])
                  for b in range(NBUF)]
        for b in range(NBUF):
            unpack(b, sus[b], dus[b])
            pltpu.async_copy(h_hbm.at[sus[b].at[0]], rows[b], sems[b])

        def body(g, _):
            j = NBUF * g
            for b in range(NBUF):
                drains[b].wait()
                pltpu.sync_copy(rows[b], acc_sh.at[dus[b].at[0]], add=True)
                unpack(j + NBUF + b, sus[b], dus[b])
                pltpu.async_copy(h_hbm.at[sus[b].at[0]], rows[b], sems[b])
            return 0

        lax.fori_loop(0, nchunks // NBUF - 1, body, 0)
        for b in range(NBUF):
            drains[b].wait()
            pltpu.sync_copy(rows[b], acc_sh.at[dus[b].at[0]], add=True)
        plsc.subcore_barrier()

        def write_rows(nrows):
            ob = sid * opart
            pltpu.sync_copy(acc_sh.at[pl.ds(ob, nrows)],
                            out_hbm.at[cid].at[pl.ds(ob, nrows)])

        pl.when(sid < ns - 1)(lambda: write_rows(opart))
        pl.when(sid == ns - 1)(lambda: write_rows(olast))

    return k(h, pk3)


def _tc_self_body(x_ref, ws_ref, o_ref):
    o_ref[...] = jax.lax.dot_general(
        x_ref[...], ws_ref[...], (((1,), (0,)), ((), ())),
        preferred_element_type=jnp.float32, precision=lax.Precision.HIGHEST)


@functools.partial(jax.jit, static_argnames=("br",))
def _tc_self(x, ws, *, br):
    n, d = x.shape
    return pl.pallas_call(
        _tc_self_body,
        grid=(n // br,),
        in_specs=[pl.BlockSpec((br, d), lambda i: (i, 0)),
                  pl.BlockSpec((d, d), lambda i: (0, 0))],
        out_specs=pl.BlockSpec((br, d), lambda i: (i, 0)),
        out_shape=jax.ShapeDtypeStruct((n, d), jnp.float32),
    )(x, ws)


def _tc_comb_body(s_ref, p0_ref, p1_ref, deg_ref, wn_ref, b_ref,
                  g_ref, lb_ref, o_ref, *, ln_relu):
    agg = (p0_ref[...] + p1_ref[...]) / jnp.clip(deg_ref[...], 1.0, None)
    h = (
        s_ref[...]
        + jax.lax.dot_general(
            agg, wn_ref[...], (((1,), (0,)), ((), ())),
            preferred_element_type=jnp.float32, precision=lax.Precision.HIGHEST)
        + b_ref[...]
    )
    if ln_relu:
        mu = jnp.mean(h, axis=-1, keepdims=True)
        var = jnp.mean(jnp.square(h - mu), axis=-1, keepdims=True)
        h = (h - mu) / jnp.sqrt(var + 1e-5) * g_ref[...] + lb_ref[...]
        h = jnp.maximum(h, 0.0)
    o_ref[...] = h


@functools.partial(jax.jit, static_argnames=("ln_relu", "br"))
def _tc_combine(s, p0, p1, deg2, wn, b, g, lb, *, ln_relu, br):
    n, d = s.shape
    row_spec = pl.BlockSpec((br, d), lambda i: (i, 0))
    deg_spec = pl.BlockSpec((br, 1), lambda i: (i, 0))
    w_spec = pl.BlockSpec((d, d), lambda i: (0, 0))
    v_spec = pl.BlockSpec((1, d), lambda i: (0, 0))
    return pl.pallas_call(
        functools.partial(_tc_comb_body, ln_relu=ln_relu),
        grid=(n // br,),
        in_specs=[row_spec, row_spec, row_spec, deg_spec,
                  w_spec, v_spec, v_spec, v_spec],
        out_specs=row_spec,
        out_shape=jax.ShapeDtypeStruct((n, d), jnp.float32),
    )(s, p0, p1, deg2, wn, b, g, lb)


def kernel(feat, edge_index, in_deg, W_self0, W_neigh0, b0,
           W_self1, W_neigh1, b1, ln_g, ln_b):
    n, d = feat.shape
    e = edge_index.shape[1]
    nc, ns = 2, 16
    nw = nc * ns
    per_w = ((e + nw * NBUF * CHUNK - 1) // (nw * NBUF * CHUNK)) * NBUF * CHUNK
    nchunks = per_w // CHUNK
    e_pad = per_w * nw

    src = edge_index[0]
    dst = edge_index[1]
    rw = (e + nw - 1) // nw
    padw = per_w - rw
    n_dummy = max(padw + (nw * rw - e), 1)
    n_acc = ((n + n_dummy + 7) // 8) * 8
    pk = src | (dst << 16)
    pk = jnp.concatenate(
        [pk, ((n + jnp.arange(nw * rw - e, dtype=jnp.int32)) << 16)])
    pk = pk.reshape(nw, rw)
    pad_blk = ((n + (nw * rw - e)
                + jnp.arange(padw, dtype=jnp.int32)) << 16)
    pk3 = jnp.concatenate(
        [pk, jnp.broadcast_to(pad_blk, (nw, padw))], axis=1
    ).reshape(nw, nchunks // 4, 4 * CHUNK)
    deg2 = in_deg.reshape(n, 1)
    b0r, b1r = b0.reshape(1, d), b1.reshape(1, d)
    gr, lbr = ln_g.reshape(1, d), ln_b.reshape(1, d)

    br = 2000 if n % 2000 == 0 else 8 * (n // 8)

    feat8 = jnp.concatenate([feat] * 8, axis=0)
    p = _sc_aggregate(feat8, pk3, n=n, d=d, nc=nc, ns=ns, nchunks=nchunks,
                      n_acc=n_acc)
    self0 = _tc_self(feat, W_self0, br=br)
    h1 = _tc_combine(self0, p[0], p[1], deg2, W_neigh0, b0r, gr, lbr,
                     ln_relu=True, br=br)
    h1x8 = jnp.concatenate([h1] * 8, axis=0)
    p = _sc_aggregate(h1x8, pk3, n=n, d=d, nc=nc, ns=ns, nchunks=nchunks,
                      n_acc=n_acc)
    self1 = _tc_self(h1, W_self1, br=br)
    out = _tc_combine(self1, p[0], p[1], deg2, W_neigh1, b1r, gr, lbr,
                      ln_relu=False, br=br)
    return out

# --- scband reference (transcript-rebuilt; emitter-appended) ---
"""Pipeline reference for scband-graph-sage-19791209300261 (READ-ONLY COPY).

The authoritative reference and input builder live on the scoring server;
editing this copy changes nothing except your own understanding.
"""

import jax, jax.numpy as jnp
import numpy as np

N = 10000
E = 320000
D = 128


def setup_inputs(seed: int = 0) -> dict:
    key = jax.random.key(seed)
    ks = jax.random.split(key, 12)
    feat = jax.random.normal(ks[0], (N, D), dtype=jnp.float32)
    edge_index = jax.random.randint(ks[1], (2, E), 0, N, dtype=jnp.int32)
    in_deg = jnp.ones((N,), dtype=jnp.float32)
    s = 1.0 / np.sqrt(D)
    W_self0 = jax.random.normal(ks[2], (D, D), dtype=jnp.float32) * s
    W_neigh0 = jax.random.normal(ks[3], (D, D), dtype=jnp.float32) * s
    b0 = jnp.zeros((D,), dtype=jnp.float32)
    W_self1 = jax.random.normal(ks[4], (D, D), dtype=jnp.float32) * s
    W_neigh1 = jax.random.normal(ks[5], (D, D), dtype=jnp.float32) * s
    b1 = jnp.zeros((D,), dtype=jnp.float32)
    ln_g = jnp.ones((D,), dtype=jnp.float32)
    ln_b = jnp.zeros((D,), dtype=jnp.float32)
    return {
        'feat': feat, 'edge_index': edge_index, 'in_deg': in_deg,
        'W_self0': W_self0, 'W_neigh0': W_neigh0, 'b0': b0,
        'W_self1': W_self1, 'W_neigh1': W_neigh1, 'b1': b1,
        'ln_g': ln_g, 'ln_b': ln_b,
    }


def _sage_layer(h, src, dst, in_deg, W_self, W_neigh, b):
    # GraphSAGE mean aggregation: gather source feats, scatter-add into dst,
    # normalize by in-degree, then linear transform of self + neighbor parts.
    msgs = jnp.take(h, src, axis=0)
    agg = jax.ops.segment_sum(msgs, dst, num_segments=N)
    agg = agg / jnp.clip(in_deg, 1.0, None)[:, None]
    return h @ W_self + agg @ W_neigh + b


def _layernorm(h, g, b, eps=1e-5):
    mu = jnp.mean(h, axis=-1, keepdims=True)
    var = jnp.var(h, axis=-1, keepdims=True)
    return (h - mu) / jnp.sqrt(var + eps) * g + b


def reference(feat, edge_index, in_deg, W_self0, W_neigh0, b0, W_self1, W_neigh1, b1, ln_g, ln_b):
    src = edge_index[0]
    dst = edge_index[1]
    # layer 0 (dropout is identity in eval mode)
    h = _sage_layer(feat, src, dst, in_deg, W_self0, W_neigh0, b0)
    h = _layernorm(h, ln_g, ln_b)
    h = jax.nn.relu(h)
    # layer 1 (output layer: no norm, no activation)
    h = _sage_layer(h, src, dst, in_deg, W_self1, W_neigh1, b1)
    return h

if __name__ == "__main__":
    import jax
    _d = setup_inputs()
    print(jax.jit(kernel)(*tuple(_d.values())))

</pallas_src>

<mosaic_0001>
#map = affine_map<(d0, d1) -> (0, 0)>
#map1 = affine_map<(d0, d1) -> (0, 0, 0)>
module attributes {stable_mosaic.version = 14 : i64} {
  func.func @k(%arg0: i32, %arg1: i32, %arg2: memref<80000x128xf32, #tpu.memory_space<hbm>>, %arg3: memref<32x80x128xi32, #tpu.memory_space<hbm>>, %arg4: memref<2x10000x128xf32, #tpu.memory_space<hbm>>, %arg5: memref<80x128xi32, #tpu.memory_space<vmem>>, %arg6: memref<1x32xi32, #tpu.memory_space<vmem>>, %arg7: memref<1x32xi32, #tpu.memory_space<vmem>>, %arg8: memref<1x32xi32, #tpu.memory_space<vmem>>, %arg9: memref<1x32xi32, #tpu.memory_space<vmem>>, %arg10: memref<1x32xi32, #tpu.memory_space<vmem>>, %arg11: memref<1x32xi32, #tpu.memory_space<vmem>>, %arg12: memref<1x32xi32, #tpu.memory_space<vmem>>, %arg13: memref<1x32xi32, #tpu.memory_space<vmem>>, %arg14: memref<1x32xi32, #tpu.memory_space<vmem>>, %arg15: memref<1x32xi32, #tpu.memory_space<vmem>>, %arg16: memref<1x32xi32, #tpu.memory_space<vmem>>, %arg17: memref<1x32xi32, #tpu.memory_space<vmem>>, %arg18: memref<1x32xi32, #tpu.memory_space<vmem>>, %arg19: memref<1x32xi32, #tpu.memory_space<vmem>>, %arg20: memref<1x32xi32, #tpu.memory_space<vmem>>, %arg21: memref<1x32xi32, #tpu.memory_space<vmem>>, %arg22: memref<32x128xf32, #tpu.memory_space<vmem>>, %arg23: memref<32x128xf32, #tpu.memory_space<vmem>>, %arg24: memref<32x128xf32, #tpu.memory_space<vmem>>, %arg25: memref<32x128xf32, #tpu.memory_space<vmem>>, %arg26: memref<32x128xf32, #tpu.memory_space<vmem>>, %arg27: memref<32x128xf32, #tpu.memory_space<vmem>>, %arg28: memref<32x128xf32, #tpu.memory_space<vmem>>, %arg29: memref<32x128xf32, #tpu.memory_space<vmem>>, %arg30: memref<10240x128xf32, #tpu.memory_space<vmem_shared>>, %arg31: memref<!tpu.dma_semaphore, #tpu.memory_space<semaphore_mem>>, %arg32: memref<!tpu.dma_semaphore, #tpu.memory_space<semaphore_mem>>, %arg33: memref<!tpu.dma_semaphore, #tpu.memory_space<semaphore_mem>>, %arg34: memref<!tpu.dma_semaphore, #tpu.memory_space<semaphore_mem>>, %arg35: memref<!tpu.dma_semaphore, #tpu.memory_space<semaphore_mem>>, %arg36: memref<!tpu.dma_semaphore, #tpu.memory_space<semaphore_mem>>, %arg37: memref<!tpu.dma_semaphore, #tpu.memory_space<semaphore_mem>>, %arg38: memref<!tpu.dma_semaphore, #tpu.memory_space<semaphore_mem>>) attributes {dimension_semantics = [#tpu.dimension_semantics<core_parallel>, #tpu.dimension_semantics<subcore_parallel>], iteration_bounds = array<i64: 2, 16>, scalar_prefetch = 0 : i64, scratch_operands = 34 : i64, tpu.core_type = #tpu.core_type<sc_vector_subcore>, window_params = [{transform_indices = #map}, {transform_indices = #map1}, {transform_indices = #map1}]} {
    %mul3A = arith.constant 16 : i32
    %mul3A_0 = arith.muli %arg0, %mul3A : i32
    %add3A = arith.addi %mul3A_0, %arg1 : i32
    %scan3A = arith.constant 0 : i32
    %scan3A_1 = arith.constant 0 : i32
    %scan3A_2 = arith.constant 32 : i32
    %scan3A_3 = arith.addi %scan3A_1, %scan3A_2 : i32
    %scan3A_4 = arith.constant 1 : i32
    %scan3A_5 = scf.for %scan3A_558 = %scan3A_1 to %scan3A_3 step %scan3A_4 iter_args(%scan3A_559 = %scan3A) -> (i32)  : i32 {
      %broadcast_in_dim3A = arith.constant 0.000000e+00 : f32
      %broadcast_in_dim3A_560 = vector.broadcast %broadcast_in_dim3A : f32 to vector<16xf32>
      %swap3A_561 = arith.index_cast %scan3A_558 : i32 to index
      %swap3A_562 = arith.constant 0 : index
      %swap3A_563 = tpu.vector_load %arg22[%swap3A_561, %swap3A_562] {strides = array<i32>} : memref<32x128xf32, #tpu.memory_space<vmem>>, vector<1x16xf32>,
      %swap3A_564 = vector.shape_cast %swap3A_563 : vector<1x16xf32> to vector<16xf32>
      %swap3A_565 = vector.shape_cast %broadcast_in_dim3A_560 : vector<16xf32> to vector<1x16xf32>
      tpu.vector_store %arg22[%swap3A_561, %swap3A_562], %swap3A_565 {strides = array<i32>} : memref<32x128xf32, #tpu.memory_space<vmem>>, vector<1x16xf32>,
      %broadcast_in_dim3A_566 = arith.constant 0.000000e+00 : f32
      %broadcast_in_dim3A_567 = vector.broadcast %broadcast_in_dim3A_566 : f32 to vector<16xf32>
      %swap3A_568 = arith.index_cast %scan3A_558 : i32 to index
      %swap3A_569 = arith.constant 16 : index
      %swap3A_570 = tpu.vector_load %arg22[%swap3A_568, %swap3A_569] {strides = array<i32>} : memref<32x128xf32, #tpu.memory_space<vmem>>, vector<1x16xf32>,
      %swap3A_571 = vector.shape_cast %swap3A_570 : vector<1x16xf32> to vector<16xf32>
      %swap3A_572 = vector.shape_cast %broadcast_in_dim3A_567 : vector<16xf32> to vector<1x16xf32>
      tpu.vector_store %arg22[%swap3A_568, %swap3A_569], %swap3A_572 {strides = array<i32>} : memref<32x128xf32, #tpu.memory_space<vmem>>, vector<1x16xf32>,
      %broadcast_in_dim3A_573 = arith.constant 0.000000e+00 : f32
      %broadcast_in_dim3A_574 = vector.broadcast %broadcast_in_dim3A_573 : f32 to vector<16xf32>
      %swap3A_575 = arith.index_cast %scan3A_558 : i32 to index
      %swap3A_576 = arith.constant 32 : index
      %swap3A_577 = tpu.vector_load %arg22[%swap3A_575, %swap3A_576] {strides = array<i32>} : memref<32x128xf32, #tpu.memory_space<vmem>>, vector<1x16xf32>,
      %swap3A_578 = vector.shape_cast %swap3A_577 : vector<1x16xf32> to vector<16xf32>
      %swap3A_579 = vector.shape_cast %broadcast_in_dim3A_574 : vector<16xf32> to vector<1x16xf32>
      tpu.vector_store %arg22[%swap3A_575, %swap3A_576], %swap3A_579 {strides = array<i32>} : memref<32x128xf32, #tpu.memory_space<vmem>>, vector<1x16xf32>,
      %broadcast_in_dim3A_580 = arith.constant 0.000000e+00 : f32
      %broadcast_in_dim3A_581 = vector.broadcast %broadcast_in_dim3A_580 : f32 to vector<16xf32>
      %swap3A_582 = arith.index_cast %scan3A_558 : i32 to index
      %swap3A_583 = arith.constant 48 : index
      %swap3A_584 = tpu.vector_load %arg22[%swap3A_582, %swap3A_583] {strides = array<i32>} : memref<32x128xf32, #tpu.memory_space<vmem>>, vector<1x16xf32>,
      %swap3A_585 = vector.shape_cast %swap3A_584 : vector<1x16xf32> to vector<16xf32>
      %swap3A_586 = vector.shape_cast %broadcast_in_dim3A_581 : vector<16xf32> to vector<1x16xf32>
      tpu.vector_store %arg22[%swap3A_582, %swap3A_583], %swap3A_586 {strides = array<i32>} : memref<32x128xf32, #tpu.memory_space<vmem>>, vector<1x16xf32>,
      %broadcast_in_dim3A_587 = arith.constant 0.000000e+00 : f32
      %broadcast_in_dim3A_588 = vector.broadcast %broadcast_in_dim3A_587 : f32 to vector<16xf32>
      %swap3A_589 = arith.index_cast %scan3A_558 : i32 to index
      %swap3A_590 = arith.constant 64 : index
      %swap3A_591 = tpu.vector_load %arg22[%swap3A_589, %swap3A_590] {strides = array<i32>} : memref<32x128xf32, #tpu.memory_space<vmem>>, vector<1x16xf32>,
      %swap3A_592 = vector.shape_cast %swap3A_591 : vector<1x16xf32> to vector<16xf32>
      %swap3A_593 = vector.shape_cast %broadcast_in_dim3A_588 : vector<16xf32> to vector<1x16xf32>
      tpu.vector_store %arg22[%swap3A_589, %swap3A_590], %swap3A_593 {strides = array<i32>} : memref<32x128xf32, #tpu.memory_space<vmem>>, vector<1x16xf32>,
      %broadcast_in_dim3A_594 = arith.constant 0.000000e+00 : f32
      %broadcast_in_dim3A_595 = vector.broadcast %broadcast_in_dim3A_594 : f32 to vector<16xf32>
      %swap3A_596 = arith.index_cast %scan3A_558 : i32 to index
      %swap3A_597 = arith.constant 80 : index
      %swap3A_598 = tpu.vector_load %arg22[%swap3A_596, %swap3A_597] {strides = array<i32>} : memref<32x128xf32, #tpu.memory_space<vmem>>, vector<1x16xf32>,
      %swap3A_599 = vector.shape_cast %swap3A_598 : vector<1x16xf32> to vector<16xf32>
      %swap3A_600 = vector.shape_cast %broadcast_in_dim3A_595 : vector<16xf32> to vector<1x16xf32>
      tpu.vector_store %arg22[%swap3A_596, %swap3A_597], %swap3A_600 {strides = array<i32>} : memref<32x128xf32, #tpu.memory_space<vmem>>, vector<1x16xf32>,
      %broadcast_in_dim3A_601 = arith.constant 0.000000e+00 : f32
      %broadcast_in_dim3A_602 = vector.broadcast %broadcast_in_dim3A_601 : f32 to vector<16xf32>
      %swap3A_603 = arith.index_cast %scan3A_558 : i32 to index
      %swap3A_604 = arith.constant 96 : index
      %swap3A_605 = tpu.vector_load %arg22[%swap3A_603, %swap3A_604] {strides = array<i32>} : memref<32x128xf32, #tpu.memory_space<vmem>>, vector<1x16xf32>,
      %swap3A_606 = vector.shape_cast %swap3A_605 : vector<1x16xf32> to vector<16xf32>
      %swap3A_607 = vector.shape_cast %broadcast_in_dim3A_602 : vector<16xf32> to vector<1x16xf32>
      tpu.vector_store %arg22[%swap3A_603, %swap3A_604], %swap3A_607 {strides = array<i32>} : memref<32x128xf32, #tpu.memory_space<vmem>>, vector<1x16xf32>,
      %broadcast_in_dim3A_608 = arith.constant 0.000000e+00 : f32
      %broadcast_in_dim3A_609 = vector.broadcast %broadcast_in_dim3A_608 : f32 to vector<16xf32>
      %swap3A_610 = arith.index_cast %scan3A_558 : i32 to index
      %swap3A_611 = arith.constant 112 : index
      %swap3A_612 = tpu.vector_load %arg22[%swap3A_610, %swap3A_611] {strides = array<i32>} : memref<32x128xf32, #tpu.memory_space<vmem>>, vector<1x16xf32>,
      %swap3A_613 = vector.shape_cast %swap3A_612 : vector<1x16xf32> to vector<16xf32>
      %swap3A_614 = vector.shape_cast %broadcast_in_dim3A_609 : vector<16xf32> to vector<1x16xf32>
      tpu.vector_store %arg22[%swap3A_610, %swap3A_611], %swap3A_614 {strides = array<i32>} : memref<32x128xf32, #tpu.memory_space<vmem>>, vector<1x16xf32>,
      %scan3A_615 = arith.constant 0 : i32
      scf.yield %scan3A_615 : i32
    }
    %scan3A_6 = arith.constant 32 : i32
    %lt3A = arith.constant 15 : i32
    %lt3A_7 = arith.cmpi slt, %arg1, %lt3A : i32
    %convert_element_type3A = arith.extui %lt3A_7 : i1 to i32
    %cond3A = arith.constant 0 : i32
    %cond3A_8 = arith.cmpi ne, %convert_element_type3A, %cond3A : i32
    scf.if %cond3A_8 {
      %mul3A_558 = arith.constant 640 : i32
      %mul3A_559 = arith.muli %arg1, %mul3A_558 : i32
      %add3A_560 = arith.constant 0 : i32
      %add3A_561 = arith.addi %mul3A_559, %add3A_560 : i32
      "tpu.region"() ({
        %run_scoped3A_600 = tpu.sem_alloc : memref<!tpu.dma_semaphore, #tpu.memory_space<semaphore_mem>>
        %dma_start3A_601 = arith.constant 0 : i32
        %dma_start3A_602 = tpu.memref_slice %arg30[%add3A_561, %dma_start3A_601] : memref<10240x128xf32, #tpu.memory_space<vmem_shared>> -> memref<32x128xf32, #tpu.memory_space<vmem_shared>>
        %dma_start3A_603 = arith.constant 0 : i32
        %dma_start3A_604 = tpu.memref_slice %arg30[%add3A_561, %dma_start3A_603] : memref<10240x128xf32, #tpu.memory_space<vmem_shared>> -> memref<32x128xf32, #tpu.memory_space<vmem_shared>>
        tpu.enqueue_dma source(%arg22 : memref<32x128xf32, #tpu.memory_space<vmem>>) target(%dma_start3A_604 : memref<32x128xf32, #tpu.memory_space<vmem_shared>>) target_semaphore(%run_scoped3A_600 : memref<!tpu.dma_semaphore, #tpu.memory_space<semaphore_mem>>)
        %dma_wait3A_605 = arith.constant 0 : i32
        %dma_wait3A_606 = tpu.memref_slice %arg30[%add3A_561, %dma_wait3A_605] : memref<10240x128xf32, #tpu.memory_space<vmem_shared>> -> memref<32x128xf32, #tpu.memory_space<vmem_shared>>
        %dma_wait3A_607 = arith.constant 0 : i32
        %dma_wait3A_608 = tpu.memref_slice %arg30[%add3A_561, %dma_wait3A_607] : memref<10240x128xf32, #tpu.memory_space<vmem_shared>> -> memref<32x128xf32, #tpu.memory_space<vmem_shared>>
        tpu.wait_dma2 semaphore(%run_scoped3A_600 : memref<!tpu.dma_semaphore, #tpu.memory_space<semaphore_mem>>) src(%arg22 : memref<32x128xf32, #tpu.memory_space<vmem>>) dst(%dma_wait3A_608 : memref<32x128xf32, #tpu.memory_space<vmem_shared>>)
        tpu.yield
      }) : () -> ()
      %add3A_562 = arith.constant 32 : i32
      %add3A_563 = arith.addi %mul3A_559, %add3A_562 : i32
      "tpu.region"() ({
        %run_scoped3A_600 = tpu.sem_alloc : memref<!tpu.dma_semaphore, #tpu.memory_space<semaphore_mem>>
        %dma_start3A_601 = arith.constant 0 : i32
        %dma_start3A_602 = tpu.memref_slice %arg30[%add3A_563, %dma_start3A_601] : memref<10240x128xf32, #tpu.memory_space<vmem_shared>> -> memref<32x128xf32, #tpu.memory_space<vmem_shared>>
        %dma_start3A_603 = arith.constant 0 : i32
        %dma_start3A_604 = tpu.memref_slice %arg30[%add3A_563, %dma_start3A_603] : memref<10240x128xf32, #tpu.memory_space<vmem_shared>> -> memref<32x128xf32, #tpu.memory_space<vmem_shared>>
        tpu.enqueue_dma source(%arg22 : memref<32x128xf32, #tpu.memory_space<vmem>>) target(%dma_start3A_604 : memref<32x128xf32, #tpu.memory_space<vmem_shared>>) target_semaphore(%run_scoped3A_600 : memref<!tpu.dma_semaphore, #tpu.memory_space<semaphore_mem>>)
        %dma_wait3A_605 = arith.constant 0 : i32
        %dma_wait3A_606 = tpu.memref_slice %arg30[%add3A_563, %dma_wait3A_605] : memref<10240x128xf32, #tpu.memory_space<vmem_shared>> -> memref<32x128xf32, #tpu.memory_space<vmem_shared>>
        %dma_wait3A_607 = arith.constant 0 : i32
        %dma_wait3A_608 = tpu.memref_slice %arg30[%add3A_563, %dma_wait3A_607] : memref<10240x128xf32, #tpu.memory_space<vmem_shared>> -> memref<32x128xf32, #tpu.memory_space<vmem_shared>>
        tpu.wait_dma2 semaphore(%run_scoped3A_600 : memref<!tpu.dma_semaphore, #tpu.memory_space<semaphore_mem>>) src(%arg22 : memref<32x128xf32, #tpu.memory_space<vmem>>) dst(%dma_wait3A_608 : memref<32x128xf32, #tpu.memory_space<vmem_shared>>)
        tpu.yield
      }) : () -> ()
      %add3A_564 = arith.constant 64 : i32
      %add3A_565 = arith.addi %mul3A_559, %add3A_564 : i32
      "tpu.region"() ({
        %run_scoped3A_600 = tpu.sem_alloc : memref<!tpu.dma_semaphore, #tpu.memory_space<semaphore_mem>>
        %dma_start3A_601 = arith.constant 0 : i32
        %dma_start3A_602 = tpu.memref_slice %arg30[%add3A_565, %dma_start3A_601] : memref<10240x128xf32, #tpu.memory_space<vmem_shared>> -> memref<32x128xf32, #tpu.memory_space<vmem_shared>>
        %dma_start3A_603 = arith.constant 0 : i32
        %dma_start3A_604 = tpu.memref_slice %arg30[%add3A_565, %dma_start3A_603] : memref<10240x128xf32, #tpu.memory_space<vmem_shared>> -> memref<32x128xf32, #tpu.memory_space<vmem_shared>>
        tpu.enqueue_dma source(%arg22 : memref<32x128xf32, #tpu.memory_space<vmem>>) target(%dma_start3A_604 : memref<32x128xf32, #tpu.memory_space<vmem_shared>>) target_semaphore(%run_scoped3A_600 : memref<!tpu.dma_semaphore, #tpu.memory_space<semaphore_mem>>)
        %dma_wait3A_605 = arith.constant 0 : i32
        %dma_wait3A_606 = tpu.memref_slice %arg30[%add3A_565, %dma_wait3A_605] : memref<10240x128xf32, #tpu.memory_space<vmem_shared>> -> memref<32x128xf32, #tpu.memory_space<vmem_shared>>
        %dma_wait3A_607 = arith.constant 0 : i32
        %dma_wait3A_608 = tpu.memref_slice %arg30[%add3A_565, %dma_wait3A_607] : memref<10240x128xf32, #tpu.memory_space<vmem_shared>> -> memref<32x128xf32, #tpu.memory_space<vmem_shared>>
        tpu.wait_dma2 semaphore(%run_scoped3A_600 : memref<!tpu.dma_semaphore, #tpu.memory_space<semaphore_mem>>) src(%arg22 : memref<32x128xf32, #tpu.memory_space<vmem>>) dst(%dma_wait3A_608 : memref<32x128xf32, #tpu.memory_space<vmem_shared>>)
        tpu.yield
      }) : () -> ()
      %add3A_566 = arith.constant 96 : i32
      %add3A_567 = arith.addi %mul3A_559, %add3A_566 : i32
      "tpu.region"() ({
        %run_scoped3A_600 = tpu.sem_alloc : memref<!tpu.dma_semaphore, #tpu.memory_space<semaphore_mem>>
        %dma_start3A_601 = arith.constant 0 : i32
        %dma_start3A_602 = tpu.memref_slice %arg30[%add3A_567, %dma_start3A_601] : memref<10240x128xf32, #tpu.memory_space<vmem_shared>> -> memref<32x128xf32, #tpu.memory_space<vmem_shared>>
        %dma_start3A_603 = arith.constant 0 : i32
        %dma_start3A_604 = tpu.memref_slice %arg30[%add3A_567, %dma_start3A_603] : memref<10240x128xf32, #tpu.memory_space<vmem_shared>> -> memref<32x128xf32, #tpu.memory_space<vmem_shared>>
        tpu.enqueue_dma source(%arg22 : memref<32x128xf32, #tpu.memory_space<vmem>>) target(%dma_start3A_604 : memref<32x128xf32, #tpu.memory_space<vmem_shared>>) target_semaphore(%run_scoped3A_600 : memref<!tpu.dma_semaphore, #tpu.memory_space<semaphore_mem>>)
        %dma_wait3A_605 = arith.constant 0 : i32
        %dma_wait3A_606 = tpu.memref_slice %arg30[%add3A_567, %dma_wait3A_605] : memref<10240x128xf32, #tpu.memory_space<vmem_shared>> -> memref<32x128xf32, #tpu.memory_space<vmem_shared>>
        %dma_wait3A_607 = arith.constant 0 : i32
        %dma_wait3A_608 = tpu.memref_slice %arg30[%add3A_567, %dma_wait3A_607] : memref<10240x128xf32, #tpu.memory_space<vmem_shared>> -> memref<32x128xf32, #tpu.memory_space<vmem_shared>>
        tpu.wait_dma2 semaphore(%run_scoped3A_600 : memref<!tpu.dma_semaphore, #tpu.memory_space<semaphore_mem>>) src(%arg22 : memref<32x128xf32, #tpu.memory_space<vmem>>) dst(%dma_wait3A_608 : memref<32x128xf32, #tpu.memory_space<vmem_shared>>)
        tpu.yield
      }) : () -> ()
      %add3A_568 = arith.constant 128 : i32
      %add3A_569 = arith.addi %mul3A_559, %add3A_568 : i32
      "tpu.region"() ({
        %run_scoped3A_600 = tpu.sem_alloc : memref<!tpu.dma_semaphore, #tpu.memory_space<semaphore_mem>>
        %dma_start3A_601 = arith.constant 0 : i32
        %dma_start3A_602 = tpu.memref_slice %arg30[%add3A_569, %dma_start3A_601] : memref<10240x128xf32, #tpu.memory_space<vmem_shared>> -> memref<32x128xf32, #tpu.memory_space<vmem_shared>>
        %dma_start3A_603 = arith.constant 0 : i32
        %dma_start3A_604 = tpu.memref_slice %arg30[%add3A_569, %dma_start3A_603] : memref<10240x128xf32, #tpu.memory_space<vmem_shared>> -> memref<32x128xf32, #tpu.memory_space<vmem_shared>>
        tpu.enqueue_dma source(%arg22 : memref<32x128xf32, #tpu.memory_space<vmem>>) target(%dma_start3A_604 : memref<32x128xf32, #tpu.memory_space<vmem_shared>>) target_semaphore(%run_scoped3A_600 : memref<!tpu.dma_semaphore, #tpu.memory_space<semaphore_mem>>)
        %dma_wait3A_605 = arith.constant 0 : i32
        %dma_wait3A_606 = tpu.memref_slice %arg30[%add3A_569, %dma_wait3A_605] : memref<10240x128xf32, #tpu.memory_space<vmem_shared>> -> memref<32x128xf32, #tpu.memory_space<vmem_shared>>
        %dma_wait3A_607 = arith.constant 0 : i32
        %dma_wait3A_608 = tpu.memref_slice %arg30[%add3A_569, %dma_wait3A_607] : memref<10240x128xf32, #tpu.memory_space<vmem_shared>> -> memref<32x128xf32, #tpu.memory_space<vmem_shared>>
        tpu.wait_dma2 semaphore(%run_scoped3A_600 : memref<!tpu.dma_semaphore, #tpu.memory_space<semaphore_mem>>) src(%arg22 : memref<32x128xf32, #tpu.memory_space<vmem>>) dst(%dma_wait3A_608 : memref<32x128xf32, #tpu.memory_space<vmem_shared>>)
        tpu.yield
      }) : () -> ()
      %add3A_570 = arith.constant 160 : i32
      %add3A_571 = arith.addi %mul3A_559, %add3A_570 : i32
      "tpu.region"() ({
        %run_scoped3A_600 = tpu.sem_alloc : memref<!tpu.dma_semaphore, #tpu.memory_space<semaphore_mem>>
        %dma_start3A_601 = arith.constant 0 : i32
        %dma_start3A_602 = tpu.memref_slice %arg30[%add3A_571, %dma_start3A_601] : memref<10240x128xf32, #tpu.memory_space<vmem_shared>> -> memref<32x128xf32, #tpu.memory_space<vmem_shared>>
        %dma_start3A_603 = arith.constant 0 : i32
        %dma_start3A_604 = tpu.memref_slice %arg30[%add3A_571, %dma_start3A_603] : memref<10240x128xf32, #tpu.memory_space<vmem_shared>> -> memref<32x128xf32, #tpu.memory_space<vmem_shared>>
        tpu.enqueue_dma source(%arg22 : memref<32x128xf32, #tpu.memory_space<vmem>>) target(%dma_start3A_604 : memref<32x128xf32, #tpu.memory_space<vmem_shared>>) target_semaphore(%run_scoped3A_600 : memref<!tpu.dma_semaphore, #tpu.memory_space<semaphore_mem>>)
        %dma_wait3A_605 = arith.constant 0 : i32
        %dma_wait3A_606 = tpu.memref_slice %arg30[%add3A_571, %dma_wait3A_605] : memref<10240x128xf32, #tpu.memory_space<vmem_shared>> -> memref<32x128xf32, #tpu.memory_space<vmem_shared>>
        %dma_wait3A_607 = arith.constant 0 : i32
        %dma_wait3A_608 = tpu.memref_slice %arg30[%add3A_571, %dma_wait3A_607] : memref<10240x128xf32, #tpu.memory_space<vmem_shared>> -> memref<32x128xf32, #tpu.memory_space<vmem_shared>>
        tpu.wait_dma2 semaphore(%run_scoped3A_600 : memref<!tpu.dma_semaphore, #tpu.memory_space<semaphore_mem>>) src(%arg22 : memref<32x128xf32, #tpu.memory_space<vmem>>) dst(%dma_wait3A_608 : memref<32x128xf32, #tpu.memory_space<vmem_shared>>)
        tpu.yield
      }) : () -> ()
      %add3A_572 = arith.constant 192 : i32
      %add3A_573 = arith.addi %mul3A_559, %add3A_572 : i32
      "tpu.region"() ({
        %run_scoped3A_600 = tpu.sem_alloc : memref<!tpu.dma_semaphore, #tpu.memory_space<semaphore_mem>>
        %dma_start3A_601 = arith.constant 0 : i32
        %dma_start3A_602 = tpu.memref_slice %arg30[%add3A_573, %dma_start3A_601] : memref<10240x128xf32, #tpu.memory_space<vmem_shared>> -> memref<32x128xf32, #tpu.memory_space<vmem_shared>>
        %dma_start3A_603 = arith.constant 0 : i32
        %dma_start3A_604 = tpu.memref_slice %arg30[%add3A_573, %dma_start3A_603] : memref<10240x128xf32, #tpu.memory_space<vmem_shared>> -> memref<32x128xf32, #tpu.memory_space<vmem_shared>>
        tpu.enqueue_dma source(%arg22 : memref<32x128xf32, #tpu.memory_space<vmem>>) target(%dma_start3A_604 : memref<32x128xf32, #tpu.memory_space<vmem_shared>>) target_semaphore(%run_scoped3A_600 : memref<!tpu.dma_semaphore, #tpu.memory_space<semaphore_mem>>)
        %dma_wait3A_605 = arith.constant 0 : i32
        %dma_wait3A_606 = tpu.memref_slice %arg30[%add3A_573, %dma_wait3A_605] : memref<10240x128xf32, #tpu.memory_space<vmem_shared>> -> memref<32x128xf32, #tpu.memory_space<vmem_shared>>
        %dma_wait3A_607 = arith.constant 0 : i32
        %dma_wait3A_608 = tpu.memref_slice %arg30[%add3A_573, %dma_wait3A_607] : memref<10240x128xf32, #tpu.memory_space<vmem_shared>> -> memref<32x128xf32, #tpu.memory_space<vmem_shared>>
        tpu.wait_dma2 semaphore(%run_scoped3A_600 : memref<!tpu.dma_semaphore, #tpu.memory_space<semaphore_mem>>) src(%arg22 : memref<32x128xf32, #tpu.memory_space<vmem>>) dst(%dma_wait3A_608 : memref<32x128xf32, #tpu.memory_space<vmem_shared>>)
        tpu.yield
      }) : () -> ()
      %add3A_574 = arith.constant 224 : i32
      %add3A_575 = arith.addi %mul3A_559, %add3A_574 : i32
      "tpu.region"() ({
        %run_scoped3A_600 = tpu.sem_alloc : memref<!tpu.dma_semaphore, #tpu.memory_space<semaphore_mem>>
        %dma_start3A_601 = arith.constant 0 : i32
        %dma_start3A_602 = tpu.memref_slice %arg30[%add3A_575, %dma_start3A_601] : memref<10240x128xf32, #tpu.memory_space<vmem_shared>> -> memref<32x128xf32, #tpu.memory_space<vmem_shared>>
        %dma_start3A_603 = arith.constant 0 : i32
        %dma_start3A_604 = tpu.memref_slice %arg30[%add3A_575, %dma_start3A_603] : memref<10240x128xf32, #tpu.memory_space<vmem_shared>> -> memref<32x128xf32, #tpu.memory_space<vmem_shared>>
        tpu.enqueue_dma source(%arg22 : memref<32x128xf32, #tpu.memory_space<vmem>>) target(%dma_start3A_604 : memref<32x128xf32, #tpu.memory_space<vmem_shared>>) target_semaphore(%run_scoped3A_600 : memref<!tpu.dma_semaphore, #tpu.memory_space<semaphore_mem>>)
        %dma_wait3A_605 = arith.constant 0 : i32
        %dma_wait3A_606 = tpu.memref_slice %arg30[%add3A_575, %dma_wait3A_605] : memref<10240x128xf32, #tpu.memory_space<vmem_shared>> -> memref<32x128xf32, #tpu.memory_space<vmem_shared>>
        %dma_wait3A_607 = arith.constant 0 : i32
        %dma_wait3A_608 = tpu.memref_slice %arg30[%add3A_575, %dma_wait3A_607] : memref<10240x128xf32, #tpu.memory_space<vmem_shared>> -> memref<32x128xf32, #tpu.memory_space<vmem_shared>>
        tpu.wait_dma2 semaphore(%run_scoped3A_600 : memref<!tpu.dma_semaphore, #tpu.memory_space<semaphore_mem>>) src(%arg22 : memref<32x128xf32, #tpu.memory_space<vmem>>) dst(%dma_wait3A_608 : memref<32x128xf32, #tpu.memory_space<vmem_shared>>)
        tpu.yield
      }) : () -> ()
      %add3A_576 = arith.constant 256 : i32
      %add3A_577 = arith.addi %mul3A_559, %add3A_576 : i32
      "tpu.region"() ({
        %run_scoped3A_600 = tpu.sem_alloc : memref<!tpu.dma_semaphore, #tpu.memory_space<semaphore_mem>>
        %dma_start3A_601 = arith.constant 0 : i32
        %dma_start3A_602 = tpu.memref_slice %arg30[%add3A_577, %dma_start3A_601] : memref<10240x128xf32, #tpu.memory_space<vmem_shared>> -> memref<32x128xf32, #tpu.memory_space<vmem_shared>>
        %dma_start3A_603 = arith.constant 0 : i32
        %dma_start3A_604 = tpu.memref_slice %arg30[%add3A_577, %dma_start3A_603] : memref<10240x128xf32, #tpu.memory_space<vmem_shared>> -> memref<32x128xf32, #tpu.memory_space<vmem_shared>>
        tpu.enqueue_dma source(%arg22 : memref<32x128xf32, #tpu.memory_space<vmem>>) target(%dma_start3A_604 : memref<32x128xf32, #tpu.memory_space<vmem_shared>>) target_semaphore(%run_scoped3A_600 : memref<!tpu.dma_semaphore, #tpu.memory_space<semaphore_mem>>)
        %dma_wait3A_605 = arith.constant 0 : i32
        %dma_wait3A_606 = tpu.memref_slice %arg30[%add3A_577, %dma_wait3A_605] : memref<10240x128xf32, #tpu.memory_space<vmem_shared>> -> memref<32x128xf32, #tpu.memory_space<vmem_shared>>
        %dma_wait3A_607 = arith.constant 0 : i32
        %dma_wait3A_608 = tpu.memref_slice %arg30[%add3A_577, %dma_wait3A_607] : memref<10240x128xf32, #tpu.memory_space<vmem_shared>> -> memref<32x128xf32, #tpu.memory_space<vmem_shared>>
        tpu.wait_dma2 semaphore(%run_scoped3A_600 : memref<!tpu.dma_semaphore, #tpu.memory_space<semaphore_mem>>) src(%arg22 : memref<32x128xf32, #tpu.memory_space<vmem>>) dst(%dma_wait3A_608 : memref<32x128xf32, #tpu.memory_space<vmem_shared>>)
        tpu.yield
      }) : () -> ()
      %add3A_578 = arith.constant 288 : i32
      %add3A_579 = arith.addi %mul3A_559, %add3A_578 : i32
      "tpu.region"() ({
        %run_scoped3A_600 = tpu.sem_alloc : memref<!tpu.dma_semaphore, #tpu.memory_space<semaphore_mem>>
        %dma_start3A_601 = arith.constant 0 : i32
        %dma_start3A_602 = tpu.memref_slice %arg30[%add3A_579, %dma_start3A_601] : memref<10240x128xf32, #tpu.memory_space<vmem_shared>> -> memref<32x128xf32, #tpu.memory_space<vmem_shared>>
        %dma_start3A_603 = arith.constant 0 : i32
        %dma_start3A_604 = tpu.memref_slice %arg30[%add3A_579, %dma_start3A_603] : memref<10240x128xf32, #tpu.memory_space<vmem_shared>> -> memref<32x128xf32, #tpu.memory_space<vmem_shared>>
        tpu.enqueue_dma source(%arg22 : memref<32x128xf32, #tpu.memory_space<vmem>>) target(%dma_start3A_604 : memref<32x128xf32, #tpu.memory_space<vmem_shared>>) target_semaphore(%run_scoped3A_600 : memref<!tpu.dma_semaphore, #tpu.memory_space<semaphore_mem>>)
        %dma_wait3A_605 = arith.constant 0 : i32
        %dma_wait3A_606 = tpu.memref_slice %arg30[%add3A_579, %dma_wait3A_605] : memref<10240x128xf32, #tpu.memory_space<vmem_shared>> -> memref<32x128xf32, #tpu.memory_space<vmem_shared>>
        %dma_wait3A_607 = arith.constant 0 : i32
        %dma_wait3A_608 = tpu.memref_slice %arg30[%add3A_579, %dma_wait3A_607] : memref<10240x128xf32, #tpu.memory_space<vmem_shared>> -> memref<32x128xf32, #tpu.memory_space<vmem_shared>>
        tpu.wait_dma2 semaphore(%run_scoped3A_600 : memref<!tpu.dma_semaphore, #tpu.memory_space<semaphore_mem>>) src(%arg22 : memref<32x128xf32, #tpu.memory_space<vmem>>) dst(%dma_wait3A_608 : memref<32x128xf32, #tpu.memory_space<vmem_shared>>)
        tpu.yield
      }) : () -> ()
      %add3A_580 = arith.constant 320 : i32
      %add3A_581 = arith.addi %mul3A_559, %add3A_580 : i32
      "tpu.region"() ({
        %run_scoped3A_600 = tpu.sem_alloc : memref<!tpu.dma_semaphore, #tpu.memory_space<semaphore_mem>>
        %dma_start3A_601 = arith.constant 0 : i32
        %dma_start3A_602 = tpu.memref_slice %arg30[%add3A_581, %dma_start3A_601] : memref<10240x128xf32, #tpu.memory_space<vmem_shared>> -> memref<32x128xf32, #tpu.memory_space<vmem_shared>>
        %dma_start3A_603 = arith.constant 0 : i32
        %dma_start3A_604 = tpu.memref_slice %arg30[%add3A_581, %dma_start3A_603] : memref<10240x128xf32, #tpu.memory_space<vmem_shared>> -> memref<32x128xf32, #tpu.memory_space<vmem_shared>>
        tpu.enqueue_dma source(%arg22 : memref<32x128xf32, #tpu.memory_space<vmem>>) target(%dma_start3A_604 : memref<32x128xf32, #tpu.memory_space<vmem_shared>>) target_semaphore(%run_scoped3A_600 : memref<!tpu.dma_semaphore, #tpu.memory_space<semaphore_mem>>)
        %dma_wait3A_605 = arith.constant 0 : i32
        %dma_wait3A_606 = tpu.memref_slice %arg30[%add3A_581, %dma_wait3A_605] : memref<10240x128xf32, #tpu.memory_space<vmem_shared>> -> memref<32x128xf32, #tpu.memory_space<vmem_shared>>
        %dma_wait3A_607 = arith.constant 0 : i32
        %dma_wait3A_608 = tpu.memref_slice %arg30[%add3A_581, %dma_wait3A_607] : memref<10240x128xf32, #tpu.memory_space<vmem_shared>> -> memref<32x128xf32, #tpu.memory_space<vmem_shared>>
        tpu.wait_dma2 semaphore(%run_scoped3A_600 : memref<!tpu.dma_semaphore, #tpu.memory_space<semaphore_mem>>) src(%arg22 : memref<32x128xf32, #tpu.memory_space<vmem>>) dst(%dma_wait3A_608 : memref<32x128xf32, #tpu.memory_space<vmem_shared>>)
        tpu.yield
      }) : () -> ()
      %add3A_582 = arith.constant 352 : i32
      %add3A_583 = arith.addi %mul3A_559, %add3A_582 : i32
      "tpu.region"() ({
        %run_scoped3A_600 = tpu.sem_alloc : memref<!tpu.dma_semaphore, #tpu.memory_space<semaphore_mem>>
        %dma_start3A_601 = arith.constant 0 : i32
        %dma_start3A_602 = tpu.memref_slice %arg30[%add3A_583, %dma_start3A_601] : memref<10240x128xf32, #tpu.memory_space<vmem_shared>> -> memref<32x128xf32, #tpu.memory_space<vmem_shared>>
        %dma_start3A_603 = arith.constant 0 : i32
        %dma_start3A_604 = tpu.memref_slice %arg30[%add3A_583, %dma_start3A_603] : memref<10240x128xf32, #tpu.memory_space<vmem_shared>> -> memref<32x128xf32, #tpu.memory_space<vmem_shared>>
        tpu.enqueue_dma source(%arg22 : memref<32x128xf32, #tpu.memory_space<vmem>>) target(%dma_start3A_604 : memref<32x128xf32, #tpu.memory_space<vmem_shared>>) target_semaphore(%run_scoped3A_600 : memref<!tpu.dma_semaphore, #tpu.memory_space<semaphore_mem>>)
        %dma_wait3A_605 = arith.constant 0 : i32
        %dma_wait3A_606 = tpu.memref_slice %arg30[%add3A_583, %dma_wait3A_605] : memref<10240x128xf32, #tpu.memory_space<vmem_shared>> -> memref<32x128xf32, #tpu.memory_space<vmem_shared>>
        %dma_wait3A_607 = arith.constant 0 : i32
        %dma_wait3A_608 = tpu.memref_slice %arg30[%add3A_583, %dma_wait3A_607] : memref<10240x128xf32, #tpu.memory_space<vmem_shared>> -> memref<32x128xf32, #tpu.memory_space<vmem_shared>>
        tpu.wait_dma2 semaphore(%run_scoped3A_600 : memref<!tpu.dma_semaphore, #tpu.memory_space<semaphore_mem>>) src(%arg22 : memref<32x128xf32, #tpu.memory_space<vmem>>) dst(%dma_wait3A_608 : memref<32x128xf32, #tpu.memory_space<vmem_shared>>)
        tpu.yield
      }) : () -> ()
      %add3A_584 = arith.constant 384 : i32
      %add3A_585 = arith.addi %mul3A_559, %add3A_584 : i32
      "tpu.region"() ({
        %run_scoped3A_600 = tpu.sem_alloc : memref<!tpu.dma_semaphore, #tpu.memory_space<semaphore_mem>>
        %dma_start3A_601 = arith.constant 0 : i32
        %dma_start3A_602 = tpu.memref_slice %arg30[%add3A_585, %dma_start3A_601] : memref<10240x128xf32, #tpu.memory_space<vmem_shared>> -> memref<32x128xf32, #tpu.memory_space<vmem_shared>>
        %dma_start3A_603 = arith.constant 0 : i32
        %dma_start3A_604 = tpu.memref_slice %arg30[%add3A_585, %dma_start3A_603] : memref<10240x128xf32, #tpu.memory_space<vmem_shared>> -> memref<32x128xf32, #tpu.memory_space<vmem_shared>>
        tpu.enqueue_dma source(%arg22 : memref<32x128xf32, #tpu.memory_space<vmem>>) target(%dma_start3A_604 : memref<32x128xf32, #tpu.memory_space<vmem_shared>>) target_semaphore(%run_scoped3A_600 : memref<!tpu.dma_semaphore, #tpu.memory_space<semaphore_mem>>)
        %dma_wait3A_605 = arith.constant 0 : i32
        %dma_wait3A_606 = tpu.memref_slice %arg30[%add3A_585, %dma_wait3A_605] : memref<10240x128xf32, #tpu.memory_space<vmem_shared>> -> memref<32x128xf32, #tpu.memory_space<vmem_shared>>
        %dma_wait3A_607 = arith.constant 0 : i32
        %dma_wait3A_608 = tpu.memref_slice %arg30[%add3A_585, %dma_wait3A_607] : memref<10240x128xf32, #tpu.memory_space<vmem_shared>> -> memref<32x128xf32, #tpu.memory_space<vmem_shared>>
        tpu.wait_dma2 semaphore(%run_scoped3A_600 : memref<!tpu.dma_semaphore, #tpu.memory_space<semaphore_mem>>) src(%arg22 : memref<32x128xf32, #tpu.memory_space<vmem>>) dst(%dma_wait3A_608 : memref<32x128xf32, #tpu.memory_space<vmem_shared>>)
        tpu.yield
      }) : () -> ()
      %add3A_586 = arith.constant 416 : i32
      %add3A_587 = arith.addi %mul3A_559, %add3A_586 : i32
      "tpu.region"() ({
        %run_scoped3A_600 = tpu.sem_alloc : memref<!tpu.dma_semaphore, #tpu.memory_space<semaphore_mem>>
        %dma_start3A_601 = arith.constant 0 : i32
        %dma_start3A_602 = tpu.memref_slice %arg30[%add3A_587, %dma_start3A_601] : memref<10240x128xf32, #tpu.memory_space<vmem_shared>> -> memref<32x128xf32, #tpu.memory_space<vmem_shared>>
        %dma_start3A_603 = arith.constant 0 : i32
        %dma_start3A_604 = tpu.memref_slice %arg30[%add3A_587, %dma_start3A_603] : memref<10240x128xf32, #tpu.memory_space<vmem_shared>> -> memref<32x128xf32, #tpu.memory_space<vmem_shared>>
        tpu.enqueue_dma source(%arg22 : memref<32x128xf32, #tpu.memory_space<vmem>>) target(%dma_start3A_604 : memref<32x128xf32, #tpu.memory_space<vmem_shared>>) target_semaphore(%run_scoped3A_600 : memref<!tpu.dma_semaphore, #tpu.memory_space<semaphore_mem>>)
        %dma_wait3A_605 = arith.constant 0 : i32
        %dma_wait3A_606 = tpu.memref_slice %arg30[%add3A_587, %dma_wait3A_605] : memref<10240x128xf32, #tpu.memory_space<vmem_shared>> -> memref<32x128xf32, #tpu.memory_space<vmem_shared>>
        %dma_wait3A_607 = arith.constant 0 : i32
        %dma_wait3A_608 = tpu.memref_slice %arg30[%add3A_587, %dma_wait3A_607] : memref<10240x128xf32, #tpu.memory_space<vmem_shared>> -> memref<32x128xf32, #tpu.memory_space<vmem_shared>>
        tpu.wait_dma2 semaphore(%run_scoped3A_600 : memref<!tpu.dma_semaphore, #tpu.memory_space<semaphore_mem>>) src(%arg22 : memref<32x128xf32, #tpu.memory_space<vmem>>) dst(%dma_wait3A_608 : memref<32x128xf32, #tpu.memory_space<vmem_shared>>)
        tpu.yield
      }) : () -> ()
      %add3A_588 = arith.constant 448 : i32
      %add3A_589 = arith.addi %mul3A_559, %add3A_588 : i32
      "tpu.region"() ({
        %run_scoped3A_600 = tpu.sem_alloc : memref<!tpu.dma_semaphore, #tpu.memory_space<semaphore_mem>>
        %dma_start3A_601 = arith.constant 0 : i32
        %dma_start3A_602 = tpu.memref_slice %arg30[%add3A_589, %dma_start3A_601] : memref<10240x128xf32, #tpu.memory_space<vmem_shared>> -> memref<32x128xf32, #tpu.memory_space<vmem_shared>>
        %dma_start3A_603 = arith.constant 0 : i32
        %dma_start3A_604 = tpu.memref_slice %arg30[%add3A_589, %dma_start3A_603] : memref<10240x128xf32, #tpu.memory_space<vmem_shared>> -> memref<32x128xf32, #tpu.memory_space<vmem_shared>>
        tpu.enqueue_dma source(%arg22 : memref<32x128xf32, #tpu.memory_space<vmem>>) target(%dma_start3A_604 : memref<32x128xf32, #tpu.memory_space<vmem_shared>>) target_semaphore(%run_scoped3A_600 : memref<!tpu.dma_semaphore, #tpu.memory_space<semaphore_mem>>)
        %dma_wait3A_605 = arith.constant 0 : i32
        %dma_wait3A_606 = tpu.memref_slice %arg30[%add3A_589, %dma_wait3A_605] : memref<10240x128xf32, #tpu.memory_space<vmem_shared>> -> memref<32x128xf32, #tpu.memory_space<vmem_shared>>
        %dma_wait3A_607 = arith.constant 0 : i32
        %dma_wait3A_608 = tpu.memref_slice %arg30[%add3A_589, %dma_wait3A_607] : memref<10240x128xf32, #tpu.memory_space<vmem_shared>> -> memref<32x128xf32, #tpu.memory_space<vmem_shared>>
        tpu.wait_dma2 semaphore(%run_scoped3A_600 : memref<!tpu.dma_semaphore, #tpu.memory_space<semaphore_mem>>) src(%arg22 : memref<32x128xf32, #tpu.memory_space<vmem>>) dst(%dma_wait3A_608 : memref<32x128xf32, #tpu.memory_space<vmem_shared>>)
        tpu.yield
      }) : () -> ()
      %add3A_590 = arith.constant 480 : i32
      %add3A_591 = arith.addi %mul3A_559, %add3A_590 : i32
      "tpu.region"() ({
        %run_scoped3A_600 = tpu.sem_alloc : memref<!tpu.dma_semaphore, #tpu.memory_space<semaphore_mem>>
        %dma_start3A_601 = arith.constant 0 : i32
        %dma_start3A_602 = tpu.memref_slice %arg30[%add3A_591, %dma_start3A_601] : memref<10240x128xf32, #tpu.memory_space<vmem_shared>> -> memref<32x128xf32, #tpu.memory_space<vmem_shared>>
        %dma_start3A_603 = arith.constant 0 : i32
        %dma_start3A_604 = tpu.memref_slice %arg30[%add3A_591, %dma_start3A_603] : memref<10240x128xf32, #tpu.memory_space<vmem_shared>> -> memref<32x128xf32, #tpu.memory_space<vmem_shared>>
        tpu.enqueue_dma source(%arg22 : memref<32x128xf32, #tpu.memory_space<vmem>>) target(%dma_start3A_604 : memref<32x128xf32, #tpu.memory_space<vmem_shared>>) target_semaphore(%run_scoped3A_600 : memref<!tpu.dma_semaphore, #tpu.memory_space<semaphore_mem>>)
        %dma_wait3A_605 = arith.constant 0 : i32
        %dma_wait3A_606 = tpu.memref_slice %arg30[%add3A_591, %dma_wait3A_605] : memref<10240x128xf32, #tpu.memory_space<vmem_shared>> -> memref<32x128xf32, #tpu.memory_space<vmem_shared>>
        %dma_wait3A_607 = arith.constant 0 : i32
        %dma_wait3A_608 = tpu.memref_slice %arg30[%add3A_591, %dma_wait3A_607] : memref<10240x128xf32, #tpu.memory_space<vmem_shared>> -> memref<32x128xf32, #tpu.memory_space<vmem_shared>>
        tpu.wait_dma2 semaphore(%run_scoped3A_600 : memref<!tpu.dma_semaphore, #tpu.memory_space<semaphore_mem>>) src(%arg22 : memref<32x128xf32, #tpu.memory_space<vmem>>) dst(%dma_wait3A_608 : memref<32x128xf32, #tpu.memory_space<vmem_shared>>)
        tpu.yield
      }) : () -> ()
      %add3A_592 = arith.constant 512 : i32
      %add3A_593 = arith.addi %mul3A_559, %add3A_592 : i32
      "tpu.region"() ({
        %run_scoped3A_600 = tpu.sem_alloc : memref<!tpu.dma_semaphore, #tpu.memory_space<semaphore_mem>>
        %dma_start3A_601 = arith.constant 0 : i32
        %dma_start3A_602 = tpu.memref_slice %arg30[%add3A_593, %dma_start3A_601] : memref<10240x128xf32, #tpu.memory_space<vmem_shared>> -> memref<32x128xf32, #tpu.memory_space<vmem_shared>>
        %dma_start3A_603 = arith.constant 0 : i32
        %dma_start3A_604 = tpu.memref_slice %arg30[%add3A_593, %dma_start3A_603] : memref<10240x128xf32, #tpu.memory_space<vmem_shared>> -> memref<32x128xf32, #tpu.memory_space<vmem_shared>>
        tpu.enqueue_dma source(%arg22 : memref<32x128xf32, #tpu.memory_space<vmem>>) target(%dma_start3A_604 : memref<32x128xf32, #tpu.memory_space<vmem_shared>>) target_semaphore(%run_scoped3A_600 : memref<!tpu.dma_semaphore, #tpu.memory_space<semaphore_mem>>)
        %dma_wait3A_605 = arith.constant 0 : i32
        %dma_wait3A_606 = tpu.memref_slice %arg30[%add3A_593, %dma_wait3A_605] : memref<10240x128xf32, #tpu.memory_space<vmem_shared>> -> memref<32x128xf32, #tpu.memory_space<vmem_shared>>
        %dma_wait3A_607 = arith.constant 0 : i32
        %dma_wait3A_608 = tpu.memref_slice %arg30[%add3A_593, %dma_wait3A_607] : memref<10240x128xf32, #tpu.memory_space<vmem_shared>> -> memref<32x128xf32, #tpu.memory_space<vmem_shared>>
        tpu.wait_dma2 semaphore(%run_scoped3A_600 : memref<!tpu.dma_semaphore, #tpu.memory_space<semaphore_mem>>) src(%arg22 : memref<32x128xf32, #tpu.memory_space<vmem>>) dst(%dma_wait3A_608 : memref<32x128xf32, #tpu.memory_space<vmem_shared>>)
        tpu.yield
      }) : () -> ()
      %add3A_594 = arith.constant 544 : i32
      %add3A_595 = arith.addi %mul3A_559, %add3A_594 : i32
      "tpu.region"() ({
        %run_scoped3A_600 = tpu.sem_alloc : memref<!tpu.dma_semaphore, #tpu.memory_space<semaphore_mem>>
        %dma_start3A_601 = arith.constant 0 : i32
        %dma_start3A_602 = tpu.memref_slice %arg30[%add3A_595, %dma_start3A_601] : memref<10240x128xf32, #tpu.memory_space<vmem_shared>> -> memref<32x128xf32, #tpu.memory_space<vmem_shared>>
        %dma_start3A_603 = arith.constant 0 : i32
        %dma_start3A_604 = tpu.memref_slice %arg30[%add3A_595, %dma_start3A_603] : memref<10240x128xf32, #tpu.memory_space<vmem_shared>> -> memref<32x128xf32, #tpu.memory_space<vmem_shared>>
        tpu.enqueue_dma source(%arg22 : memref<32x128xf32, #tpu.memory_space<vmem>>) target(%dma_start3A_604 : memref<32x128xf32, #tpu.memory_space<vmem_shared>>) target_semaphore(%run_scoped3A_600 : memref<!tpu.dma_semaphore, #tpu.memory_space<semaphore_mem>>)
        %dma_wait3A_605 = arith.constant 0 : i32
        %dma_wait3A_606 = tpu.memref_slice %arg30[%add3A_595, %dma_wait3A_605] : memref<10240x128xf32, #tpu.memory_space<vmem_shared>> -> memref<32x128xf32, #tpu.memory_space<vmem_shared>>
        %dma_wait3A_607 = arith.constant 0 : i32
        %dma_wait3A_608 = tpu.memref_slice %arg30[%add3A_595, %dma_wait3A_607] : memref<10240x128xf32, #tpu.memory_space<vmem_shared>> -> memref<32x128xf32, #tpu.memory_space<vmem_shared>>
        tpu.wait_dma2 semaphore(%run_scoped3A_600 : memref<!tpu.dma_semaphore, #tpu.memory_space<semaphore_mem>>) src(%arg22 : memref<32x128xf32, #tpu.memory_space<vmem>>) dst(%dma_wait3A_608 : memref<32x128xf32, #tpu.memory_space<vmem_shared>>)
        tpu.yield
      }) : () -> ()
      %add3A_596 = arith.constant 576 : i32
      %add3A_597 = arith.addi %mul3A_559, %add3A_596 : i32
      "tpu.region"() ({
        %run_scoped3A_600 = tpu.sem_alloc : memref<!tpu.dma_semaphore, #tpu.memory_space<semaphore_mem>>
        %dma_start3A_601 = arith.constant 0 : i32
        %dma_start3A_602 = tpu.memref_slice %arg30[%add3A_597, %dma_start3A_601] : memref<10240x128xf32, #tpu.memory_space<vmem_shared>> -> memref<32x128xf32, #tpu.memory_space<vmem_shared>>
        %dma_start3A_603 = arith.constant 0 : i32
        %dma_start3A_604 = tpu.memref_slice %arg30[%add3A_597, %dma_start3A_603] : memref<10240x128xf32, #tpu.memory_space<vmem_shared>> -> memref<32x128xf32, #tpu.memory_space<vmem_shared>>
        tpu.enqueue_dma source(%arg22 : memref<32x128xf32, #tpu.memory_space<vmem>>) target(%dma_start3A_604 : memref<32x128xf32, #tpu.memory_space<vmem_shared>>) target_semaphore(%run_scoped3A_600 : memref<!tpu.dma_semaphore, #tpu.memory_space<semaphore_mem>>)
        %dma_wait3A_605 = arith.constant 0 : i32
        %dma_wait3A_606 = tpu.memref_slice %arg30[%add3A_597, %dma_wait3A_605] : memref<10240x128xf32, #tpu.memory_space<vmem_shared>> -> memref<32x128xf32, #tpu.memory_space<vmem_shared>>
        %dma_wait3A_607 = arith.constant 0 : i32
        %dma_wait3A_608 = tpu.memref_slice %arg30[%add3A_597, %dma_wait3A_607] : memref<10240x128xf32, #tpu.memory_space<vmem_shared>> -> memref<32x128xf32, #tpu.memory_space<vmem_shared>>
        tpu.wait_dma2 semaphore(%run_scoped3A_600 : memref<!tpu.dma_semaphore, #tpu.memory_space<semaphore_mem>>) src(%arg22 : memref<32x128xf32, #tpu.memory_space<vmem>>) dst(%dma_wait3A_608 : memref<32x128xf32, #tpu.memory_space<vmem_shared>>)
        tpu.yield
      }) : () -> ()
      %add3A_598 = arith.constant 608 : i32
      %add3A_599 = arith.addi %mul3A_559, %add3A_598 : i32
      "tpu.region"() ({
        %run_scoped3A_600 = tpu.sem_alloc : memref<!tpu.dma_semaphore, #tpu.memory_space<semaphore_mem>>
        %dma_start3A_601 = arith.constant 0 : i32
        %dma_start3A_602 = tpu.memref_slice %arg30[%add3A_599, %dma_start3A_601] : memref<10240x128xf32, #tpu.memory_space<vmem_shared>> -> memref<32x128xf32, #tpu.memory_space<vmem_shared>>
        %dma_start3A_603 = arith.constant 0 : i32
        %dma_start3A_604 = tpu.memref_slice %arg30[%add3A_599, %dma_start3A_603] : memref<10240x128xf32, #tpu.memory_space<vmem_shared>> -> memref<32x128xf32, #tpu.memory_space<vmem_shared>>
        tpu.enqueue_dma source(%arg22 : memref<32x128xf32, #tpu.memory_space<vmem>>) target(%dma_start3A_604 : memref<32x128xf32, #tpu.memory_space<vmem_shared>>) target_semaphore(%run_scoped3A_600 : memref<!tpu.dma_semaphore, #tpu.memory_space<semaphore_mem>>)
        %dma_wait3A_605 = arith.constant 0 : i32
        %dma_wait3A_606 = tpu.memref_slice %arg30[%add3A_599, %dma_wait3A_605] : memref<10240x128xf32, #tpu.memory_space<vmem_shared>> -> memref<32x128xf32, #tpu.memory_space<vmem_shared>>
        %dma_wait3A_607 = arith.constant 0 : i32
        %dma_wait3A_608 = tpu.memref_slice %arg30[%add3A_599, %dma_wait3A_607] : memref<10240x128xf32, #tpu.memory_space<vmem_shared>> -> memref<32x128xf32, #tpu.memory_space<vmem_shared>>
        tpu.wait_dma2 semaphore(%run_scoped3A_600 : memref<!tpu.dma_semaphore, #tpu.memory_space<semaphore_mem>>) src(%arg22 : memref<32x128xf32, #tpu.memory_space<vmem>>) dst(%dma_wait3A_608 : memref<32x128xf32, #tpu.memory_space<vmem_shared>>)
        tpu.yield
      }) : () -> ()
    } else {
    }
    %eq3A = arith.constant 15 : i32
    %eq3A_9 = arith.cmpi eq, %arg1, %eq3A : i32
    %convert_element_type3A_10 = arith.extui %eq3A_9 : i1 to i32
    %cond3A_11 = arith.constant 0 : i32
    %cond3A_12 = arith.cmpi ne, %convert_element_type3A_10, %cond3A_11 : i32
    scf.if %cond3A_12 {
      %mul3A_558 = arith.constant 640 : i32
      %mul3A_559 = arith.muli %arg1, %mul3A_558 : i32
      %add3A_560 = arith.constant 0 : i32
      %add3A_561 = arith.addi %mul3A_559, %add3A_560 : i32
      "tpu.region"() ({
        %run_scoped3A_600 = tpu.sem_alloc : memref<!tpu.dma_semaphore, #tpu.memory_space<semaphore_mem>>
        %dma_start3A_601 = arith.constant 0 : i32
        %dma_start3A_602 = tpu.memref_slice %arg30[%add3A_561, %dma_start3A_601] : memref<10240x128xf32, #tpu.memory_space<vmem_shared>> -> memref<32x128xf32, #tpu.memory_space<vmem_shared>>
        %dma_start3A_603 = arith.constant 0 : i32
        %dma_start3A_604 = tpu.memref_slice %arg30[%add3A_561, %dma_start3A_603] : memref<10240x128xf32, #tpu.memory_space<vmem_shared>> -> memref<32x128xf32, #tpu.memory_space<vmem_shared>>
        tpu.enqueue_dma source(%arg22 : memref<32x128xf32, #tpu.memory_space<vmem>>) target(%dma_start3A_604 : memref<32x128xf32, #tpu.memory_space<vmem_shared>>) target_semaphore(%run_scoped3A_600 : memref<!tpu.dma_semaphore, #tpu.memory_space<semaphore_mem>>)
        %dma_wait3A_605 = arith.constant 0 : i32
        %dma_wait3A_606 = tpu.memref_slice %arg30[%add3A_561, %dma_wait3A_605] : memref<10240x128xf32, #tpu.memory_space<vmem_shared>> -> memref<32x128xf32, #tpu.memory_space<vmem_shared>>
        %dma_wait3A_607 = arith.constant 0 : i32
        %dma_wait3A_608 = tpu.memref_slice %arg30[%add3A_561, %dma_wait3A_607] : memref<10240x128xf32, #tpu.memory_space<vmem_shared>> -> memref<32x128xf32, #tpu.memory_space<vmem_shared>>
        tpu.wait_dma2 semaphore(%run_scoped3A_600 : memref<!tpu.dma_semaphore, #tpu.memory_space<semaphore_mem>>) src(%arg22 : memref<32x128xf32, #tpu.memory_space<vmem>>) dst(%dma_wait3A_608 : memref<32x128xf32, #tpu.memory_space<vmem_shared>>)
        tpu.yield
      }) : () -> ()
      %add3A_562 = arith.constant 32 : i32
      %add3A_563 = arith.addi %mul3A_559, %add3A_562 : i32
      "tpu.region"() ({
        %run_scoped3A_600 = tpu.sem_alloc : memref<!tpu.dma_semaphore, #tpu.memory_space<semaphore_mem>>
        %dma_start3A_601 = arith.constant 0 : i32
        %dma_start3A_602 = tpu.memref_slice %arg30[%add3A_563, %dma_start3A_601] : memref<10240x128xf32, #tpu.memory_space<vmem_shared>> -> memref<32x128xf32, #tpu.memory_space<vmem_shared>>
        %dma_start3A_603 = arith.constant 0 : i32
        %dma_start3A_604 = tpu.memref_slice %arg30[%add3A_563, %dma_start3A_603] : memref<10240x128xf32, #tpu.memory_space<vmem_shared>> -> memref<32x128xf32, #tpu.memory_space<vmem_shared>>
        tpu.enqueue_dma source(%arg22 : memref<32x128xf32, #tpu.memory_space<vmem>>) target(%dma_start3A_604 : memref<32x128xf32, #tpu.memory_space<vmem_shared>>) target_semaphore(%run_scoped3A_600 : memref<!tpu.dma_semaphore, #tpu.memory_space<semaphore_mem>>)
        %dma_wait3A_605 = arith.constant 0 : i32
        %dma_wait3A_606 = tpu.memref_slice %arg30[%add3A_563, %dma_wait3A_605] : memref<10240x128xf32, #tpu.memory_space<vmem_shared>> -> memref<32x128xf32, #tpu.memory_space<vmem_shared>>
        %dma_wait3A_607 = arith.constant 0 : i32
        %dma_wait3A_608 = tpu.memref_slice %arg30[%add3A_563, %dma_wait3A_607] : memref<10240x128xf32, #tpu.memory_space<vmem_shared>> -> memref<32x128xf32, #tpu.memory_space<vmem_shared>>
        tpu.wait_dma2 semaphore(%run_scoped3A_600 : memref<!tpu.dma_semaphore, #tpu.memory_space<semaphore_mem>>) src(%arg22 : memref<32x128xf32, #tpu.memory_space<vmem>>) dst(%dma_wait3A_608 : memref<32x128xf32, #tpu.memory_space<vmem_shared>>)
        tpu.yield
      }) : () -> ()
      %add3A_564 = arith.constant 64 : i32
      %add3A_565 = arith.addi %mul3A_559, %add3A_564 : i32
      "tpu.region"() ({
        %run_scoped3A_600 = tpu.sem_alloc : memref<!tpu.dma_semaphore, #tpu.memory_space<semaphore_mem>>
        %dma_start3A_601 = arith.constant 0 : i32
        %dma_start3A_602 = tpu.memref_slice %arg30[%add3A_565, %dma_start3A_601] : memref<10240x128xf32, #tpu.memory_space<vmem_shared>> -> memref<32x128xf32, #tpu.memory_space<vmem_shared>>
        %dma_start3A_603 = arith.constant 0 : i32
        %dma_start3A_604 = tpu.memref_slice %arg30[%add3A_565, %dma_start3A_603] : memref<10240x128xf32, #tpu.memory_space<vmem_shared>> -> memref<32x128xf32, #tpu.memory_space<vmem_shared>>
        tpu.enqueue_dma source(%arg22 : memref<32x128xf32, #tpu.memory_space<vmem>>) target(%dma_start3A_604 : memref<32x128xf32, #tpu.memory_space<vmem_shared>>) target_semaphore(%run_scoped3A_600 : memref<!tpu.dma_semaphore, #tpu.memory_space<semaphore_mem>>)
        %dma_wait3A_605 = arith.constant 0 : i32
        %dma_wait3A_606 = tpu.memref_slice %arg30[%add3A_565, %dma_wait3A_605] : memref<10240x128xf32, #tpu.memory_space<vmem_shared>> -> memref<32x128xf32, #tpu.memory_space<vmem_shared>>
        %dma_wait3A_607 = arith.constant 0 : i32
        %dma_wait3A_608 = tpu.memref_slice %arg30[%add3A_565, %dma_wait3A_607] : memref<10240x128xf32, #tpu.memory_space<vmem_shared>> -> memref<32x128xf32, #tpu.memory_space<vmem_shared>>
        tpu.wait_dma2 semaphore(%run_scoped3A_600 : memref<!tpu.dma_semaphore, #tpu.memory_space<semaphore_mem>>) src(%arg22 : memref<32x128xf32, #tpu.memory_space<vmem>>) dst(%dma_wait3A_608 : memref<32x128xf32, #tpu.memory_space<vmem_shared>>)
        tpu.yield
      }) : () -> ()
      %add3A_566 = arith.constant 96 : i32
      %add3A_567 = arith.addi %mul3A_559, %add3A_566 : i32
      "tpu.region"() ({
        %run_scoped3A_600 = tpu.sem_alloc : memref<!tpu.dma_semaphore, #tpu.memory_space<semaphore_mem>>
        %dma_start3A_601 = arith.constant 0 : i32
        %dma_start3A_602 = tpu.memref_slice %arg30[%add3A_567, %dma_start3A_601] : memref<10240x128xf32, #tpu.memory_space<vmem_shared>> -> memref<32x128xf32, #tpu.memory_space<vmem_shared>>
        %dma_start3A_603 = arith.constant 0 : i32
        %dma_start3A_604 = tpu.memref_slice %arg30[%add3A_567, %dma_start3A_603] : memref<10240x128xf32, #tpu.memory_space<vmem_shared>> -> memref<32x128xf32, #tpu.memory_space<vmem_shared>>
        tpu.enqueue_dma source(%arg22 : memref<32x128xf32, #tpu.memory_space<vmem>>) target(%dma_start3A_604 : memref<32x128xf32, #tpu.memory_space<vmem_shared>>) target_semaphore(%run_scoped3A_600 : memref<!tpu.dma_semaphore, #tpu.memory_space<semaphore_mem>>)
        %dma_wait3A_605 = arith.constant 0 : i32
        %dma_wait3A_606 = tpu.memref_slice %arg30[%add3A_567, %dma_wait3A_605] : memref<10240x128xf32, #tpu.memory_space<vmem_shared>> -> memref<32x128xf32, #tpu.memory_space<vmem_shared>>
        %dma_wait3A_607 = arith.constant 0 : i32
        %dma_wait3A_608 = tpu.memref_slice %arg30[%add3A_567, %dma_wait3A_607] : memref<10240x128xf32, #tpu.memory_space<vmem_shared>> -> memref<32x128xf32, #tpu.memory_space<vmem_shared>>
        tpu.wait_dma2 semaphore(%run_scoped3A_600 : memref<!tpu.dma_semaphore, #tpu.memory_space<semaphore_mem>>) src(%arg22 : memref<32x128xf32, #tpu.memory_space<vmem>>) dst(%dma_wait3A_608 : memref<32x128xf32, #tpu.memory_space<vmem_shared>>)
        tpu.yield
      }) : () -> ()
      %add3A_568 = arith.constant 128 : i32
      %add3A_569 = arith.addi %mul3A_559, %add3A_568 : i32
      "tpu.region"() ({
        %run_scoped3A_600 = tpu.sem_alloc : memref<!tpu.dma_semaphore, #tpu.memory_space<semaphore_mem>>
        %dma_start3A_601 = arith.constant 0 : i32
        %dma_start3A_602 = tpu.memref_slice %arg30[%add3A_569, %dma_start3A_601] : memref<10240x128xf32, #tpu.memory_space<vmem_shared>> -> memref<32x128xf32, #tpu.memory_space<vmem_shared>>
        %dma_start3A_603 = arith.constant 0 : i32
        %dma_start3A_604 = tpu.memref_slice %arg30[%add3A_569, %dma_start3A_603] : memref<10240x128xf32, #tpu.memory_space<vmem_shared>> -> memref<32x128xf32, #tpu.memory_space<vmem_shared>>
        tpu.enqueue_dma source(%arg22 : memref<32x128xf32, #tpu.memory_space<vmem>>) target(%dma_start3A_604 : memref<32x128xf32, #tpu.memory_space<vmem_shared>>) target_semaphore(%run_scoped3A_600 : memref<!tpu.dma_semaphore, #tpu.memory_space<semaphore_mem>>)
        %dma_wait3A_605 = arith.constant 0 : i32
        %dma_wait3A_606 = tpu.memref_slice %arg30[%add3A_569, %dma_wait3A_605] : memref<10240x128xf32, #tpu.memory_space<vmem_shared>> -> memref<32x128xf32, #tpu.memory_space<vmem_shared>>
        %dma_wait3A_607 = arith.constant 0 : i32
        %dma_wait3A_608 = tpu.memref_slice %arg30[%add3A_569, %dma_wait3A_607] : memref<10240x128xf32, #tpu.memory_space<vmem_shared>> -> memref<32x128xf32, #tpu.memory_space<vmem_shared>>
        tpu.wait_dma2 semaphore(%run_scoped3A_600 : memref<!tpu.dma_semaphore, #tpu.memory_space<semaphore_mem>>) src(%arg22 : memref<32x128xf32, #tpu.memory_space<vmem>>) dst(%dma_wait3A_608 : memref<32x128xf32, #tpu.memory_space<vmem_shared>>)
        tpu.yield
      }) : () -> ()
      %add3A_570 = arith.constant 160 : i32
      %add3A_571 = arith.addi %mul3A_559, %add3A_570 : i32
      "tpu.region"() ({
        %run_scoped3A_600 = tpu.sem_alloc : memref<!tpu.dma_semaphore, #tpu.memory_space<semaphore_mem>>
        %dma_start3A_601 = arith.constant 0 : i32
        %dma_start3A_602 = tpu.memref_slice %arg30[%add3A_571, %dma_start3A_601] : memref<10240x128xf32, #tpu.memory_space<vmem_shared>> -> memref<32x128xf32, #tpu.memory_space<vmem_shared>>
        %dma_start3A_603 = arith.constant 0 : i32
        %dma_start3A_604 = tpu.memref_slice %arg30[%add3A_571, %dma_start3A_603] : memref<10240x128xf32, #tpu.memory_space<vmem_shared>> -> memref<32x128xf32, #tpu.memory_space<vmem_shared>>
        tpu.enqueue_dma source(%arg22 : memref<32x128xf32, #tpu.memory_space<vmem>>) target(%dma_start3A_604 : memref<32x128xf32, #tpu.memory_space<vmem_shared>>) target_semaphore(%run_scoped3A_600 : memref<!tpu.dma_semaphore, #tpu.memory_space<semaphore_mem>>)
        %dma_wait3A_605 = arith.constant 0 : i32
        %dma_wait3A_606 = tpu.memref_slice %arg30[%add3A_571, %dma_wait3A_605] : memref<10240x128xf32, #tpu.memory_space<vmem_shared>> -> memref<32x128xf32, #tpu.memory_space<vmem_shared>>
        %dma_wait3A_607 = arith.constant 0 : i32
        %dma_wait3A_608 = tpu.memref_slice %arg30[%add3A_571, %dma_wait3A_607] : memref<10240x128xf32, #tpu.memory_space<vmem_shared>> -> memref<32x128xf32, #tpu.memory_space<vmem_shared>>
        tpu.wait_dma2 semaphore(%run_scoped3A_600 : memref<!tpu.dma_semaphore, #tpu.memory_space<semaphore_mem>>) src(%arg22 : memref<32x128xf32, #tpu.memory_space<vmem>>) dst(%dma_wait3A_608 : memref<32x128xf32, #tpu.memory_space<vmem_shared>>)
        tpu.yield
      }) : () -> ()
      %add3A_572 = arith.constant 192 : i32
      %add3A_573 = arith.addi %mul3A_559, %add3A_572 : i32
      "tpu.region"() ({
        %run_scoped3A_600 = tpu.sem_alloc : memref<!tpu.dma_semaphore, #tpu.memory_space<semaphore_mem>>
        %dma_start3A_601 = arith.constant 0 : i32
        %dma_start3A_602 = tpu.memref_slice %arg30[%add3A_573, %dma_start3A_601] : memref<10240x128xf32, #tpu.memory_space<vmem_shared>> -> memref<32x128xf32, #tpu.memory_space<vmem_shared>>
        %dma_start3A_603 = arith.constant 0 : i32
        %dma_start3A_604 = tpu.memref_slice %arg30[%add3A_573, %dma_start3A_603] : memref<10240x128xf32, #tpu.memory_space<vmem_shared>> -> memref<32x128xf32, #tpu.memory_space<vmem_shared>>
        tpu.enqueue_dma source(%arg22 : memref<32x128xf32, #tpu.memory_space<vmem>>) target(%dma_start3A_604 : memref<32x128xf32, #tpu.memory_space<vmem_shared>>) target_semaphore(%run_scoped3A_600 : memref<!tpu.dma_semaphore, #tpu.memory_space<semaphore_mem>>)
        %dma_wait3A_605 = arith.constant 0 : i32
        %dma_wait3A_606 = tpu.memref_slice %arg30[%add3A_573, %dma_wait3A_605] : memref<10240x128xf32, #tpu.memory_space<vmem_shared>> -> memref<32x128xf32, #tpu.memory_space<vmem_shared>>
        %dma_wait3A_607 = arith.constant 0 : i32
        %dma_wait3A_608 = tpu.memref_slice %arg30[%add3A_573, %dma_wait3A_607] : memref<10240x128xf32, #tpu.memory_space<vmem_shared>> -> memref<32x128xf32, #tpu.memory_space<vmem_shared>>
        tpu.wait_dma2 semaphore(%run_scoped3A_600 : memref<!tpu.dma_semaphore, #tpu.memory_space<semaphore_mem>>) src(%arg22 : memref<32x128xf32, #tpu.memory_space<vmem>>) dst(%dma_wait3A_608 : memref<32x128xf32, #tpu.memory_space<vmem_shared>>)
        tpu.yield
      }) : () -> ()
      %add3A_574 = arith.constant 224 : i32
      %add3A_575 = arith.addi %mul3A_559, %add3A_574 : i32
      "tpu.region"() ({
        %run_scoped3A_600 = tpu.sem_alloc : memref<!tpu.dma_semaphore, #tpu.memory_space<semaphore_mem>>
        %dma_start3A_601 = arith.constant 0 : i32
        %dma_start3A_602 = tpu.memref_slice %arg30[%add3A_575, %dma_start3A_601] : memref<10240x128xf32, #tpu.memory_space<vmem_shared>> -> memref<32x128xf32, #tpu.memory_space<vmem_shared>>
        %dma_start3A_603 = arith.constant 0 : i32
        %dma_start3A_604 = tpu.memref_slice %arg30[%add3A_575, %dma_start3A_603] : memref<10240x128xf32, #tpu.memory_space<vmem_shared>> -> memref<32x128xf32, #tpu.memory_space<vmem_shared>>
        tpu.enqueue_dma source(%arg22 : memref<32x128xf32, #tpu.memory_space<vmem>>) target(%dma_start3A_604 : memref<32x128xf32, #tpu.memory_space<vmem_shared>>) target_semaphore(%run_scoped3A_600 : memref<!tpu.dma_semaphore, #tpu.memory_space<semaphore_mem>>)
        %dma_wait3A_605 = arith.constant 0 : i32
        %dma_wait3A_606 = tpu.memref_slice %arg30[%add3A_575, %dma_wait3A_605] : memref<10240x128xf32, #tpu.memory_space<vmem_shared>> -> memref<32x128xf32, #tpu.memory_space<vmem_shared>>
        %dma_wait3A_607 = arith.constant 0 : i32
        %dma_wait3A_608 = tpu.memref_slice %arg30[%add3A_575, %dma_wait3A_607] : memref<10240x128xf32, #tpu.memory_space<vmem_shared>> -> memref<32x128xf32, #tpu.memory_space<vmem_shared>>
        tpu.wait_dma2 semaphore(%run_scoped3A_600 : memref<!tpu.dma_semaphore, #tpu.memory_space<semaphore_mem>>) src(%arg22 : memref<32x128xf32, #tpu.memory_space<vmem>>) dst(%dma_wait3A_608 : memref<32x128xf32, #tpu.memory_space<vmem_shared>>)
        tpu.yield
      }) : () -> ()
      %add3A_576 = arith.constant 256 : i32
      %add3A_577 = arith.addi %mul3A_559, %add3A_576 : i32
      "tpu.region"() ({
        %run_scoped3A_600 = tpu.sem_alloc : memref<!tpu.dma_semaphore, #tpu.memory_space<semaphore_mem>>
        %dma_start3A_601 = arith.constant 0 : i32
        %dma_start3A_602 = tpu.memref_slice %arg30[%add3A_577, %dma_start3A_601] : memref<10240x128xf32, #tpu.memory_space<vmem_shared>> -> memref<32x128xf32, #tpu.memory_space<vmem_shared>>
        %dma_start3A_603 = arith.constant 0 : i32
        %dma_start3A_604 = tpu.memref_slice %arg30[%add3A_577, %dma_start3A_603] : memref<10240x128xf32, #tpu.memory_space<vmem_shared>> -> memref<32x128xf32, #tpu.memory_space<vmem_shared>>
        tpu.enqueue_dma source(%arg22 : memref<32x128xf32, #tpu.memory_space<vmem>>) target(%dma_start3A_604 : memref<32x128xf32, #tpu.memory_space<vmem_shared>>) target_semaphore(%run_scoped3A_600 : memref<!tpu.dma_semaphore, #tpu.memory_space<semaphore_mem>>)
        %dma_wait3A_605 = arith.constant 0 : i32
        %dma_wait3A_606 = tpu.memref_slice %arg30[%add3A_577, %dma_wait3A_605] : memref<10240x128xf32, #tpu.memory_space<vmem_shared>> -> memref<32x128xf32, #tpu.memory_space<vmem_shared>>
        %dma_wait3A_607 = arith.constant 0 : i32
        %dma_wait3A_608 = tpu.memref_slice %arg30[%add3A_577, %dma_wait3A_607] : memref<10240x128xf32, #tpu.memory_space<vmem_shared>> -> memref<32x128xf32, #tpu.memory_space<vmem_shared>>
        tpu.wait_dma2 semaphore(%run_scoped3A_600 : memref<!tpu.dma_semaphore, #tpu.memory_space<semaphore_mem>>) src(%arg22 : memref<32x128xf32, #tpu.memory_space<vmem>>) dst(%dma_wait3A_608 : memref<32x128xf32, #tpu.memory_space<vmem_shared>>)
        tpu.yield
      }) : () -> ()
      %add3A_578 = arith.constant 288 : i32
      %add3A_579 = arith.addi %mul3A_559, %add3A_578 : i32
      "tpu.region"() ({
        %run_scoped3A_600 = tpu.sem_alloc : memref<!tpu.dma_semaphore, #tpu.memory_space<semaphore_mem>>
        %dma_start3A_601 = arith.constant 0 : i32
        %dma_start3A_602 = tpu.memref_slice %arg30[%add3A_579, %dma_start3A_601] : memref<10240x128xf32, #tpu.memory_space<vmem_shared>> -> memref<32x128xf32, #tpu.memory_space<vmem_shared>>
        %dma_start3A_603 = arith.constant 0 : i32
        %dma_start3A_604 = tpu.memref_slice %arg30[%add3A_579, %dma_start3A_603] : memref<10240x128xf32, #tpu.memory_space<vmem_shared>> -> memref<32x128xf32, #tpu.memory_space<vmem_shared>>
        tpu.enqueue_dma source(%arg22 : memref<32x128xf32, #tpu.memory_space<vmem>>) target(%dma_start3A_604 : memref<32x128xf32, #tpu.memory_space<vmem_shared>>) target_semaphore(%run_scoped3A_600 : memref<!tpu.dma_semaphore, #tpu.memory_space<semaphore_mem>>)
        %dma_wait3A_605 = arith.constant 0 : i32
        %dma_wait3A_606 = tpu.memref_slice %arg30[%add3A_579, %dma_wait3A_605] : memref<10240x128xf32, #tpu.memory_space<vmem_shared>> -> memref<32x128xf32, #tpu.memory_space<vmem_shared>>
        %dma_wait3A_607 = arith.constant 0 : i32
        %dma_wait3A_608 = tpu.memref_slice %arg30[%add3A_579, %dma_wait3A_607] : memref<10240x128xf32, #tpu.memory_space<vmem_shared>> -> memref<32x128xf32, #tpu.memory_space<vmem_shared>>
        tpu.wait_dma2 semaphore(%run_scoped3A_600 : memref<!tpu.dma_semaphore, #tpu.memory_space<semaphore_mem>>) src(%arg22 : memref<32x128xf32, #tpu.memory_space<vmem>>) dst(%dma_wait3A_608 : memref<32x128xf32, #tpu.memory_space<vmem_shared>>)
        tpu.yield
      }) : () -> ()
      %add3A_580 = arith.constant 320 : i32
      %add3A_581 = arith.addi %mul3A_559, %add3A_580 : i32
      "tpu.region"() ({
        %run_scoped3A_600 = tpu.sem_alloc : memref<!tpu.dma_semaphore, #tpu.memory_space<semaphore_mem>>
        %dma_start3A_601 = arith.constant 0 : i32
        %dma_start3A_602 = tpu.memref_slice %arg30[%add3A_581, %dma_start3A_601] : memref<10240x128xf32, #tpu.memory_space<vmem_shared>> -> memref<32x128xf32, #tpu.memory_space<vmem_shared>>
        %dma_start3A_603 = arith.constant 0 : i32
        %dma_start3A_604 = tpu.memref_slice %arg30[%add3A_581, %dma_start3A_603] : memref<10240x128xf32, #tpu.memory_space<vmem_shared>> -> memref<32x128xf32, #tpu.memory_space<vmem_shared>>
        tpu.enqueue_dma source(%arg22 : memref<32x128xf32, #tpu.memory_space<vmem>>) target(%dma_start3A_604 : memref<32x128xf32, #tpu.memory_space<vmem_shared>>) target_semaphore(%run_scoped3A_600 : memref<!tpu.dma_semaphore, #tpu.memory_space<semaphore_mem>>)
        %dma_wait3A_605 = arith.constant 0 : i32
        %dma_wait3A_606 = tpu.memref_slice %arg30[%add3A_581, %dma_wait3A_605] : memref<10240x128xf32, #tpu.memory_space<vmem_shared>> -> memref<32x128xf32, #tpu.memory_space<vmem_shared>>
        %dma_wait3A_607 = arith.constant 0 : i32
        %dma_wait3A_608 = tpu.memref_slice %arg30[%add3A_581, %dma_wait3A_607] : memref<10240x128xf32, #tpu.memory_space<vmem_shared>> -> memref<32x128xf32, #tpu.memory_space<vmem_shared>>
        tpu.wait_dma2 semaphore(%run_scoped3A_600 : memref<!tpu.dma_semaphore, #tpu.memory_space<semaphore_mem>>) src(%arg22 : memref<32x128xf32, #tpu.memory_space<vmem>>) dst(%dma_wait3A_608 : memref<32x128xf32, #tpu.memory_space<vmem_shared>>)
        tpu.yield
      }) : () -> ()
      %add3A_582 = arith.constant 352 : i32
      %add3A_583 = arith.addi %mul3A_559, %add3A_582 : i32
      "tpu.region"() ({
        %run_scoped3A_600 = tpu.sem_alloc : memref<!tpu.dma_semaphore, #tpu.memory_space<semaphore_mem>>
        %dma_start3A_601 = arith.constant 0 : i32
        %dma_start3A_602 = tpu.memref_slice %arg30[%add3A_583, %dma_start3A_601] : memref<10240x128xf32, #tpu.memory_space<vmem_shared>> -> memref<32x128xf32, #tpu.memory_space<vmem_shared>>
        %dma_start3A_603 = arith.constant 0 : i32
        %dma_start3A_604 = tpu.memref_slice %arg30[%add3A_583, %dma_start3A_603] : memref<10240x128xf32, #tpu.memory_space<vmem_shared>> -> memref<32x128xf32, #tpu.memory_space<vmem_shared>>
        tpu.enqueue_dma source(%arg22 : memref<32x128xf32, #tpu.memory_space<vmem>>) target(%dma_start3A_604 : memref<32x128xf32, #tpu.memory_space<vmem_shared>>) target_semaphore(%run_scoped3A_600 : memref<!tpu.dma_semaphore, #tpu.memory_space<semaphore_mem>>)
        %dma_wait3A_605 = arith.constant 0 : i32
        %dma_wait3A_606 = tpu.memref_slice %arg30[%add3A_583, %dma_wait3A_605] : memref<10240x128xf32, #tpu.memory_space<vmem_shared>> -> memref<32x128xf32, #tpu.memory_space<vmem_shared>>
        %dma_wait3A_607 = arith.constant 0 : i32
        %dma_wait3A_608 = tpu.memref_slice %arg30[%add3A_583, %dma_wait3A_607] : memref<10240x128xf32, #tpu.memory_space<vmem_shared>> -> memref<32x128xf32, #tpu.memory_space<vmem_shared>>
        tpu.wait_dma2 semaphore(%run_scoped3A_600 : memref<!tpu.dma_semaphore, #tpu.memory_space<semaphore_mem>>) src(%arg22 : memref<32x128xf32, #tpu.memory_space<vmem>>) dst(%dma_wait3A_608 : memref<32x128xf32, #tpu.memory_space<vmem_shared>>)
        tpu.yield
      }) : () -> ()
      %add3A_584 = arith.constant 384 : i32
      %add3A_585 = arith.addi %mul3A_559, %add3A_584 : i32
      "tpu.region"() ({
        %run_scoped3A_600 = tpu.sem_alloc : memref<!tpu.dma_semaphore, #tpu.memory_space<semaphore_mem>>
        %dma_start3A_601 = arith.constant 0 : i32
        %dma_start3A_602 = tpu.memref_slice %arg30[%add3A_585, %dma_start3A_601] : memref<10240x128xf32, #tpu.memory_space<vmem_shared>> -> memref<32x128xf32, #tpu.memory_space<vmem_shared>>
        %dma_start3A_603 = arith.constant 0 : i32
        %dma_start3A_604 = tpu.memref_slice %arg30[%add3A_585, %dma_start3A_603] : memref<10240x128xf32, #tpu.memory_space<vmem_shared>> -> memref<32x128xf32, #tpu.memory_space<vmem_shared>>
        tpu.enqueue_dma source(%arg22 : memref<32x128xf32, #tpu.memory_space<vmem>>) target(%dma_start3A_604 : memref<32x128xf32, #tpu.memory_space<vmem_shared>>) target_semaphore(%run_scoped3A_600 : memref<!tpu.dma_semaphore, #tpu.memory_space<semaphore_mem>>)
        %dma_wait3A_605 = arith.constant 0 : i32
        %dma_wait3A_606 = tpu.memref_slice %arg30[%add3A_585, %dma_wait3A_605] : memref<10240x128xf32, #tpu.memory_space<vmem_shared>> -> memref<32x128xf32, #tpu.memory_space<vmem_shared>>
        %dma_wait3A_607 = arith.constant 0 : i32
        %dma_wait3A_608 = tpu.memref_slice %arg30[%add3A_585, %dma_wait3A_607] : memref<10240x128xf32, #tpu.memory_space<vmem_shared>> -> memref<32x128xf32, #tpu.memory_space<vmem_shared>>
        tpu.wait_dma2 semaphore(%run_scoped3A_600 : memref<!tpu.dma_semaphore, #tpu.memory_space<semaphore_mem>>) src(%arg22 : memref<32x128xf32, #tpu.memory_space<vmem>>) dst(%dma_wait3A_608 : memref<32x128xf32, #tpu.memory_space<vmem_shared>>)
        tpu.yield
      }) : () -> ()
      %add3A_586 = arith.constant 416 : i32
      %add3A_587 = arith.addi %mul3A_559, %add3A_586 : i32
      "tpu.region"() ({
        %run_scoped3A_600 = tpu.sem_alloc : memref<!tpu.dma_semaphore, #tpu.memory_space<semaphore_mem>>
        %dma_start3A_601 = arith.constant 0 : i32
        %dma_start3A_602 = tpu.memref_slice %arg30[%add3A_587, %dma_start3A_601] : memref<10240x128xf32, #tpu.memory_space<vmem_shared>> -> memref<32x128xf32, #tpu.memory_space<vmem_shared>>
        %dma_start3A_603 = arith.constant 0 : i32
        %dma_start3A_604 = tpu.memref_slice %arg30[%add3A_587, %dma_start3A_603] : memref<10240x128xf32, #tpu.memory_space<vmem_shared>> -> memref<32x128xf32, #tpu.memory_space<vmem_shared>>
        tpu.enqueue_dma source(%arg22 : memref<32x128xf32, #tpu.memory_space<vmem>>) target(%dma_start3A_604 : memref<32x128xf32, #tpu.memory_space<vmem_shared>>) target_semaphore(%run_scoped3A_600 : memref<!tpu.dma_semaphore, #tpu.memory_space<semaphore_mem>>)
        %dma_wait3A_605 = arith.constant 0 : i32
        %dma_wait3A_606 = tpu.memref_slice %arg30[%add3A_587, %dma_wait3A_605] : memref<10240x128xf32, #tpu.memory_space<vmem_shared>> -> memref<32x128xf32, #tpu.memory_space<vmem_shared>>
        %dma_wait3A_607 = arith.constant 0 : i32
        %dma_wait3A_608 = tpu.memref_slice %arg30[%add3A_587, %dma_wait3A_607] : memref<10240x128xf32, #tpu.memory_space<vmem_shared>> -> memref<32x128xf32, #tpu.memory_space<vmem_shared>>
        tpu.wait_dma2 semaphore(%run_scoped3A_600 : memref<!tpu.dma_semaphore, #tpu.memory_space<semaphore_mem>>) src(%arg22 : memref<32x128xf32, #tpu.memory_space<vmem>>) dst(%dma_wait3A_608 : memref<32x128xf32, #tpu.memory_space<vmem_shared>>)
        tpu.yield
      }) : () -> ()
      %add3A_588 = arith.constant 448 : i32
      %add3A_589 = arith.addi %mul3A_559, %add3A_588 : i32
      "tpu.region"() ({
        %run_scoped3A_600 = tpu.sem_alloc : memref<!tpu.dma_semaphore, #tpu.memory_space<semaphore_mem>>
        %dma_start3A_601 = arith.constant 0 : i32
        %dma_start3A_602 = tpu.memref_slice %arg30[%add3A_589, %dma_start3A_601] : memref<10240x128xf32, #tpu.memory_space<vmem_shared>> -> memref<32x128xf32, #tpu.memory_space<vmem_shared>>
        %dma_start3A_603 = arith.constant 0 : i32
        %dma_start3A_604 = tpu.memref_slice %arg30[%add3A_589, %dma_start3A_603] : memref<10240x128xf32, #tpu.memory_space<vmem_shared>> -> memref<32x128xf32, #tpu.memory_space<vmem_shared>>
        tpu.enqueue_dma source(%arg22 : memref<32x128xf32, #tpu.memory_space<vmem>>) target(%dma_start3A_604 : memref<32x128xf32, #tpu.memory_space<vmem_shared>>) target_semaphore(%run_scoped3A_600 : memref<!tpu.dma_semaphore, #tpu.memory_space<semaphore_mem>>)
        %dma_wait3A_605 = arith.constant 0 : i32
        %dma_wait3A_606 = tpu.memref_slice %arg30[%add3A_589, %dma_wait3A_605] : memref<10240x128xf32, #tpu.memory_space<vmem_shared>> -> memref<32x128xf32, #tpu.memory_space<vmem_shared>>
        %dma_wait3A_607 = arith.constant 0 : i32
        %dma_wait3A_608 = tpu.memref_slice %arg30[%add3A_589, %dma_wait3A_607] : memref<10240x128xf32, #tpu.memory_space<vmem_shared>> -> memref<32x128xf32, #tpu.memory_space<vmem_shared>>
        tpu.wait_dma2 semaphore(%run_scoped3A_600 : memref<!tpu.dma_semaphore, #tpu.memory_space<semaphore_mem>>) src(%arg22 : memref<32x128xf32, #tpu.memory_space<vmem>>) dst(%dma_wait3A_608 : memref<32x128xf32, #tpu.memory_space<vmem_shared>>)
        tpu.yield
      }) : () -> ()
      %add3A_590 = arith.constant 480 : i32
      %add3A_591 = arith.addi %mul3A_559, %add3A_590 : i32
      "tpu.region"() ({
        %run_scoped3A_600 = tpu.sem_alloc : memref<!tpu.dma_semaphore, #tpu.memory_space<semaphore_mem>>
        %dma_start3A_601 = arith.constant 0 : i32
        %dma_start3A_602 = tpu.memref_slice %arg30[%add3A_591, %dma_start3A_601] : memref<10240x128xf32, #tpu.memory_space<vmem_shared>> -> memref<32x128xf32, #tpu.memory_space<vmem_shared>>
        %dma_start3A_603 = arith.constant 0 : i32
        %dma_start3A_604 = tpu.memref_slice %arg30[%add3A_591, %dma_start3A_603] : memref<10240x128xf32, #tpu.memory_space<vmem_shared>> -> memref<32x128xf32, #tpu.memory_space<vmem_shared>>
        tpu.enqueue_dma source(%arg22 : memref<32x128xf32, #tpu.memory_space<vmem>>) target(%dma_start3A_604 : memref<32x128xf32, #tpu.memory_space<vmem_shared>>) target_semaphore(%run_scoped3A_600 : memref<!tpu.dma_semaphore, #tpu.memory_space<semaphore_mem>>)
        %dma_wait3A_605 = arith.constant 0 : i32
        %dma_wait3A_606 = tpu.memref_slice %arg30[%add3A_591, %dma_wait3A_605] : memref<10240x128xf32, #tpu.memory_space<vmem_shared>> -> memref<32x128xf32, #tpu.memory_space<vmem_shared>>
        %dma_wait3A_607 = arith.constant 0 : i32
        %dma_wait3A_608 = tpu.memref_slice %arg30[%add3A_591, %dma_wait3A_607] : memref<10240x128xf32, #tpu.memory_space<vmem_shared>> -> memref<32x128xf32, #tpu.memory_space<vmem_shared>>
        tpu.wait_dma2 semaphore(%run_scoped3A_600 : memref<!tpu.dma_semaphore, #tpu.memory_space<semaphore_mem>>) src(%arg22 : memref<32x128xf32, #tpu.memory_space<vmem>>) dst(%dma_wait3A_608 : memref<32x128xf32, #tpu.memory_space<vmem_shared>>)
        tpu.yield
      }) : () -> ()
      %add3A_592 = arith.constant 512 : i32
      %add3A_593 = arith.addi %mul3A_559, %add3A_592 : i32
      "tpu.region"() ({
        %run_scoped3A_600 = tpu.sem_alloc : memref<!tpu.dma_semaphore, #tpu.memory_space<semaphore_mem>>
        %dma_start3A_601 = arith.constant 0 : i32
        %dma_start3A_602 = tpu.memref_slice %arg30[%add3A_593, %dma_start3A_601] : memref<10240x128xf32, #tpu.memory_space<vmem_shared>> -> memref<32x128xf32, #tpu.memory_space<vmem_shared>>
        %dma_start3A_603 = arith.constant 0 : i32
        %dma_start3A_604 = tpu.memref_slice %arg30[%add3A_593, %dma_start3A_603] : memref<10240x128xf32, #tpu.memory_space<vmem_shared>> -> memref<32x128xf32, #tpu.memory_space<vmem_shared>>
        tpu.enqueue_dma source(%arg22 : memref<32x128xf32, #tpu.memory_space<vmem>>) target(%dma_start3A_604 : memref<32x128xf32, #tpu.memory_space<vmem_shared>>) target_semaphore(%run_scoped3A_600 : memref<!tpu.dma_semaphore, #tpu.memory_space<semaphore_mem>>)
        %dma_wait3A_605 = arith.constant 0 : i32
        %dma_wait3A_606 = tpu.memref_slice %arg30[%add3A_593, %dma_wait3A_605] : memref<10240x128xf32, #tpu.memory_space<vmem_shared>> -> memref<32x128xf32, #tpu.memory_space<vmem_shared>>
        %dma_wait3A_607 = arith.constant 0 : i32
        %dma_wait3A_608 = tpu.memref_slice %arg30[%add3A_593, %dma_wait3A_607] : memref<10240x128xf32, #tpu.memory_space<vmem_shared>> -> memref<32x128xf32, #tpu.memory_space<vmem_shared>>
        tpu.wait_dma2 semaphore(%run_scoped3A_600 : memref<!tpu.dma_semaphore, #tpu.memory_space<semaphore_mem>>) src(%arg22 : memref<32x128xf32, #tpu.memory_space<vmem>>) dst(%dma_wait3A_608 : memref<32x128xf32, #tpu.memory_space<vmem_shared>>)
        tpu.yield
      }) : () -> ()
      %add3A_594 = arith.constant 544 : i32
      %add3A_595 = arith.addi %mul3A_559, %add3A_594 : i32
      "tpu.region"() ({
        %run_scoped3A_600 = tpu.sem_alloc : memref<!tpu.dma_semaphore, #tpu.memory_space<semaphore_mem>>
        %dma_start3A_601 = arith.constant 0 : i32
        %dma_start3A_602 = tpu.memref_slice %arg30[%add3A_595, %dma_start3A_601] : memref<10240x128xf32, #tpu.memory_space<vmem_shared>> -> memref<32x128xf32, #tpu.memory_space<vmem_shared>>
        %dma_start3A_603 = arith.constant 0 : i32
        %dma_start3A_604 = tpu.memref_slice %arg30[%add3A_595, %dma_start3A_603] : memref<10240x128xf32, #tpu.memory_space<vmem_shared>> -> memref<32x128xf32, #tpu.memory_space<vmem_shared>>
        tpu.enqueue_dma source(%arg22 : memref<32x128xf32, #tpu.memory_space<vmem>>) target(%dma_start3A_604 : memref<32x128xf32, #tpu.memory_space<vmem_shared>>) target_semaphore(%run_scoped3A_600 : memref<!tpu.dma_semaphore, #tpu.memory_space<semaphore_mem>>)
        %dma_wait3A_605 = arith.constant 0 : i32
        %dma_wait3A_606 = tpu.memref_slice %arg30[%add3A_595, %dma_wait3A_605] : memref<10240x128xf32, #tpu.memory_space<vmem_shared>> -> memref<32x128xf32, #tpu.memory_space<vmem_shared>>
        %dma_wait3A_607 = arith.constant 0 : i32
        %dma_wait3A_608 = tpu.memref_slice %arg30[%add3A_595, %dma_wait3A_607] : memref<10240x128xf32, #tpu.memory_space<vmem_shared>> -> memref<32x128xf32, #tpu.memory_space<vmem_shared>>
        tpu.wait_dma2 semaphore(%run_scoped3A_600 : memref<!tpu.dma_semaphore, #tpu.memory_space<semaphore_mem>>) src(%arg22 : memref<32x128xf32, #tpu.memory_space<vmem>>) dst(%dma_wait3A_608 : memref<32x128xf32, #tpu.memory_space<vmem_shared>>)
        tpu.yield
      }) : () -> ()
      %add3A_596 = arith.constant 576 : i32
      %add3A_597 = arith.addi %mul3A_559, %add3A_596 : i32
      "tpu.region"() ({
        %run_scoped3A_600 = tpu.sem_alloc : memref<!tpu.dma_semaphore, #tpu.memory_space<semaphore_mem>>
        %dma_start3A_601 = arith.constant 0 : i32
        %dma_start3A_602 = tpu.memref_slice %arg30[%add3A_597, %dma_start3A_601] : memref<10240x128xf32, #tpu.memory_space<vmem_shared>> -> memref<32x128xf32, #tpu.memory_space<vmem_shared>>
        %dma_start3A_603 = arith.constant 0 : i32
        %dma_start3A_604 = tpu.memref_slice %arg30[%add3A_597, %dma_start3A_603] : memref<10240x128xf32, #tpu.memory_space<vmem_shared>> -> memref<32x128xf32, #tpu.memory_space<vmem_shared>>
        tpu.enqueue_dma source(%arg22 : memref<32x128xf32, #tpu.memory_space<vmem>>) target(%dma_start3A_604 : memref<32x128xf32, #tpu.memory_space<vmem_shared>>) target_semaphore(%run_scoped3A_600 : memref<!tpu.dma_semaphore, #tpu.memory_space<semaphore_mem>>)
        %dma_wait3A_605 = arith.constant 0 : i32
        %dma_wait3A_606 = tpu.memref_slice %arg30[%add3A_597, %dma_wait3A_605] : memref<10240x128xf32, #tpu.memory_space<vmem_shared>> -> memref<32x128xf32, #tpu.memory_space<vmem_shared>>
        %dma_wait3A_607 = arith.constant 0 : i32
        %dma_wait3A_608 = tpu.memref_slice %arg30[%add3A_597, %dma_wait3A_607] : memref<10240x128xf32, #tpu.memory_space<vmem_shared>> -> memref<32x128xf32, #tpu.memory_space<vmem_shared>>
        tpu.wait_dma2 semaphore(%run_scoped3A_600 : memref<!tpu.dma_semaphore, #tpu.memory_space<semaphore_mem>>) src(%arg22 : memref<32x128xf32, #tpu.memory_space<vmem>>) dst(%dma_wait3A_608 : memref<32x128xf32, #tpu.memory_space<vmem_shared>>)
        tpu.yield
      }) : () -> ()
      %add3A_598 = arith.constant 608 : i32
      %add3A_599 = arith.addi %mul3A_559, %add3A_598 : i32
      "tpu.region"() ({
        %run_scoped3A_600 = tpu.sem_alloc : memref<!tpu.dma_semaphore, #tpu.memory_space<semaphore_mem>>
        %dma_start3A_601 = arith.constant 0 : i32
        %dma_start3A_602 = tpu.memref_slice %arg30[%add3A_599, %dma_start3A_601] : memref<10240x128xf32, #tpu.memory_space<vmem_shared>> -> memref<32x128xf32, #tpu.memory_space<vmem_shared>>
        %dma_start3A_603 = arith.constant 0 : i32
        %dma_start3A_604 = tpu.memref_slice %arg30[%add3A_599, %dma_start3A_603] : memref<10240x128xf32, #tpu.memory_space<vmem_shared>> -> memref<32x128xf32, #tpu.memory_space<vmem_shared>>
        tpu.enqueue_dma source(%arg22 : memref<32x128xf32, #tpu.memory_space<vmem>>) target(%dma_start3A_604 : memref<32x128xf32, #tpu.memory_space<vmem_shared>>) target_semaphore(%run_scoped3A_600 : memref<!tpu.dma_semaphore, #tpu.memory_space<semaphore_mem>>)
        %dma_wait3A_605 = arith.constant 0 : i32
        %dma_wait3A_606 = tpu.memref_slice %arg30[%add3A_599, %dma_wait3A_605] : memref<10240x128xf32, #tpu.memory_space<vmem_shared>> -> memref<32x128xf32, #tpu.memory_space<vmem_shared>>
        %dma_wait3A_607 = arith.constant 0 : i32
        %dma_wait3A_608 = tpu.memref_slice %arg30[%add3A_599, %dma_wait3A_607] : memref<10240x128xf32, #tpu.memory_space<vmem_shared>> -> memref<32x128xf32, #tpu.memory_space<vmem_shared>>
        tpu.wait_dma2 semaphore(%run_scoped3A_600 : memref<!tpu.dma_semaphore, #tpu.memory_space<semaphore_mem>>) src(%arg22 : memref<32x128xf32, #tpu.memory_space<vmem>>) dst(%dma_wait3A_608 : memref<32x128xf32, #tpu.memory_space<vmem_shared>>)
        tpu.yield
      }) : () -> ()
    } else {
    }
    %barrier3A = arith.constant 0 : index
    tpu.barrier barrier_id(%barrier3A)
    "tpu.region"() ({
      %run_scoped3A_558 = tpu.sem_alloc : memref<!tpu.dma_semaphore, #tpu.memory_space<semaphore_mem>>
      %dma_start3A_559 = arith.constant 0 : i32
      %dma_start3A_560 = arith.constant 0 : i32
      %dma_start3A_561 = tpu.memref_slice %arg3[%add3A, %dma_start3A_559, %dma_start3A_560] : memref<32x80x128xi32, #tpu.memory_space<hbm>> -> memref<1x80x128xi32, #tpu.memory_space<hbm>>
      %dma_start3A_562 = tpu.memref_squeeze %dma_start3A_561 : memref<1x80x128xi32, #tpu.memory_space<hbm>> -> memref<80x128xi32, #tpu.memory_space<hbm>>
      %dma_start3A_563 = arith.constant 0 : i32
      %dma_start3A_564 = arith.constant 0 : i32
      %dma_start3A_565 = tpu.memref_slice %arg3[%add3A, %dma_start3A_563, %dma_start3A_564] : memref<32x80x128xi32, #tpu.memory_space<hbm>> -> memref<1x80x128xi32, #tpu.memory_space<hbm>>
      %dma_start3A_566 = tpu.memref_squeeze %dma_start3A_565 : memref<1x80x128xi32, #tpu.memory_space<hbm>> -> memref<80x128xi32, #tpu.memory_space<hbm>>
      tpu.enqueue_dma source(%dma_start3A_566 : memref<80x128xi32, #tpu.memory_space<hbm>>) target(%arg5 : memref<80x128xi32, #tpu.memory_space<vmem>>) target_semaphore(%run_scoped3A_558 : memref<!tpu.dma_semaphore, #tpu.memory_space<semaphore_mem>>)
      %dma_wait3A_567 = arith.constant 0 : i32
      %dma_wait3A_568 = arith.constant 0 : i32
      %dma_wait3A_569 = tpu.memref_slice %arg3[%add3A, %dma_wait3A_567, %dma_wait3A_568] : memref<32x80x128xi32, #tpu.memory_space<hbm>> -> memref<1x80x128xi32, #tpu.memory_space<hbm>>
      %dma_wait3A_570 = tpu.memref_squeeze %dma_wait3A_569 : memref<1x80x128xi32, #tpu.memory_space<hbm>> -> memref<80x128xi32, #tpu.memory_space<hbm>>
      %dma_wait3A_571 = arith.constant 0 : i32
      %dma_wait3A_572 = arith.constant 0 : i32
      %dma_wait3A_573 = tpu.memref_slice %arg3[%add3A, %dma_wait3A_571, %dma_wait3A_572] : memref<32x80x128xi32, #tpu.memory_space<hbm>> -> memref<1x80x128xi32, #tpu.memory_space<hbm>>
      %dma_wait3A_574 = tpu.memref_squeeze %dma_wait3A_573 : memref<1x80x128xi32, #tpu.memory_space<hbm>> -> memref<80x128xi32, #tpu.memory_space<hbm>>
      tpu.wait_dma2 semaphore(%run_scoped3A_558 : memref<!tpu.dma_semaphore, #tpu.memory_space<semaphore_mem>>) src(%dma_wait3A_574 : memref<80x128xi32, #tpu.memory_space<hbm>>) dst(%arg5 : memref<80x128xi32, #tpu.memory_space<vmem>>)
      tpu.yield
    }) : () -> ()
    %mul3A_13 = arith.constant 4 : i32
    %mul3A_14 = arith.muli %arg0, %mul3A_13 : i32
    %div3A = arith.constant 4 : i32
    %div3A_15 = arith.divsi %arg1, %div3A : i32
    %add3A_16 = arith.addi %mul3A_14, %div3A_15 : i32
    %mul3A_17 = arith.constant 10000 : i32
    %mul3A_18 = arith.muli %add3A_16, %mul3A_17 : i32
    %get3A = arith.constant 0 : i32
    %get3A_19 = arith.index_cast %get3A : i32 to index
    %get3A_20 = arith.constant 0 : index
    %get3A_21 = tpu.vector_load %arg5[%get3A_19, %get3A_20] {strides = array<i32>} : memref<80x128xi32, #tpu.memory_space<vmem>>, vector<1x16xi32>,
    %get3A_22 = vector.shape_cast %get3A_21 : vector<1x16xi32> to vector<16xi32>
    %and3A = arith.constant 65535 : i32
    %and3A_23 = vector.broadcast %and3A : i32 to vector<16xi32>
    %and3A_24 = arith.andi %get3A_22, %and3A_23 : vector<16xi32>
    %add3A_25 = vector.broadcast %mul3A_18 : i32 to vector<16xi32>
    %add3A_26 = arith.addi %and3A_24, %add3A_25 : vector<16xi32>
    %swap3A = arith.constant 0 : i32
    %swap3A_27 = arith.index_cast %swap3A : i32 to index
    %swap3A_28 = arith.constant 0 : index
    %swap3A_29 = tpu.vector_load %arg6[%swap3A_27, %swap3A_28] {strides = array<i32>} : memref<1x32xi32, #tpu.memory_space<vmem>>, vector<1x16xi32>,
    %swap3A_30 = vector.shape_cast %swap3A_29 : vector<1x16xi32> to vector<16xi32>
    %swap3A_31 = vector.shape_cast %add3A_26 : vector<16xi32> to vector<1x16xi32>
    tpu.vector_store %arg6[%swap3A_27, %swap3A_28], %swap3A_31 {strides = array<i32>} : memref<1x32xi32, #tpu.memory_space<vmem>>, vector<1x16xi32>,
    %shift_right_logical3A = arith.constant 16 : i32
    %shift_right_logical3A_32 = vector.broadcast %shift_right_logical3A : i32 to vector<16xi32>
    %shift_right_logical3A_33 = arith.shrui %get3A_22, %shift_right_logical3A_32 : vector<16xi32>
    %swap3A_34 = arith.constant 0 : i32
    %swap3A_35 = arith.index_cast %swap3A_34 : i32 to index
    %swap3A_36 = arith.constant 0 : index
    %swap3A_37 = tpu.vector_load %arg7[%swap3A_35, %swap3A_36] {strides = array<i32>} : memref<1x32xi32, #tpu.memory_space<vmem>>, vector<1x16xi32>,
    %swap3A_38 = vector.shape_cast %swap3A_37 : vector<1x16xi32> to vector<16xi32>
    %swap3A_39 = vector.shape_cast %shift_right_logical3A_33 : vector<16xi32> to vector<1x16xi32>
    tpu.vector_store %arg7[%swap3A_35, %swap3A_36], %swap3A_39 {strides = array<i32>} : memref<1x32xi32, #tpu.memory_space<vmem>>, vector<1x16xi32>,
    %get3A_40 = arith.constant 0 : i32
    %get3A_41 = arith.index_cast %get3A_40 : i32 to index
    %get3A_42 = arith.constant 16 : index
    %get3A_43 = tpu.vector_load %arg5[%get3A_41, %get3A_42] {strides = array<i32>} : memref<80x128xi32, #tpu.memory_space<vmem>>, vector<1x16xi32>,
    %get3A_44 = vector.shape_cast %get3A_43 : vector<1x16xi32> to vector<16xi32>
    %and3A_45 = arith.constant 65535 : i32
    %and3A_46 = vector.broadcast %and3A_45 : i32 to vector<16xi32>
    %and3A_47 = arith.andi %get3A_44, %and3A_46 : vector<16xi32>
    %add3A_48 = vector.broadcast %mul3A_18 : i32 to vector<16xi32>
    %add3A_49 = arith.addi %and3A_47, %add3A_48 : vector<16xi32>
    %swap3A_50 = arith.constant 0 : i32
    %swap3A_51 = arith.index_cast %swap3A_50 : i32 to index
    %swap3A_52 = arith.constant 16 : index
    %swap3A_53 = tpu.vector_load %arg6[%swap3A_51, %swap3A_52] {strides = array<i32>} : memref<1x32xi32, #tpu.memory_space<vmem>>, vector<1x16xi32>,
    %swap3A_54 = vector.shape_cast %swap3A_53 : vector<1x16xi32> to vector<16xi32>
    %swap3A_55 = vector.shape_cast %add3A_49 : vector<16xi32> to vector<1x16xi32>
    tpu.vector_store %arg6[%swap3A_51, %swap3A_52], %swap3A_55 {strides = array<i32>} : memref<1x32xi32, #tpu.memory_space<vmem>>, vector<1x16xi32>,
    %shift_right_logical3A_56 = arith.constant 16 : i32
    %shift_right_logical3A_57 = vector.broadcast %shift_right_logical3A_56 : i32 to vector<16xi32>
    %shift_right_logical3A_58 = arith.shrui %get3A_44, %shift_right_logical3A_57 : vector<16xi32>
    %swap3A_59 = arith.constant 0 : i32
    %swap3A_60 = arith.index_cast %swap3A_59 : i32 to index
    %swap3A_61 = arith.constant 16 : index
    %swap3A_62 = tpu.vector_load %arg7[%swap3A_60, %swap3A_61] {strides = array<i32>} : memref<1x32xi32, #tpu.memory_space<vmem>>, vector<1x16xi32>,
    %swap3A_63 = vector.shape_cast %swap3A_62 : vector<1x16xi32> to vector<16xi32>
    %swap3A_64 = vector.shape_cast %shift_right_logical3A_58 : vector<16xi32> to vector<1x16xi32>
    tpu.vector_store %arg7[%swap3A_60, %swap3A_61], %swap3A_64 {strides = array<i32>} : memref<1x32xi32, #tpu.memory_space<vmem>>, vector<1x16xi32>,
    %dma_start3A = arith.constant 0 : i32
    %dma_start3A_65 = arith.constant 0 : i32
    %dma_start3A_66 = tpu.memref_slice %arg6[%dma_start3A, %dma_start3A_65] : memref<1x32xi32, #tpu.memory_space<vmem>> -> memref<1x32xi32, #tpu.memory_space<vmem>>
    %dma_start3A_67 = tpu.memref_squeeze %dma_start3A_66 : memref<1x32xi32, #tpu.memory_space<vmem>> -> memref<32xi32, #tpu.memory_space<vmem>>
    %dma_start3A_68 = arith.constant 0 : i32
    %dma_start3A_69 = arith.constant 0 : i32
    %dma_start3A_70 = tpu.memref_slice %arg2[%dma_start3A_68, %dma_start3A_69] : memref<80000x128xf32, #tpu.memory_space<hbm>> -> memref<80000x128xf32, #tpu.memory_space<hbm>>
    tpu.enqueue_indirect_dma source(%dma_start3A_70 : memref<80000x128xf32, #tpu.memory_space<hbm>>) target(%arg22 : memref<32x128xf32, #tpu.memory_space<vmem>>) offsets(%dma_start3A_67 : memref<32xi32, #tpu.memory_space<vmem>>) semaphore(%arg31 : memref<!tpu.dma_semaphore, #tpu.memory_space<semaphore_mem>>)
    %get3A_71 = arith.constant 0 : i32
    %get3A_72 = arith.index_cast %get3A_71 : i32 to index
    %get3A_73 = arith.constant 32 : index
    %get3A_74 = tpu.vector_load %arg5[%get3A_72, %get3A_73] {strides = array<i32>} : memref<80x128xi32, #tpu.memory_space<vmem>>, vector<1x16xi32>,
    %get3A_75 = vector.shape_cast %get3A_74 : vector<1x16xi32> to vector<16xi32>
    %and3A_76 = arith.constant 65535 : i32
    %and3A_77 = vector.broadcast %and3A_76 : i32 to vector<16xi32>
    %and3A_78 = arith.andi %get3A_75, %and3A_77 : vector<16xi32>
    %add3A_79 = vector.broadcast %mul3A_18 : i32 to vector<16xi32>
    %add3A_80 = arith.addi %and3A_78, %add3A_79 : vector<16xi32>
    %swap3A_81 = arith.constant 0 : i32
    %swap3A_82 = arith.index_cast %swap3A_81 : i32 to index
    %swap3A_83 = arith.constant 0 : index
    %swap3A_84 = tpu.vector_load %arg8[%swap3A_82, %swap3A_83] {strides = array<i32>} : memref<1x32xi32, #tpu.memory_space<vmem>>, vector<1x16xi32>,
    %swap3A_85 = vector.shape_cast %swap3A_84 : vector<1x16xi32> to vector<16xi32>
    %swap3A_86 = vector.shape_cast %add3A_80 : vector<16xi32> to vector<1x16xi32>
    tpu.vector_store %arg8[%swap3A_82, %swap3A_83], %swap3A_86 {strides = array<i32>} : memref<1x32xi32, #tpu.memory_space<vmem>>, vector<1x16xi32>,
    %shift_right_logical3A_87 = arith.constant 16 : i32
    %shift_right_logical3A_88 = vector.broadcast %shift_right_logical3A_87 : i32 to vector<16xi32>
    %shift_right_logical3A_89 = arith.shrui %get3A_75, %shift_right_logical3A_88 : vector<16xi32>
    %swap3A_90 = arith.constant 0 : i32
    %swap3A_91 = arith.index_cast %swap3A_90 : i32 to index
    %swap3A_92 = arith.constant 0 : index
    %swap3A_93 = tpu.vector_load %arg9[%swap3A_91, %swap3A_92] {strides = array<i32>} : memref<1x32xi32, #tpu.memory_space<vmem>>, vector<1x16xi32>,
    %swap3A_94 = vector.shape_cast %swap3A_93 : vector<1x16xi32> to vector<16xi32>
    %swap3A_95 = vector.shape_cast %shift_right_logical3A_89 : vector<16xi32> to vector<1x16xi32>
    tpu.vector_store %arg9[%swap3A_91, %swap3A_92], %swap3A_95 {strides = array<i32>} : memref<1x32xi32, #tpu.memory_space<vmem>>, vector<1x16xi32>,
    %get3A_96 = arith.constant 0 : i32
    %get3A_97 = arith.index_cast %get3A_96 : i32 to index
    %get3A_98 = arith.constant 48 : index
    %get3A_99 = tpu.vector_load %arg5[%get3A_97, %get3A_98] {strides = array<i32>} : memref<80x128xi32, #tpu.memory_space<vmem>>, vector<1x16xi32>,
    %get3A_100 = vector.shape_cast %get3A_99 : vector<1x16xi32> to vector<16xi32>
    %and3A_101 = arith.constant 65535 : i32
    %and3A_102 = vector.broadcast %and3A_101 : i32 to vector<16xi32>
    %and3A_103 = arith.andi %get3A_100, %and3A_102 : vector<16xi32>
    %add3A_104 = vector.broadcast %mul3A_18 : i32 to vector<16xi32>
    %add3A_105 = arith.addi %and3A_103, %add3A_104 : vector<16xi32>
    %swap3A_106 = arith.constant 0 : i32
    %swap3A_107 = arith.index_cast %swap3A_106 : i32 to index
    %swap3A_108 = arith.constant 16 : index
    %swap3A_109 = tpu.vector_load %arg8[%swap3A_107, %swap3A_108] {strides = array<i32>} : memref<1x32xi32, #tpu.memory_space<vmem>>, vector<1x16xi32>,
    %swap3A_110 = vector.shape_cast %swap3A_109 : vector<1x16xi32> to vector<16xi32>
    %swap3A_111 = vector.shape_cast %add3A_105 : vector<16xi32> to vector<1x16xi32>
    tpu.vector_store %arg8[%swap3A_107, %swap3A_108], %swap3A_111 {strides = array<i32>} : memref<1x32xi32, #tpu.memory_space<vmem>>, vector<1x16xi32>,
    %shift_right_logical3A_112 = arith.constant 16 : i32
    %shift_right_logical3A_113 = vector.broadcast %shift_right_logical3A_112 : i32 to vector<16xi32>
    %shift_right_logical3A_114 = arith.shrui %get3A_100, %shift_right_logical3A_113 : vector<16xi32>
    %swap3A_115 = arith.constant 0 : i32
    %swap3A_116 = arith.index_cast %swap3A_115 : i32 to index
    %swap3A_117 = arith.constant 16 : index
    %swap3A_118 = tpu.vector_load %arg9[%swap3A_116, %swap3A_117] {strides = array<i32>} : memref<1x32xi32, #tpu.memory_space<vmem>>, vector<1x16xi32>,
    %swap3A_119 = vector.shape_cast %swap3A_118 : vector<1x16xi32> to vector<16xi32>
    %swap3A_120 = vector.shape_cast %shift_right_logical3A_114 : vector<16xi32> to vector<1x16xi32>
    tpu.vector_store %arg9[%swap3A_116, %swap3A_117], %swap3A_120 {strides = array<i32>} : memref<1x32xi32, #tpu.memory_space<vmem>>, vector<1x16xi32>,
    %dma_start3A_121 = arith.constant 0 : i32
    %dma_start3A_122 = arith.constant 0 : i32
    %dma_start3A_123 = tpu.memref_slice %arg8[%dma_start3A_121, %dma_start3A_122] : memref<1x32xi32, #tpu.memory_space<vmem>> -> memref<1x32xi32, #tpu.memory_space<vmem>>
    %dma_start3A_124 = tpu.memref_squeeze %dma_start3A_123 : memref<1x32xi32, #tpu.memory_space<vmem>> -> memref<32xi32, #tpu.memory_space<vmem>>
    %dma_start3A_125 = arith.constant 0 : i32
    %dma_start3A_126 = arith.constant 0 : i32
    %dma_start3A_127 = tpu.memref_slice %arg2[%dma_start3A_125, %dma_start3A_126] : memref<80000x128xf32, #tpu.memory_space<hbm>> -> memref<80000x128xf32, #tpu.memory_space<hbm>>
    tpu.enqueue_indirect_dma source(%dma_start3A_127 : memref<80000x128xf32, #tpu.memory_space<hbm>>) target(%arg23 : memref<32x128xf32, #tpu.memory_space<vmem>>) offsets(%dma_start3A_124 : memref<32xi32, #tpu.memory_space<vmem>>) semaphore(%arg32 : memref<!tpu.dma_semaphore, #tpu.memory_space<semaphore_mem>>)
    %get3A_128 = arith.constant 0 : i32
    %get3A_129 = arith.index_cast %get3A_128 : i32 to index
    %get3A_130 = arith.constant 64 : index
    %get3A_131 = tpu.vector_load %arg5[%get3A_129, %get3A_130] {strides = array<i32>} : memref<80x128xi32, #tpu.memory_space<vmem>>, vector<1x16xi32>,
    %get3A_132 = vector.shape_cast %get3A_131 : vector<1x16xi32> to vector<16xi32>
    %and3A_133 = arith.constant 65535 : i32
    %and3A_134 = vector.broadcast %and3A_133 : i32 to vector<16xi32>
    %and3A_135 = arith.andi %get3A_132, %and3A_134 : vector<16xi32>
    %add3A_136 = vector.broadcast %mul3A_18 : i32 to vector<16xi32>
    %add3A_137 = arith.addi %and3A_135, %add3A_136 : vector<16xi32>
    %swap3A_138 = arith.constant 0 : i32
    %swap3A_139 = arith.index_cast %swap3A_138 : i32 to index
    %swap3A_140 = arith.constant 0 : index
    %swap3A_141 = tpu.vector_load %arg10[%swap3A_139, %swap3A_140] {strides = array<i32>} : memref<1x32xi32, #tpu.memory_space<vmem>>, vector<1x16xi32>,
    %swap3A_142 = vector.shape_cast %swap3A_141 : vector<1x16xi32> to vector<16xi32>
    %swap3A_143 = vector.shape_cast %add3A_137 : vector<16xi32> to vector<1x16xi32>
    tpu.vector_store %arg10[%swap3A_139, %swap3A_140], %swap3A_143 {strides = array<i32>} : memref<1x32xi32, #tpu.memory_space<vmem>>, vector<1x16xi32>,
    %shift_right_logical3A_144 = arith.constant 16 : i32
    %shift_right_logical3A_145 = vector.broadcast %shift_right_logical3A_144 : i32 to vector<16xi32>
    %shift_right_logical3A_146 = arith.shrui %get3A_132, %shift_right_logical3A_145 : vector<16xi32>
    %swap3A_147 = arith.constant 0 : i32
    %swap3A_148 = arith.index_cast %swap3A_147 : i32 to index
    %swap3A_149 = arith.constant 0 : index
    %swap3A_150 = tpu.vector_load %arg11[%swap3A_148, %swap3A_149] {strides = array<i32>} : memref<1x32xi32, #tpu.memory_space<vmem>>, vector<1x16xi32>,
    %swap3A_151 = vector.shape_cast %swap3A_150 : vector<1x16xi32> to vector<16xi32>
    %swap3A_152 = vector.shape_cast %shift_right_logical3A_146 : vector<16xi32> to vector<1x16xi32>
    tpu.vector_store %arg11[%swap3A_148, %swap3A_149], %swap3A_152 {strides = array<i32>} : memref<1x32xi32, #tpu.memory_space<vmem>>, vector<1x16xi32>,
    %get3A_153 = arith.constant 0 : i32
    %get3A_154 = arith.index_cast %get3A_153 : i32 to index
    %get3A_155 = arith.constant 80 : index
    %get3A_156 = tpu.vector_load %arg5[%get3A_154, %get3A_155] {strides = array<i32>} : memref<80x128xi32, #tpu.memory_space<vmem>>, vector<1x16xi32>,
    %get3A_157 = vector.shape_cast %get3A_156 : vector<1x16xi32> to vector<16xi32>
    %and3A_158 = arith.constant 65535 : i32
    %and3A_159 = vector.broadcast %and3A_158 : i32 to vector<16xi32>
    %and3A_160 = arith.andi %get3A_157, %and3A_159 : vector<16xi32>
    %add3A_161 = vector.broadcast %mul3A_18 : i32 to vector<16xi32>
    %add3A_162 = arith.addi %and3A_160, %add3A_161 : vector<16xi32>
    %swap3A_163 = arith.constant 0 : i32
    %swap3A_164 = arith.index_cast %swap3A_163 : i32 to index
    %swap3A_165 = arith.constant 16 : index
    %swap3A_166 = tpu.vector_load %arg10[%swap3A_164, %swap3A_165] {strides = array<i32>} : memref<1x32xi32, #tpu.memory_space<vmem>>, vector<1x16xi32>,
    %swap3A_167 = vector.shape_cast %swap3A_166 : vector<1x16xi32> to vector<16xi32>
    %swap3A_168 = vector.shape_cast %add3A_162 : vector<16xi32> to vector<1x16xi32>
    tpu.vector_store %arg10[%swap3A_164, %swap3A_165], %swap3A_168 {strides = array<i32>} : memref<1x32xi32, #tpu.memory_space<vmem>>, vector<1x16xi32>,
    %shift_right_logical3A_169 = arith.constant 16 : i32
    %shift_right_logical3A_170 = vector.broadcast %shift_right_logical3A_169 : i32 to vector<16xi32>
    %shift_right_logical3A_171 = arith.shrui %get3A_157, %shift_right_logical3A_170 : vector<16xi32>
    %swap3A_172 = arith.constant 0 : i32
    %swap3A_173 = arith.index_cast %swap3A_172 : i32 to index
    %swap3A_174 = arith.constant 16 : index
    %swap3A_175 = tpu.vector_load %arg11[%swap3A_173, %swap3A_174] {strides = array<i32>} : memref<1x32xi32, #tpu.memory_space<vmem>>, vector<1x16xi32>,
    %swap3A_176 = vector.shape_cast %swap3A_175 : vector<1x16xi32> to vector<16xi32>
    %swap3A_177 = vector.shape_cast %shift_right_logical3A_171 : vector<16xi32> to vector<1x16xi32>
    tpu.vector_store %arg11[%swap3A_173, %swap3A_174], %swap3A_177 {strides = array<i32>} : memref<1x32xi32, #tpu.memory_space<vmem>>, vector<1x16xi32>,
    %dma_start3A_178 = arith.constant 0 : i32
    %dma_start3A_179 = arith.constant 0 : i32
    %dma_start3A_180 = tpu.memref_slice %arg10[%dma_start3A_178, %dma_start3A_179] : memref<1x32xi32, #tpu.memory_space<vmem>> -> memref<1x32xi32, #tpu.memory_space<vmem>>
    %dma_start3A_181 = tpu.memref_squeeze %dma_start3A_180 : memref<1x32xi32, #tpu.memory_space<vmem>> -> memref<32xi32, #tpu.memory_space<vmem>>
    %dma_start3A_182 = arith.constant 0 : i32
    %dma_start3A_183 = arith.constant 0 : i32
    %dma_start3A_184 = tpu.memref_slice %arg2[%dma_start3A_182, %dma_start3A_183] : memref<80000x128xf32, #tpu.memory_space<hbm>> -> memref<80000x128xf32, #tpu.memory_space<hbm>>
    tpu.enqueue_indirect_dma source(%dma_start3A_184 : memref<80000x128xf32, #tpu.memory_space<hbm>>) target(%arg24 : memref<32x128xf32, #tpu.memory_space<vmem>>) offsets(%dma_start3A_181 : memref<32xi32, #tpu.memory_space<vmem>>) semaphore(%arg33 : memref<!tpu.dma_semaphore, #tpu.memory_space<semaphore_mem>>)
    %get3A_185 = arith.constant 0 : i32
    %get3A_186 = arith.index_cast %get3A_185 : i32 to index
    %get3A_187 = arith.constant 96 : index
    %get3A_188 = tpu.vector_load %arg5[%get3A_186, %get3A_187] {strides = array<i32>} : memref<80x128xi32, #tpu.memory_space<vmem>>, vector<1x16xi32>,
    %get3A_189 = vector.shape_cast %get3A_188 : vector<1x16xi32> to vector<16xi32>
    %and3A_190 = arith.constant 65535 : i32
    %and3A_191 = vector.broadcast %and3A_190 : i32 to vector<16xi32>
    %and3A_192 = arith.andi %get3A_189, %and3A_191 : vector<16xi32>
    %add3A_193 = vector.broadcast %mul3A_18 : i32 to vector<16xi32>
    %add3A_194 = arith.addi %and3A_192, %add3A_193 : vector<16xi32>
    %swap3A_195 = arith.constant 0 : i32
    %swap3A_196 = arith.index_cast %swap3A_195 : i32 to index
    %swap3A_197 = arith.constant 0 : index
    %swap3A_198 = tpu.vector_load %arg12[%swap3A_196, %swap3A_197] {strides = array<i32>} : memref<1x32xi32, #tpu.memory_space<vmem>>, vector<1x16xi32>,
    %swap3A_199 = vector.shape_cast %swap3A_198 : vector<1x16xi32> to vector<16xi32>
    %swap3A_200 = vector.shape_cast %add3A_194 : vector<16xi32> to vector<1x16xi32>
    tpu.vector_store %arg12[%swap3A_196, %swap3A_197], %swap3A_200 {strides = array<i32>} : memref<1x32xi32, #tpu.memory_space<vmem>>, vector<1x16xi32>,
    %shift_right_logical3A_201 = arith.constant 16 : i32
    %shift_right_logical3A_202 = vector.broadcast %shift_right_logical3A_201 : i32 to vector<16xi32>
    %shift_right_logical3A_203 = arith.shrui %get3A_189, %shift_right_logical3A_202 : vector<16xi32>
    %swap3A_204 = arith.constant 0 : i32
    %swap3A_205 = arith.index_cast %swap3A_204 : i32 to index
    %swap3A_206 = arith.constant 0 : index
    %swap3A_207 = tpu.vector_load %arg13[%swap3A_205, %swap3A_206] {strides = array<i32>} : memref<1x32xi32, #tpu.memory_space<vmem>>, vector<1x16xi32>,
    %swap3A_208 = vector.shape_cast %swap3A_207 : vector<1x16xi32> to vector<16xi32>
    %swap3A_209 = vector.shape_cast %shift_right_logical3A_203 : vector<16xi32> to vector<1x16xi32>
    tpu.vector_store %arg13[%swap3A_205, %swap3A_206], %swap3A_209 {strides = array<i32>} : memref<1x32xi32, #tpu.memory_space<vmem>>, vector<1x16xi32>,
    %get3A_210 = arith.constant 0 : i32
    %get3A_211 = arith.index_cast %get3A_210 : i32 to index
    %get3A_212 = arith.constant 112 : index
    %get3A_213 = tpu.vector_load %arg5[%get3A_211, %get3A_212] {strides = array<i32>} : memref<80x128xi32, #tpu.memory_space<vmem>>, vector<1x16xi32>,
    %get3A_214 = vector.shape_cast %get3A_213 : vector<1x16xi32> to vector<16xi32>
    %and3A_215 = arith.constant 65535 : i32
    %and3A_216 = vector.broadcast %and3A_215 : i32 to vector<16xi32>
    %and3A_217 = arith.andi %get3A_214, %and3A_216 : vector<16xi32>
    %add3A_218 = vector.broadcast %mul3A_18 : i32 to vector<16xi32>
    %add3A_219 = arith.addi %and3A_217, %add3A_218 : vector<16xi32>
    %swap3A_220 = arith.constant 0 : i32
    %swap3A_221 = arith.index_cast %swap3A_220 : i32 to index
    %swap3A_222 = arith.constant 16 : index
    %swap3A_223 = tpu.vector_load %arg12[%swap3A_221, %swap3A_222] {strides = array<i32>} : memref<1x32xi32, #tpu.memory_space<vmem>>, vector<1x16xi32>,
    %swap3A_224 = vector.shape_cast %swap3A_223 : vector<1x16xi32> to vector<16xi32>
    %swap3A_225 = vector.shape_cast %add3A_219 : vector<16xi32> to vector<1x16xi32>
    tpu.vector_store %arg12[%swap3A_221, %swap3A_222], %swap3A_225 {strides = array<i32>} : memref<1x32xi32, #tpu.memory_space<vmem>>, vector<1x16xi32>,
    %shift_right_logical3A_226 = arith.constant 16 : i32
    %shift_right_logical3A_227 = vector.broadcast %shift_right_logical3A_226 : i32 to vector<16xi32>
    %shift_right_logical3A_228 = arith.shrui %get3A_214, %shift_right_logical3A_227 : vector<16xi32>
    %swap3A_229 = arith.constant 0 : i32
    %swap3A_230 = arith.index_cast %swap3A_229 : i32 to index
    %swap3A_231 = arith.constant 16 : index
    %swap3A_232 = tpu.vector_load %arg13[%swap3A_230, %swap3A_231] {strides = array<i32>} : memref<1x32xi32, #tpu.memory_space<vmem>>, vector<1x16xi32>,
    %swap3A_233 = vector.shape_cast %swap3A_232 : vector<1x16xi32> to vector<16xi32>
    %swap3A_234 = vector.shape_cast %shift_right_logical3A_228 : vector<16xi32> to vector<1x16xi32>
    tpu.vector_store %arg13[%swap3A_230, %swap3A_231], %swap3A_234 {strides = array<i32>} : memref<1x32xi32, #tpu.memory_space<vmem>>, vector<1x16xi32>,
    %dma_start3A_235 = arith.constant 0 : i32
    %dma_start3A_236 = arith.constant 0 : i32
    %dma_start3A_237 = tpu.memref_slice %arg12[%dma_start3A_235, %dma_start3A_236] : memref<1x32xi32, #tpu.memory_space<vmem>> -> memref<1x32xi32, #tpu.memory_space<vmem>>
    %dma_start3A_238 = tpu.memref_squeeze %dma_start3A_237 : memref<1x32xi32, #tpu.memory_space<vmem>> -> memref<32xi32, #tpu.memory_space<vmem>>
    %dma_start3A_239 = arith.constant 0 : i32
    %dma_start3A_240 = arith.constant 0 : i32
    %dma_start3A_241 = tpu.memref_slice %arg2[%dma_start3A_239, %dma_start3A_240] : memref<80000x128xf32, #tpu.memory_space<hbm>> -> memref<80000x128xf32, #tpu.memory_space<hbm>>
    tpu.enqueue_indirect_dma source(%dma_start3A_241 : memref<80000x128xf32, #tpu.memory_space<hbm>>) target(%arg25 : memref<32x128xf32, #tpu.memory_space<vmem>>) offsets(%dma_start3A_238 : memref<32xi32, #tpu.memory_space<vmem>>) semaphore(%arg34 : memref<!tpu.dma_semaphore, #tpu.memory_space<semaphore_mem>>)
    %get3A_242 = arith.constant 1 : i32
    %get3A_243 = arith.index_cast %get3A_242 : i32 to index
    %get3A_244 = arith.constant 0 : index
    %get3A_245 = tpu.vector_load %arg5[%get3A_243, %get3A_244] {strides = array<i32>} : memref<80x128xi32, #tpu.memory_space<vmem>>, vector<1x16xi32>,
    %get3A_246 = vector.shape_cast %get3A_245 : vector<1x16xi32> to vector<16xi32>
    %and3A_247 = arith.constant 65535 : i32
    %and3A_248 = vector.broadcast %and3A_247 : i32 to vector<16xi32>
    %and3A_249 = arith.andi %get3A_246, %and3A_248 : vector<16xi32>
    %add3A_250 = vector.broadcast %mul3A_18 : i32 to vector<16xi32>
    %add3A_251 = arith.addi %and3A_249, %add3A_250 : vector<16xi32>
    %swap3A_252 = arith.constant 0 : i32
    %swap3A_253 = arith.index_cast %swap3A_252 : i32 to index
    %swap3A_254 = arith.constant 0 : index
    %swap3A_255 = tpu.vector_load %arg14[%swap3A_253, %swap3A_254] {strides = array<i32>} : memref<1x32xi32, #tpu.memory_space<vmem>>, vector<1x16xi32>,
    %swap3A_256 = vector.shape_cast %swap3A_255 : vector<1x16xi32> to vector<16xi32>
    %swap3A_257 = vector.shape_cast %add3A_251 : vector<16xi32> to vector<1x16xi32>
    tpu.vector_store %arg14[%swap3A_253, %swap3A_254], %swap3A_257 {strides = array<i32>} : memref<1x32xi32, #tpu.memory_space<vmem>>, vector<1x16xi32>,
    %shift_right_logical3A_258 = arith.constant 16 : i32
    %shift_right_logical3A_259 = vector.broadcast %shift_right_logical3A_258 : i32 to vector<16xi32>
    %shift_right_logical3A_260 = arith.shrui %get3A_246, %shift_right_logical3A_259 : vector<16xi32>
    %swap3A_261 = arith.constant 0 : i32
    %swap3A_262 = arith.index_cast %swap3A_261 : i32 to index
    %swap3A_263 = arith.constant 0 : index
    %swap3A_264 = tpu.vector_load %arg15[%swap3A_262, %swap3A_263] {strides = array<i32>} : memref<1x32xi32, #tpu.memory_space<vmem>>, vector<1x16xi32>,
    %swap3A_265 = vector.shape_cast %swap3A_264 : vector<1x16xi32> to vector<16xi32>
    %swap3A_266 = vector.shape_cast %shift_right_logical3A_260 : vector<16xi32> to vector<1x16xi32>
    tpu.vector_store %arg15[%swap3A_262, %swap3A_263], %swap3A_266 {strides = array<i32>} : memref<1x32xi32, #tpu.memory_space<vmem>>, vector<1x16xi32>,
    %get3A_267 = arith.constant 1 : i32
    %get3A_268 = arith.index_cast %get3A_267 : i32 to index
    %get3A_269 = arith.constant 16 : index
    %get3A_270 = tpu.vector_load %arg5[%get3A_268, %get3A_269] {strides = array<i32>} : memref<80x128xi32, #tpu.memory_space<vmem>>, vector<1x16xi32>,
    %get3A_271 = vector.shape_cast %get3A_270 : vector<1x16xi32> to vector<16xi32>
    %and3A_272 = arith.constant 65535 : i32
    %and3A_273 = vector.broadcast %and3A_272 : i32 to vector<16xi32>
    %and3A_274 = arith.andi %get3A_271, %and3A_273 : vector<16xi32>
    %add3A_275 = vector.broadcast %mul3A_18 : i32 to vector<16xi32>
    %add3A_276 = arith.addi %and3A_274, %add3A_275 : vector<16xi32>
    %swap3A_277 = arith.constant 0 : i32
    %swap3A_278 = arith.index_cast %swap3A_277 : i32 to index
    %swap3A_279 = arith.constant 16 : index
    %swap3A_280 = tpu.vector_load %arg14[%swap3A_278, %swap3A_279] {strides = array<i32>} : memref<1x32xi32, #tpu.memory_space<vmem>>, vector<1x16xi32>,
    %swap3A_281 = vector.shape_cast %swap3A_280 : vector<1x16xi32> to vector<16xi32>
    %swap3A_282 = vector.shape_cast %add3A_276 : vector<16xi32> to vector<1x16xi32>
    tpu.vector_store %arg14[%swap3A_278, %swap3A_279], %swap3A_282 {strides = array<i32>} : memref<1x32xi32, #tpu.memory_space<vmem>>, vector<1x16xi32>,
    %shift_right_logical3A_283 = arith.constant 16 : i32
    %shift_right_logical3A_284 = vector.broadcast %shift_right_logical3A_283 : i32 to vector<16xi32>
    %shift_right_logical3A_285 = arith.shrui %get3A_271, %shift_right_logical3A_284 : vector<16xi32>
    %swap3A_286 = arith.constant 0 : i32
    %swap3A_287 = arith.index_cast %swap3A_286 : i32 to index
    %swap3A_288 = arith.constant 16 : index
    %swap3A_289 = tpu.vector_load %arg15[%swap3A_287, %swap3A_288] {strides = array<i32>} : memref<1x32xi32, #tpu.memory_space<vmem>>, vector<1x16xi32>,
    %swap3A_290 = vector.shape_cast %swap3A_289 : vector<1x16xi32> to vector<16xi32>
    %swap3A_291 = vector.shape_cast %shift_right_logical3A_285 : vector<16xi32> to vector<1x16xi32>
    tpu.vector_store %arg15[%swap3A_287, %swap3A_288], %swap3A_291 {strides = array<i32>} : memref<1x32xi32, #tpu.memory_space<vmem>>, vector<1x16xi32>,
    %dma_start3A_292 = arith.constant 0 : i32
    %dma_start3A_293 = arith.constant 0 : i32
    %dma_start3A_294 = tpu.memref_slice %arg14[%dma_start3A_292, %dma_start3A_293] : memref<1x32xi32, #tpu.memory_space<vmem>> -> memref<1x32xi32, #tpu.memory_space<vmem>>
    %dma_start3A_295 = tpu.memref_squeeze %dma_start3A_294 : memref<1x32xi32, #tpu.memory_space<vmem>> -> memref<32xi32, #tpu.memory_space<vmem>>
    %dma_start3A_296 = arith.constant 0 : i32
    %dma_start3A_297 = arith.constant 0 : i32
    %dma_start3A_298 = tpu.memref_slice %arg2[%dma_start3A_296, %dma_start3A_297] : memref<80000x128xf32, #tpu.memory_space<hbm>> -> memref<80000x128xf32, #tpu.memory_space<hbm>>
    tpu.enqueue_indirect_dma source(%dma_start3A_298 : memref<80000x128xf32, #tpu.memory_space<hbm>>) target(%arg26 : memref<32x128xf32, #tpu.memory_space<vmem>>) offsets(%dma_start3A_295 : memref<32xi32, #tpu.memory_space<vmem>>) semaphore(%arg35 : memref<!tpu.dma_semaphore, #tpu.memory_space<semaphore_mem>>)
    %get3A_299 = arith.constant 1 : i32
    %get3A_300 = arith.index_cast %get3A_299 : i32 to index
    %get3A_301 = arith.constant 32 : index
    %get3A_302 = tpu.vector_load %arg5[%get3A_300, %get3A_301] {strides = array<i32>} : memref<80x128xi32, #tpu.memory_space<vmem>>, vector<1x16xi32>,
    %get3A_303 = vector.shape_cast %get3A_302 : vector<1x16xi32> to vector<16xi32>
    %and3A_304 = arith.constant 65535 : i32
    %and3A_305 = vector.broadcast %and3A_304 : i32 to vector<16xi32>
    %and3A_306 = arith.andi %get3A_303, %and3A_305 : vector<16xi32>
    %add3A_307 = vector.broadcast %mul3A_18 : i32 to vector<16xi32>
    %add3A_308 = arith.addi %and3A_306, %add3A_307 : vector<16xi32>
    %swap3A_309 = arith.constant 0 : i32
    %swap3A_310 = arith.index_cast %swap3A_309 : i32 to index
    %swap3A_311 = arith.constant 0 : index
    %swap3A_312 = tpu.vector_load %arg16[%swap3A_310, %swap3A_311] {strides = array<i32>} : memref<1x32xi32, #tpu.memory_space<vmem>>, vector<1x16xi32>,
    %swap3A_313 = vector.shape_cast %swap3A_312 : vector<1x16xi32> to vector<16xi32>
    %swap3A_314 = vector.shape_cast %add3A_308 : vector<16xi32> to vector<1x16xi32>
    tpu.vector_store %arg16[%swap3A_310, %swap3A_311], %swap3A_314 {strides = array<i32>} : memref<1x32xi32, #tpu.memory_space<vmem>>, vector<1x16xi32>,
    %shift_right_logical3A_315 = arith.constant 16 : i32
    %shift_right_logical3A_316 = vector.broadcast %shift_right_logical3A_315 : i32 to vector<16xi32>
    %shift_right_logical3A_317 = arith.shrui %get3A_303, %shift_right_logical3A_316 : vector<16xi32>
    %swap3A_318 = arith.constant 0 : i32
    %swap3A_319 = arith.index_cast %swap3A_318 : i32 to index
    %swap3A_320 = arith.constant 0 : index
    %swap3A_321 = tpu.vector_load %arg17[%swap3A_319, %swap3A_320] {strides = array<i32>} : memref<1x32xi32, #tpu.memory_space<vmem>>, vector<1x16xi32>,
    %swap3A_322 = vector.shape_cast %swap3A_321 : vector<1x16xi32> to vector<16xi32>
    %swap3A_323 = vector.shape_cast %shift_right_logical3A_317 : vector<16xi32> to vector<1x16xi32>
    tpu.vector_store %arg17[%swap3A_319, %swap3A_320], %swap3A_323 {strides = array<i32>} : memref<1x32xi32, #tpu.memory_space<vmem>>, vector<1x16xi32>,
    %get3A_324 = arith.constant 1 : i32
    %get3A_325 = arith.index_cast %get3A_324 : i32 to index
    %get3A_326 = arith.constant 48 : index
    %get3A_327 = tpu.vector_load %arg5[%get3A_325, %get3A_326] {strides = array<i32>} : memref<80x128xi32, #tpu.memory_space<vmem>>, vector<1x16xi32>,
    %get3A_328 = vector.shape_cast %get3A_327 : vector<1x16xi32> to vector<16xi32>
    %and3A_329 = arith.constant 65535 : i32
    %and3A_330 = vector.broadcast %and3A_329 : i32 to vector<16xi32>
    %and3A_331 = arith.andi %get3A_328, %and3A_330 : vector<16xi32>
    %add3A_332 = vector.broadcast %mul3A_18 : i32 to vector<16xi32>
    %add3A_333 = arith.addi %and3A_331, %add3A_332 : vector<16xi32>
    %swap3A_334 = arith.constant 0 : i32
    %swap3A_335 = arith.index_cast %swap3A_334 : i32 to index
    %swap3A_336 = arith.constant 16 : index
    %swap3A_337 = tpu.vector_load %arg16[%swap3A_335, %swap3A_336] {strides = array<i32>} : memref<1x32xi32, #tpu.memory_space<vmem>>, vector<1x16xi32>,
    %swap3A_338 = vector.shape_cast %swap3A_337 : vector<1x16xi32> to vector<16xi32>
    %swap3A_339 = vector.shape_cast %add3A_333 : vector<16xi32> to vector<1x16xi32>
    tpu.vector_store %arg16[%swap3A_335, %swap3A_336], %swap3A_339 {strides = array<i32>} : memref<1x32xi32, #tpu.memory_space<vmem>>, vector<1x16xi32>,
    %shift_right_logical3A_340 = arith.constant 16 : i32
    %shift_right_logical3A_341 = vector.broadcast %shift_right_logical3A_340 : i32 to vector<16xi32>
    %shift_right_logical3A_342 = arith.shrui %get3A_328, %shift_right_logical3A_341 : vector<16xi32>
    %swap3A_343 = arith.constant 0 : i32
    %swap3A_344 = arith.index_cast %swap3A_343 : i32 to index
    %swap3A_345 = arith.constant 16 : index
    %swap3A_346 = tpu.vector_load %arg17[%swap3A_344, %swap3A_345] {strides = array<i32>} : memref<1x32xi32, #tpu.memory_space<vmem>>, vector<1x16xi32>,
    %swap3A_347 = vector.shape_cast %swap3A_346 : vector<1x16xi32> to vector<16xi32>
    %swap3A_348 = vector.shape_cast %shift_right_logical3A_342 : vector<16xi32> to vector<1x16xi32>
    tpu.vector_store %arg17[%swap3A_344, %swap3A_345], %swap3A_348 {strides = array<i32>} : memref<1x32xi32, #tpu.memory_space<vmem>>, vector<1x16xi32>,
    %dma_start3A_349 = arith.constant 0 : i32
    %dma_start3A_350 = arith.constant 0 : i32
    %dma_start3A_351 = tpu.memref_slice %arg16[%dma_start3A_349, %dma_start3A_350] : memref<1x32xi32, #tpu.memory_space<vmem>> -> memref<1x32xi32, #tpu.memory_space<vmem>>
    %dma_start3A_352 = tpu.memref_squeeze %dma_start3A_351 : memref<1x32xi32, #tpu.memory_space<vmem>> -> memref<32xi32, #tpu.memory_space<vmem>>
    %dma_start3A_353 = arith.constant 0 : i32
    %dma_start3A_354 = arith.constant 0 : i32
    %dma_start3A_355 = tpu.memref_slice %arg2[%dma_start3A_353, %dma_start3A_354] : memref<80000x128xf32, #tpu.memory_space<hbm>> -> memref<80000x128xf32, #tpu.memory_space<hbm>>
    tpu.enqueue_indirect_dma source(%dma_start3A_355 : memref<80000x128xf32, #tpu.memory_space<hbm>>) target(%arg27 : memref<32x128xf32, #tpu.memory_space<vmem>>) offsets(%dma_start3A_352 : memref<32xi32, #tpu.memory_space<vmem>>) semaphore(%arg36 : memref<!tpu.dma_semaphore, #tpu.memory_space<semaphore_mem>>)
    %get3A_356 = arith.constant 1 : i32
    %get3A_357 = arith.index_cast %get3A_356 : i32 to index
    %get3A_358 = arith.constant 64 : index
    %get3A_359 = tpu.vector_load %arg5[%get3A_357, %get3A_358] {strides = array<i32>} : memref<80x128xi32, #tpu.memory_space<vmem>>, vector<1x16xi32>,
    %get3A_360 = vector.shape_cast %get3A_359 : vector<1x16xi32> to vector<16xi32>
    %and3A_361 = arith.constant 65535 : i32
    %and3A_362 = vector.broadcast %and3A_361 : i32 to vector<16xi32>
    %and3A_363 = arith.andi %get3A_360, %and3A_362 : vector<16xi32>
    %add3A_364 = vector.broadcast %mul3A_18 : i32 to vector<16xi32>
    %add3A_365 = arith.addi %and3A_363, %add3A_364 : vector<16xi32>
    %swap3A_366 = arith.constant 0 : i32
    %swap3A_367 = arith.index_cast %swap3A_366 : i32 to index
    %swap3A_368 = arith.constant 0 : index
    %swap3A_369 = tpu.vector_load %arg18[%swap3A_367, %swap3A_368] {strides = array<i32>} : memref<1x32xi32, #tpu.memory_space<vmem>>, vector<1x16xi32>,
    %swap3A_370 = vector.shape_cast %swap3A_369 : vector<1x16xi32> to vector<16xi32>
    %swap3A_371 = vector.shape_cast %add3A_365 : vector<16xi32> to vector<1x16xi32>
    tpu.vector_store %arg18[%swap3A_367, %swap3A_368], %swap3A_371 {strides = array<i32>} : memref<1x32xi32, #tpu.memory_space<vmem>>, vector<1x16xi32>,
    %shift_right_logical3A_372 = arith.constant 16 : i32
    %shift_right_logical3A_373 = vector.broadcast %shift_right_logical3A_372 : i32 to vector<16xi32>
    %shift_right_logical3A_374 = arith.shrui %get3A_360, %shift_right_logical3A_373 : vector<16xi32>
    %swap3A_375 = arith.constant 0 : i32
    %swap3A_376 = arith.index_cast %swap3A_375 : i32 to index
    %swap3A_377 = arith.constant 0 : index
    %swap3A_378 = tpu.vector_load %arg19[%swap3A_376, %swap3A_377] {strides = array<i32>} : memref<1x32xi32, #tpu.memory_space<vmem>>, vector<1x16xi32>,
    %swap3A_379 = vector.shape_cast %swap3A_378 : vector<1x16xi32> to vector<16xi32>
    %swap3A_380 = vector.shape_cast %shift_right_logical3A_374 : vector<16xi32> to vector<1x16xi32>
    tpu.vector_store %arg19[%swap3A_376, %swap3A_377], %swap3A_380 {strides = array<i32>} : memref<1x32xi32, #tpu.memory_space<vmem>>, vector<1x16xi32>,
    %get3A_381 = arith.constant 1 : i32
    %get3A_382 = arith.index_cast %get3A_381 : i32 to index
    %get3A_383 = arith.constant 80 : index
    %get3A_384 = tpu.vector_load %arg5[%get3A_382, %get3A_383] {strides = array<i32>} : memref<80x128xi32, #tpu.memory_space<vmem>>, vector<1x16xi32>,
    %get3A_385 = vector.shape_cast %get3A_384 : vector<1x16xi32> to vector<16xi32>
    %and3A_386 = arith.constant 65535 : i32
    %and3A_387 = vector.broadcast %and3A_386 : i32 to vector<16xi32>
    %and3A_388 = arith.andi %get3A_385, %and3A_387 : vector<16xi32>
    %add3A_389 = vector.broadcast %mul3A_18 : i32 to vector<16xi32>
    %add3A_390 = arith.addi %and3A_388, %add3A_389 : vector<16xi32>
    %swap3A_391 = arith.constant 0 : i32
    %swap3A_392 = arith.index_cast %swap3A_391 : i32 to index
    %swap3A_393 = arith.constant 16 : index
    %swap3A_394 = tpu.vector_load %arg18[%swap3A_392, %swap3A_393] {strides = array<i32>} : memref<1x32xi32, #tpu.memory_space<vmem>>, vector<1x16xi32>,
    %swap3A_395 = vector.shape_cast %swap3A_394 : vector<1x16xi32> to vector<16xi32>
    %swap3A_396 = vector.shape_cast %add3A_390 : vector<16xi32> to vector<1x16xi32>
    tpu.vector_store %arg18[%swap3A_392, %swap3A_393], %swap3A_396 {strides = array<i32>} : memref<1x32xi32, #tpu.memory_space<vmem>>, vector<1x16xi32>,
    %shift_right_logical3A_397 = arith.constant 16 : i32
    %shift_right_logical3A_398 = vector.broadcast %shift_right_logical3A_397 : i32 to vector<16xi32>
    %shift_right_logical3A_399 = arith.shrui %get3A_385, %shift_right_logical3A_398 : vector<16xi32>
    %swap3A_400 = arith.constant 0 : i32
    %swap3A_401 = arith.index_cast %swap3A_400 : i32 to index
    %swap3A_402 = arith.constant 16 : index
    %swap3A_403 = tpu.vector_load %arg19[%swap3A_401, %swap3A_402] {strides = array<i32>} : memref<1x32xi32, #tpu.memory_space<vmem>>, vector<1x16xi32>,
    %swap3A_404 = vector.shape_cast %swap3A_403 : vector<1x16xi32> to vector<16xi32>
    %swap3A_405 = vector.shape_cast %shift_right_logical3A_399 : vector<16xi32> to vector<1x16xi32>
    tpu.vector_store %arg19[%swap3A_401, %swap3A_402], %swap3A_405 {strides = array<i32>} : memref<1x32xi32, #tpu.memory_space<vmem>>, vector<1x16xi32>,
    %dma_start3A_406 = arith.constant 0 : i32
    %dma_start3A_407 = arith.constant 0 : i32
    %dma_start3A_408 = tpu.memref_slice %arg18[%dma_start3A_406, %dma_start3A_407] : memref<1x32xi32, #tpu.memory_space<vmem>> -> memref<1x32xi32, #tpu.memory_space<vmem>>
    %dma_start3A_409 = tpu.memref_squeeze %dma_start3A_408 : memref<1x32xi32, #tpu.memory_space<vmem>> -> memref<32xi32, #tpu.memory_space<vmem>>
    %dma_start3A_410 = arith.constant 0 : i32
    %dma_start3A_411 = arith.constant 0 : i32
    %dma_start3A_412 = tpu.memref_slice %arg2[%dma_start3A_410, %dma_start3A_411] : memref<80000x128xf32, #tpu.memory_space<hbm>> -> memref<80000x128xf32, #tpu.memory_space<hbm>>
    tpu.enqueue_indirect_dma source(%dma_start3A_412 : memref<80000x128xf32, #tpu.memory_space<hbm>>) target(%arg28 : memref<32x128xf32, #tpu.memory_space<vmem>>) offsets(%dma_start3A_409 : memref<32xi32, #tpu.memory_space<vmem>>) semaphore(%arg37 : memref<!tpu.dma_semaphore, #tpu.memory_space<semaphore_mem>>)
    %get3A_413 = arith.constant 1 : i32
    %get3A_414 = arith.index_cast %get3A_413 : i32 to index
    %get3A_415 = arith.constant 96 : index
    %get3A_416 = tpu.vector_load %arg5[%get3A_414, %get3A_415] {strides = array<i32>} : memref<80x128xi32, #tpu.memory_space<vmem>>, vector<1x16xi32>,
    %get3A_417 = vector.shape_cast %get3A_416 : vector<1x16xi32> to vector<16xi32>
    %and3A_418 = arith.constant 65535 : i32
    %and3A_419 = vector.broadcast %and3A_418 : i32 to vector<16xi32>
    %and3A_420 = arith.andi %get3A_417, %and3A_419 : vector<16xi32>
    %add3A_421 = vector.broadcast %mul3A_18 : i32 to vector<16xi32>
    %add3A_422 = arith.addi %and3A_420, %add3A_421 : vector<16xi32>
    %swap3A_423 = arith.constant 0 : i32
    %swap3A_424 = arith.index_cast %swap3A_423 : i32 to index
    %swap3A_425 = arith.constant 0 : index
    %swap3A_426 = tpu.vector_load %arg20[%swap3A_424, %swap3A_425] {strides = array<i32>} : memref<1x32xi32, #tpu.memory_space<vmem>>, vector<1x16xi32>,
    %swap3A_427 = vector.shape_cast %swap3A_426 : vector<1x16xi32> to vector<16xi32>
    %swap3A_428 = vector.shape_cast %add3A_422 : vector<16xi32> to vector<1x16xi32>
    tpu.vector_store %arg20[%swap3A_424, %swap3A_425], %swap3A_428 {strides = array<i32>} : memref<1x32xi32, #tpu.memory_space<vmem>>, vector<1x16xi32>,
    %shift_right_logical3A_429 = arith.constant 16 : i32
    %shift_right_logical3A_430 = vector.broadcast %shift_right_logical3A_429 : i32 to vector<16xi32>
    %shift_right_logical3A_431 = arith.shrui %get3A_417, %shift_right_logical3A_430 : vector<16xi32>
    %swap3A_432 = arith.constant 0 : i32
    %swap3A_433 = arith.index_cast %swap3A_432 : i32 to index
    %swap3A_434 = arith.constant 0 : index
    %swap3A_435 = tpu.vector_load %arg21[%swap3A_433, %swap3A_434] {strides = array<i32>} : memref<1x32xi32, #tpu.memory_space<vmem>>, vector<1x16xi32>,
    %swap3A_436 = vector.shape_cast %swap3A_435 : vector<1x16xi32> to vector<16xi32>
    %swap3A_437 = vector.shape_cast %shift_right_logical3A_431 : vector<16xi32> to vector<1x16xi32>
    tpu.vector_store %arg21[%swap3A_433, %swap3A_434], %swap3A_437 {strides = array<i32>} : memref<1x32xi32, #tpu.memory_space<vmem>>, vector<1x16xi32>,
    %get3A_438 = arith.constant 1 : i32
    %get3A_439 = arith.index_cast %get3A_438 : i32 to index
    %get3A_440 = arith.constant 112 : index
    %get3A_441 = tpu.vector_load %arg5[%get3A_439, %get3A_440] {strides = array<i32>} : memref<80x128xi32, #tpu.memory_space<vmem>>, vector<1x16xi32>,
    %get3A_442 = vector.shape_cast %get3A_441 : vector<1x16xi32> to vector<16xi32>
    %and3A_443 = arith.constant 65535 : i32
    %and3A_444 = vector.broadcast %and3A_443 : i32 to vector<16xi32>
    %and3A_445 = arith.andi %get3A_442, %and3A_444 : vector<16xi32>
    %add3A_446 = vector.broadcast %mul3A_18 : i32 to vector<16xi32>
    %add3A_447 = arith.addi %and3A_445, %add3A_446 : vector<16xi32>
    %swap3A_448 = arith.constant 0 : i32
    %swap3A_449 = arith.index_cast %swap3A_448 : i32 to index
    %swap3A_450 = arith.constant 16 : index
    %swap3A_451 = tpu.vector_load %arg20[%swap3A_449, %swap3A_450] {strides = array<i32>} : memref<1x32xi32, #tpu.memory_space<vmem>>, vector<1x16xi32>,
    %swap3A_452 = vector.shape_cast %swap3A_451 : vector<1x16xi32> to vector<16xi32>
    %swap3A_453 = vector.shape_cast %add3A_447 : vector<16xi32> to vector<1x16xi32>
    tpu.vector_store %arg20[%swap3A_449, %swap3A_450], %swap3A_453 {strides = array<i32>} : memref<1x32xi32, #tpu.memory_space<vmem>>, vector<1x16xi32>,
    %shift_right_logical3A_454 = arith.constant 16 : i32
    %shift_right_logical3A_455 = vector.broadcast %shift_right_logical3A_454 : i32 to vector<16xi32>
    %shift_right_logical3A_456 = arith.shrui %get3A_442, %shift_right_logical3A_455 : vector<16xi32>
    %swap3A_457 = arith.constant 0 : i32
    %swap3A_458 = arith.index_cast %swap3A_457 : i32 to index
    %swap3A_459 = arith.constant 16 : index
    %swap3A_460 = tpu.vector_load %arg21[%swap3A_458, %swap3A_459] {strides = array<i32>} : memref<1x32xi32, #tpu.memory_space<vmem>>, vector<1x16xi32>,
    %swap3A_461 = vector.shape_cast %swap3A_460 : vector<1x16xi32> to vector<16xi32>
    %swap3A_462 = vector.shape_cast %shift_right_logical3A_456 : vector<16xi32> to vector<1x16xi32>
    tpu.vector_store %arg21[%swap3A_458, %swap3A_459], %swap3A_462 {strides = array<i32>} : memref<1x32xi32, #tpu.memory_space<vmem>>, vector<1x16xi32>,
    %dma_start3A_463 = arith.constant 0 : i32
    %dma_start3A_464 = arith.constant 0 : i32
    %dma_start3A_465 = tpu.memref_slice %arg20[%dma_start3A_463, %dma_start3A_464] : memref<1x32xi32, #tpu.memory_space<vmem>> -> memref<1x32xi32, #tpu.memory_space<vmem>>
    %dma_start3A_466 = tpu.memref_squeeze %dma_start3A_465 : memref<1x32xi32, #tpu.memory_space<vmem>> -> memref<32xi32, #tpu.memory_space<vmem>>
    %dma_start3A_467 = arith.constant 0 : i32
    %dma_start3A_468 = arith.constant 0 : i32
    %dma_start3A_469 = tpu.memref_slice %arg2[%dma_start3A_467, %dma_start3A_468] : memref<80000x128xf32, #tpu.memory_space<hbm>> -> memref<80000x128xf32, #tpu.memory_space<hbm>>
    tpu.enqueue_indirect_dma source(%dma_start3A_469 : memref<80000x128xf32, #tpu.memory_space<hbm>>) target(%arg29 : memref<32x128xf32, #tpu.memory_space<vmem>>) offsets(%dma_start3A_466 : memref<32xi32, #tpu.memory_space<vmem>>) semaphore(%arg38 : memref<!tpu.dma_semaphore, #tpu.memory_space<semaphore_mem>>)
    %scan3A_470 = arith.constant 0 : i32
    %scan3A_471 = arith.constant 0 : i32
    %scan3A_472 = arith.constant 0 : i32
    %scan3A_473 = arith.constant 0 : i32
    %scan3A_474 = arith.constant 0 : i32
    %scan3A_475 = arith.constant 0 : i32
    %scan3A_476 = arith.constant 0 : i32
    %scan3A_477 = arith.constant 0 : i32
    %scan3A_478 = arith.constant 0 : i32
    %scan3A_479 = arith.constant 0 : i32
    %scan3A_480 = arith.constant 39 : i32
    %scan3A_481 = arith.addi %scan3A_479, %scan3A_480 : i32
    %scan3A_482 = arith.constant 1 : i32
    %scan3A_483 = scf.for %scan3A_558 = %scan3A_479 to %scan3A_481 step %scan3A_482 iter_args(%scan3A_559 = %scan3A_478) -> (i32)  : i32 {
      %mul3A_560 = arith.constant 8 : i32
      %mul3A_561 = arith.muli %mul3A_560, %scan3A_558 : i32
      %dma_wait3A_562 = arith.constant 0 : i32
      %dma_wait3A_563 = tpu.memref_slice %arg6[%scan3A_470, %dma_wait3A_562] : memref<1x32xi32, #tpu.memory_space<vmem>> -> memref<1x32xi32, #tpu.memory_space<vmem>>
      %dma_wait3A_564 = tpu.memref_squeeze %dma_wait3A_563 : memref<1x32xi32, #tpu.memory_space<vmem>> -> memref<32xi32, #tpu.memory_space<vmem>>
      %dma_wait3A_565 = arith.constant 0 : i32
      %dma_wait3A_566 = arith.constant 0 : i32
      %dma_wait3A_567 = tpu.memref_slice %arg2[%dma_wait3A_565, %dma_wait3A_566] : memref<80000x128xf32, #tpu.memory_space<hbm>> -> memref<80000x128xf32, #tpu.memory_space<hbm>>
      tpu.wait_indirect_dma semaphore(%arg31 : memref<!tpu.dma_semaphore, #tpu.memory_space<semaphore_mem>>) src(%dma_wait3A_567 : memref<80000x128xf32, #tpu.memory_space<hbm>>) dst(%arg22 : memref<32x128xf32, #tpu.memory_space<vmem>>)
      %run_scoped3A_568 = arith.constant 0 : i32
      "tpu.region"() ({
        %run_scoped3A_1645 = tpu.sem_alloc : memref<!tpu.dma_semaphore, #tpu.memory_space<semaphore_mem>>
        %dma_start3A_1646 = arith.constant 0 : i32
        %dma_start3A_1647 = tpu.memref_slice %arg7[%run_scoped3A_568, %dma_start3A_1646] : memref<1x32xi32, #tpu.memory_space<vmem>> -> memref<1x32xi32, #tpu.memory_space<vmem>>
        %dma_start3A_1648 = tpu.memref_squeeze %dma_start3A_1647 : memref<1x32xi32, #tpu.memory_space<vmem>> -> memref<32xi32, #tpu.memory_space<vmem>>
        %dma_start3A_1649 = arith.constant 0 : i32
        %dma_start3A_1650 = arith.constant 0 : i32
        %dma_start3A_1651 = tpu.memref_slice %arg30[%dma_start3A_1649, %dma_start3A_1650] : memref<10240x128xf32, #tpu.memory_space<vmem_shared>> -> memref<10240x128xf32, #tpu.memory_space<vmem_shared>>
        tpu.enqueue_indirect_dma source(%arg22 : memref<32x128xf32, #tpu.memory_space<vmem>>) target(%dma_start3A_1651 : memref<10240x128xf32, #tpu.memory_space<vmem_shared>>) offsets(%dma_start3A_1648 : memref<32xi32, #tpu.memory_space<vmem>>) semaphore(%run_scoped3A_1645 : memref<!tpu.dma_semaphore, #tpu.memory_space<semaphore_mem>>) {add = true}
        %dma_wait3A_1652 = arith.constant 0 : i32
        %dma_wait3A_1653 = tpu.memref_slice %arg7[%run_scoped3A_568, %dma_wait3A_1652] : memref<1x32xi32, #tpu.memory_space<vmem>> -> memref<1x32xi32, #tpu.memory_space<vmem>>
        %dma_wait3A_1654 = tpu.memref_squeeze %dma_wait3A_1653 : memref<1x32xi32, #tpu.memory_space<vmem>> -> memref<32xi32, #tpu.memory_space<vmem>>
        %dma_wait3A_1655 = arith.constant 0 : i32
        %dma_wait3A_1656 = arith.constant 0 : i32
        %dma_wait3A_1657 = tpu.memref_slice %arg30[%dma_wait3A_1655, %dma_wait3A_1656] : memref<10240x128xf32, #tpu.memory_space<vmem_shared>> -> memref<10240x128xf32, #tpu.memory_space<vmem_shared>>
        tpu.wait_indirect_dma semaphore(%run_scoped3A_1645 : memref<!tpu.dma_semaphore, #tpu.memory_space<semaphore_mem>>) src(%arg22 : memref<32x128xf32, #tpu.memory_space<vmem>>) dst(%dma_wait3A_1657 : memref<10240x128xf32, #tpu.memory_space<vmem_shared>>)
        tpu.yield
      }) : () -> ()
      %add3A_569 = arith.constant 8 : i32
      %add3A_570 = arith.addi %mul3A_561, %add3A_569 : i32
      %add3A_571 = arith.constant 0 : i32
      %add3A_572 = arith.addi %add3A_570, %add3A_571 : i32
      %jit3A = arith.constant 4 : i32
      %eq3A_573 = arith.constant 0 : i32
      %eq3A_574 = arith.cmpi eq, %jit3A, %eq3A_573 : i32
      %jit3A_575 = arith.constant 1 : i32
      %select_n3A = arith.select %eq3A_574, %jit3A_575, %jit3A : i32
      %rem3A = arith.remsi %add3A_572, %select_n3A : i32
      %ne3A = arith.constant 0 : i32
      %ne3A_576 = arith.cmpi ne, %rem3A, %ne3A : i32
      %lt3A_577 = arith.constant 0 : i32
      %lt3A_578 = arith.cmpi slt, %rem3A, %lt3A_577 : i32
      %lt3A_579 = arith.constant 0 : i32
      %lt3A_580 = arith.cmpi slt, %select_n3A, %lt3A_579 : i32
      %ne3A_581 = arith.xori %lt3A_578, %lt3A_580 : i1
      %and3A_582 = arith.andi %ne3A_581, %ne3A_576 : i1
      %add3A_583 = arith.addi %rem3A, %select_n3A : i32
      %select_n3A_584 = arith.select %and3A_582, %add3A_583, %rem3A : i32
      %mul3A_585 = arith.constant 32 : i32
      %mul3A_586 = arith.muli %select_n3A_584, %mul3A_585 : i32
      %jit3A_587 = arith.constant 4 : i32
      %div3A_588 = arith.divsi %add3A_572, %jit3A_587 : i32
      %sign3A = arith.constant 0 : i32
      %sign3A_589 = arith.cmpi sgt, %add3A_572, %sign3A : i32
      %sign3A_590 = arith.extui %sign3A_589 : i1 to i32
      %sign3A_591 = arith.constant 0 : i32
      %sign3A_592 = arith.cmpi slt, %add3A_572, %sign3A_591 : i32
      %sign3A_593 = arith.extui %sign3A_592 : i1 to i32
      %sign3A_594 = arith.subi %sign3A_590, %sign3A_593 : i32
      %sign3A_595 = arith.constant 0 : i32
      %sign3A_596 = arith.cmpi sgt, %jit3A_587, %sign3A_595 : i32
      %sign3A_597 = arith.extui %sign3A_596 : i1 to i32
      %sign3A_598 = arith.constant 0 : i32
      %sign3A_599 = arith.cmpi slt, %jit3A_587, %sign3A_598 : i32
      %sign3A_600 = arith.extui %sign3A_599 : i1 to i32
      %sign3A_601 = arith.subi %sign3A_597, %sign3A_600 : i32
      %ne3A_602 = arith.cmpi ne, %sign3A_594, %sign3A_601 : i32
      %rem3A_603 = arith.remsi %add3A_572, %jit3A_587 : i32
      %ne3A_604 = arith.constant 0 : i32
      %ne3A_605 = arith.cmpi ne, %rem3A_603, %ne3A_604 : i32
      %and3A_606 = arith.andi %ne3A_602, %ne3A_605 : i1
      %sub3A = arith.constant 1 : i32
      %sub3A_607 = arith.subi %div3A_588, %sub3A : i32
      %select_n3A_608 = arith.select %and3A_606, %sub3A_607, %div3A_588 : i32
      %add3A_609 = arith.constant 0 : i32
      %add3A_610 = arith.addi %mul3A_586, %add3A_609 : i32
      %get3A_611 = arith.index_cast %select_n3A_608 : i32 to index
      %get3A_612 = arith.index_cast %add3A_610 : i32 to index
      %get3A_613 = tpu.vector_load %arg5[%get3A_611, %get3A_612] {strides = array<i32>} : memref<80x128xi32, #tpu.memory_space<vmem>>, vector<1x16xi32>,
      %get3A_614 = vector.shape_cast %get3A_613 : vector<1x16xi32> to vector<16xi32>
      %and3A_615 = arith.constant 65535 : i32
      %and3A_616 = vector.broadcast %and3A_615 : i32 to vector<16xi32>
      %and3A_617 = arith.andi %get3A_614, %and3A_616 : vector<16xi32>
      %add3A_618 = vector.broadcast %mul3A_18 : i32 to vector<16xi32>
      %add3A_619 = arith.addi %and3A_617, %add3A_618 : vector<16xi32>
      %swap3A_620 = arith.constant 0 : i32
      %swap3A_621 = arith.index_cast %swap3A_620 : i32 to index
      %swap3A_622 = arith.constant 0 : index
      %swap3A_623 = tpu.vector_load %arg6[%swap3A_621, %swap3A_622] {strides = array<i32>} : memref<1x32xi32, #tpu.memory_space<vmem>>, vector<1x16xi32>,
      %swap3A_624 = vector.shape_cast %swap3A_623 : vector<1x16xi32> to vector<16xi32>
      %swap3A_625 = vector.shape_cast %add3A_619 : vector<16xi32> to vector<1x16xi32>
      tpu.vector_store %arg6[%swap3A_621, %swap3A_622], %swap3A_625 {strides = array<i32>} : memref<1x32xi32, #tpu.memory_space<vmem>>, vector<1x16xi32>,
      %shift_right_logical3A_626 = arith.constant 16 : i32
      %shift_right_logical3A_627 = vector.broadcast %shift_right_logical3A_626 : i32 to vector<16xi32>
      %shift_right_logical3A_628 = arith.shrui %get3A_614, %shift_right_logical3A_627 : vector<16xi32>
      %swap3A_629 = arith.constant 0 : i32
      %swap3A_630 = arith.index_cast %swap3A_629 : i32 to index
      %swap3A_631 = arith.constant 0 : index
      %swap3A_632 = tpu.vector_load %arg7[%swap3A_630, %swap3A_631] {strides = array<i32>} : memref<1x32xi32, #tpu.memory_space<vmem>>, vector<1x16xi32>,
      %swap3A_633 = vector.shape_cast %swap3A_632 : vector<1x16xi32> to vector<16xi32>
      %swap3A_634 = vector.shape_cast %shift_right_logical3A_628 : vector<16xi32> to vector<1x16xi32>
      tpu.vector_store %arg7[%swap3A_630, %swap3A_631], %swap3A_634 {strides = array<i32>} : memref<1x32xi32, #tpu.memory_space<vmem>>, vector<1x16xi32>,
      %jit3A_635 = arith.constant 4 : i32
      %div3A_636 = arith.divsi %add3A_572, %jit3A_635 : i32
      %sign3A_637 = arith.constant 0 : i32
      %sign3A_638 = arith.cmpi sgt, %add3A_572, %sign3A_637 : i32
      %sign3A_639 = arith.extui %sign3A_638 : i1 to i32
      %sign3A_640 = arith.constant 0 : i32
      %sign3A_641 = arith.cmpi slt, %add3A_572, %sign3A_640 : i32
      %sign3A_642 = arith.extui %sign3A_641 : i1 to i32
      %sign3A_643 = arith.subi %sign3A_639, %sign3A_642 : i32
      %sign3A_644 = arith.constant 0 : i32
      %sign3A_645 = arith.cmpi sgt, %jit3A_635, %sign3A_644 : i32
      %sign3A_646 = arith.extui %sign3A_645 : i1 to i32
      %sign3A_647 = arith.constant 0 : i32
      %sign3A_648 = arith.cmpi slt, %jit3A_635, %sign3A_647 : i32
      %sign3A_649 = arith.extui %sign3A_648 : i1 to i32
      %sign3A_650 = arith.subi %sign3A_646, %sign3A_649 : i32
      %ne3A_651 = arith.cmpi ne, %sign3A_643, %sign3A_650 : i32
      %rem3A_652 = arith.remsi %add3A_572, %jit3A_635 : i32
      %ne3A_653 = arith.constant 0 : i32
      %ne3A_654 = arith.cmpi ne, %rem3A_652, %ne3A_653 : i32
      %and3A_655 = arith.andi %ne3A_651, %ne3A_654 : i1
      %sub3A_656 = arith.constant 1 : i32
      %sub3A_657 = arith.subi %div3A_636, %sub3A_656 : i32
      %select_n3A_658 = arith.select %and3A_655, %sub3A_657, %div3A_636 : i32
      %add3A_659 = arith.constant 16 : i32
      %add3A_660 = arith.addi %mul3A_586, %add3A_659 : i32
      %get3A_661 = arith.index_cast %select_n3A_658 : i32 to index
      %get3A_662 = arith.index_cast %add3A_660 : i32 to index
      %get3A_663 = tpu.vector_load %arg5[%get3A_661, %get3A_662] {strides = array<i32>} : memref<80x128xi32, #tpu.memory_space<vmem>>, vector<1x16xi32>,
      %get3A_664 = vector.shape_cast %get3A_663 : vector<1x16xi32> to vector<16xi32>
      %and3A_665 = arith.constant 65535 : i32
      %and3A_666 = vector.broadcast %and3A_665 : i32 to vector<16xi32>
      %and3A_667 = arith.andi %get3A_664, %and3A_666 : vector<16xi32>
      %add3A_668 = vector.broadcast %mul3A_18 : i32 to vector<16xi32>
      %add3A_669 = arith.addi %and3A_667, %add3A_668 : vector<16xi32>
      %swap3A_670 = arith.constant 0 : i32
      %swap3A_671 = arith.index_cast %swap3A_670 : i32 to index
      %swap3A_672 = arith.constant 16 : index
      %swap3A_673 = tpu.vector_load %arg6[%swap3A_671, %swap3A_672] {strides = array<i32>} : memref<1x32xi32, #tpu.memory_space<vmem>>, vector<1x16xi32>,
      %swap3A_674 = vector.shape_cast %swap3A_673 : vector<1x16xi32> to vector<16xi32>
      %swap3A_675 = vector.shape_cast %add3A_669 : vector<16xi32> to vector<1x16xi32>
      tpu.vector_store %arg6[%swap3A_671, %swap3A_672], %swap3A_675 {strides = array<i32>} : memref<1x32xi32, #tpu.memory_space<vmem>>, vector<1x16xi32>,
      %shift_right_logical3A_676 = arith.constant 16 : i32
      %shift_right_logical3A_677 = vector.broadcast %shift_right_logical3A_676 : i32 to vector<16xi32>
      %shift_right_logical3A_678 = arith.shrui %get3A_664, %shift_right_logical3A_677 : vector<16xi32>
      %swap3A_679 = arith.constant 0 : i32
      %swap3A_680 = arith.index_cast %swap3A_679 : i32 to index
      %swap3A_681 = arith.constant 16 : index
      %swap3A_682 = tpu.vector_load %arg7[%swap3A_680, %swap3A_681] {strides = array<i32>} : memref<1x32xi32, #tpu.memory_space<vmem>>, vector<1x16xi32>,
      %swap3A_683 = vector.shape_cast %swap3A_682 : vector<1x16xi32> to vector<16xi32>
      %swap3A_684 = vector.shape_cast %shift_right_logical3A_678 : vector<16xi32> to vector<1x16xi32>
      tpu.vector_store %arg7[%swap3A_680, %swap3A_681], %swap3A_684 {strides = array<i32>} : memref<1x32xi32, #tpu.memory_space<vmem>>, vector<1x16xi32>,
      %dma_start3A_685 = arith.constant 0 : i32
      %dma_start3A_686 = arith.constant 0 : i32
      %dma_start3A_687 = tpu.memref_slice %arg6[%dma_start3A_685, %dma_start3A_686] : memref<1x32xi32, #tpu.memory_space<vmem>> -> memref<1x32xi32, #tpu.memory_space<vmem>>
      %dma_start3A_688 = tpu.memref_squeeze %dma_start3A_687 : memref<1x32xi32, #tpu.memory_space<vmem>> -> memref<32xi32, #tpu.memory_space<vmem>>
      %dma_start3A_689 = arith.constant 0 : i32
      %dma_start3A_690 = arith.constant 0 : i32
      %dma_start3A_691 = tpu.memref_slice %arg2[%dma_start3A_689, %dma_start3A_690] : memref<80000x128xf32, #tpu.memory_space<hbm>> -> memref<80000x128xf32, #tpu.memory_space<hbm>>
      tpu.enqueue_indirect_dma source(%dma_start3A_691 : memref<80000x128xf32, #tpu.memory_space<hbm>>) target(%arg22 : memref<32x128xf32, #tpu.memory_space<vmem>>) offsets(%dma_start3A_688 : memref<32xi32, #tpu.memory_space<vmem>>) semaphore(%arg31 : memref<!tpu.dma_semaphore, #tpu.memory_space<semaphore_mem>>)
      %dma_wait3A_692 = arith.constant 0 : i32
      %dma_wait3A_693 = tpu.memref_slice %arg8[%scan3A_471, %dma_wait3A_692] : memref<1x32xi32, #tpu.memory_space<vmem>> -> memref<1x32xi32, #tpu.memory_space<vmem>>
      %dma_wait3A_694 = tpu.memref_squeeze %dma_wait3A_693 : memref<1x32xi32, #tpu.memory_space<vmem>> -> memref<32xi32, #tpu.memory_space<vmem>>
      %dma_wait3A_695 = arith.constant 0 : i32
      %dma_wait3A_696 = arith.constant 0 : i32
      %dma_wait3A_697 = tpu.memref_slice %arg2[%dma_wait3A_695, %dma_wait3A_696] : memref<80000x128xf32, #tpu.memory_space<hbm>> -> memref<80000x128xf32, #tpu.memory_space<hbm>>
      tpu.wait_indirect_dma semaphore(%arg32 : memref<!tpu.dma_semaphore, #tpu.memory_space<semaphore_mem>>) src(%dma_wait3A_697 : memref<80000x128xf32, #tpu.memory_space<hbm>>) dst(%arg23 : memref<32x128xf32, #tpu.memory_space<vmem>>)
      %run_scoped3A_698 = arith.constant 0 : i32
      "tpu.region"() ({
        %run_scoped3A_1645 = tpu.sem_alloc : memref<!tpu.dma_semaphore, #tpu.memory_space<semaphore_mem>>
        %dma_start3A_1646 = arith.constant 0 : i32
        %dma_start3A_1647 = tpu.memref_slice %arg9[%run_scoped3A_698, %dma_start3A_1646] : memref<1x32xi32, #tpu.memory_space<vmem>> -> memref<1x32xi32, #tpu.memory_space<vmem>>
        %dma_start3A_1648 = tpu.memref_squeeze %dma_start3A_1647 : memref<1x32xi32, #tpu.memory_space<vmem>> -> memref<32xi32, #tpu.memory_space<vmem>>
        %dma_start3A_1649 = arith.constant 0 : i32
        %dma_start3A_1650 = arith.constant 0 : i32
        %dma_start3A_1651 = tpu.memref_slice %arg30[%dma_start3A_1649, %dma_start3A_1650] : memref<10240x128xf32, #tpu.memory_space<vmem_shared>> -> memref<10240x128xf32, #tpu.memory_space<vmem_shared>>
        tpu.enqueue_indirect_dma source(%arg23 : memref<32x128xf32, #tpu.memory_space<vmem>>) target(%dma_start3A_1651 : memref<10240x128xf32, #tpu.memory_space<vmem_shared>>) offsets(%dma_start3A_1648 : memref<32xi32, #tpu.memory_space<vmem>>) semaphore(%run_scoped3A_1645 : memref<!tpu.dma_semaphore, #tpu.memory_space<semaphore_mem>>) {add = true}
        %dma_wait3A_1652 = arith.constant 0 : i32
        %dma_wait3A_1653 = tpu.memref_slice %arg9[%run_scoped3A_698, %dma_wait3A_1652] : memref<1x32xi32, #tpu.memory_space<vmem>> -> memref<1x32xi32, #tpu.memory_space<vmem>>
        %dma_wait3A_1654 = tpu.memref_squeeze %dma_wait3A_1653 : memref<1x32xi32, #tpu.memory_space<vmem>> -> memref<32xi32, #tpu.memory_space<vmem>>
        %dma_wait3A_1655 = arith.constant 0 : i32
        %dma_wait3A_1656 = arith.constant 0 : i32
        %dma_wait3A_1657 = tpu.memref_slice %arg30[%dma_wait3A_1655, %dma_wait3A_1656] : memref<10240x128xf32, #tpu.memory_space<vmem_shared>> -> memref<10240x128xf32, #tpu.memory_space<vmem_shared>>
        tpu.wait_indirect_dma semaphore(%run_scoped3A_1645 : memref<!tpu.dma_semaphore, #tpu.memory_space<semaphore_mem>>) src(%arg23 : memref<32x128xf32, #tpu.memory_space<vmem>>) dst(%dma_wait3A_1657 : memref<10240x128xf32, #tpu.memory_space<vmem_shared>>)
        tpu.yield
      }) : () -> ()
      %add3A_699 = arith.constant 8 : i32
      %add3A_700 = arith.addi %mul3A_561, %add3A_699 : i32
      %add3A_701 = arith.constant 1 : i32
      %add3A_702 = arith.addi %add3A_700, %add3A_701 : i32
      %jit3A_703 = arith.constant 4 : i32
      %eq3A_704 = arith.constant 0 : i32
      %eq3A_705 = arith.cmpi eq, %jit3A_703, %eq3A_704 : i32
      %jit3A_706 = arith.constant 1 : i32
      %select_n3A_707 = arith.select %eq3A_705, %jit3A_706, %jit3A_703 : i32
      %rem3A_708 = arith.remsi %add3A_702, %select_n3A_707 : i32
      %ne3A_709 = arith.constant 0 : i32
      %ne3A_710 = arith.cmpi ne, %rem3A_708, %ne3A_709 : i32
      %lt3A_711 = arith.constant 0 : i32
      %lt3A_712 = arith.cmpi slt, %rem3A_708, %lt3A_711 : i32
      %lt3A_713 = arith.constant 0 : i32
      %lt3A_714 = arith.cmpi slt, %select_n3A_707, %lt3A_713 : i32
      %ne3A_715 = arith.xori %lt3A_712, %lt3A_714 : i1
      %and3A_716 = arith.andi %ne3A_715, %ne3A_710 : i1
      %add3A_717 = arith.addi %rem3A_708, %select_n3A_707 : i32
      %select_n3A_718 = arith.select %and3A_716, %add3A_717, %rem3A_708 : i32
      %mul3A_719 = arith.constant 32 : i32
      %mul3A_720 = arith.muli %select_n3A_718, %mul3A_719 : i32
      %jit3A_721 = arith.constant 4 : i32
      %div3A_722 = arith.divsi %add3A_702, %jit3A_721 : i32
      %sign3A_723 = arith.constant 0 : i32
      %sign3A_724 = arith.cmpi sgt, %add3A_702, %sign3A_723 : i32
      %sign3A_725 = arith.extui %sign3A_724 : i1 to i32
      %sign3A_726 = arith.constant 0 : i32
      %sign3A_727 = arith.cmpi slt, %add3A_702, %sign3A_726 : i32
      %sign3A_728 = arith.extui %sign3A_727 : i1 to i32
      %sign3A_729 = arith.subi %sign3A_725, %sign3A_728 : i32
      %sign3A_730 = arith.constant 0 : i32
      %sign3A_731 = arith.cmpi sgt, %jit3A_721, %sign3A_730 : i32
      %sign3A_732 = arith.extui %sign3A_731 : i1 to i32
      %sign3A_733 = arith.constant 0 : i32
      %sign3A_734 = arith.cmpi slt, %jit3A_721, %sign3A_733 : i32
      %sign3A_735 = arith.extui %sign3A_734 : i1 to i32
      %sign3A_736 = arith.subi %sign3A_732, %sign3A_735 : i32
      %ne3A_737 = arith.cmpi ne, %sign3A_729, %sign3A_736 : i32
      %rem3A_738 = arith.remsi %add3A_702, %jit3A_721 : i32
      %ne3A_739 = arith.constant 0 : i32
      %ne3A_740 = arith.cmpi ne, %rem3A_738, %ne3A_739 : i32
      %and3A_741 = arith.andi %ne3A_737, %ne3A_740 : i1
      %sub3A_742 = arith.constant 1 : i32
      %sub3A_743 = arith.subi %div3A_722, %sub3A_742 : i32
      %select_n3A_744 = arith.select %and3A_741, %sub3A_743, %div3A_722 : i32
      %add3A_745 = arith.constant 0 : i32
      %add3A_746 = arith.addi %mul3A_720, %add3A_745 : i32
      %get3A_747 = arith.index_cast %select_n3A_744 : i32 to index
      %get3A_748 = arith.index_cast %add3A_746 : i32 to index
      %get3A_749 = tpu.vector_load %arg5[%get3A_747, %get3A_748] {strides = array<i32>} : memref<80x128xi32, #tpu.memory_space<vmem>>, vector<1x16xi32>,
      %get3A_750 = vector.shape_cast %get3A_749 : vector<1x16xi32> to vector<16xi32>
      %and3A_751 = arith.constant 65535 : i32
      %and3A_752 = vector.broadcast %and3A_751 : i32 to vector<16xi32>
      %and3A_753 = arith.andi %get3A_750, %and3A_752 : vector<16xi32>
      %add3A_754 = vector.broadcast %mul3A_18 : i32 to vector<16xi32>
      %add3A_755 = arith.addi %and3A_753, %add3A_754 : vector<16xi32>
      %swap3A_756 = arith.constant 0 : i32
      %swap3A_757 = arith.index_cast %swap3A_756 : i32 to index
      %swap3A_758 = arith.constant 0 : index
      %swap3A_759 = tpu.vector_load %arg8[%swap3A_757, %swap3A_758] {strides = array<i32>} : memref<1x32xi32, #tpu.memory_space<vmem>>, vector<1x16xi32>,
      %swap3A_760 = vector.shape_cast %swap3A_759 : vector<1x16xi32> to vector<16xi32>
      %swap3A_761 = vector.shape_cast %add3A_755 : vector<16xi32> to vector<1x16xi32>
      tpu.vector_store %arg8[%swap3A_757, %swap3A_758], %swap3A_761 {strides = array<i32>} : memref<1x32xi32, #tpu.memory_space<vmem>>, vector<1x16xi32>,
      %shift_right_logical3A_762 = arith.constant 16 : i32
      %shift_right_logical3A_763 = vector.broadcast %shift_right_logical3A_762 : i32 to vector<16xi32>
      %shift_right_logical3A_764 = arith.shrui %get3A_750, %shift_right_logical3A_763 : vector<16xi32>
      %swap3A_765 = arith.constant 0 : i32
      %swap3A_766 = arith.index_cast %swap3A_765 : i32 to index
      %swap3A_767 = arith.constant 0 : index
      %swap3A_768 = tpu.vector_load %arg9[%swap3A_766, %swap3A_767] {strides = array<i32>} : memref<1x32xi32, #tpu.memory_space<vmem>>, vector<1x16xi32>,
      %swap3A_769 = vector.shape_cast %swap3A_768 : vector<1x16xi32> to vector<16xi32>
      %swap3A_770 = vector.shape_cast %shift_right_logical3A_764 : vector<16xi32> to vector<1x16xi32>
      tpu.vector_store %arg9[%swap3A_766, %swap3A_767], %swap3A_770 {strides = array<i32>} : memref<1x32xi32, #tpu.memory_space<vmem>>, vector<1x16xi32>,
      %jit3A_771 = arith.constant 4 : i32
      %div3A_772 = arith.divsi %add3A_702, %jit3A_771 : i32
      %sign3A_773 = arith.constant 0 : i32
      %sign3A_774 = arith.cmpi sgt, %add3A_702, %sign3A_773 : i32
      %sign3A_775 = arith.extui %sign3A_774 : i1 to i32
      %sign3A_776 = arith.constant 0 : i32
      %sign3A_777 = arith.cmpi slt, %add3A_702, %sign3A_776 : i32
      %sign3A_778 = arith.extui %sign3A_777 : i1 to i32
      %sign3A_779 = arith.subi %sign3A_775, %sign3A_778 : i32
      %sign3A_780 = arith.constant 0 : i32
      %sign3A_781 = arith.cmpi sgt, %jit3A_771, %sign3A_780 : i32
      %sign3A_782 = arith.extui %sign3A_781 : i1 to i32
      %sign3A_783 = arith.constant 0 : i32
      %sign3A_784 = arith.cmpi slt, %jit3A_771, %sign3A_783 : i32
      %sign3A_785 = arith.extui %sign3A_784 : i1 to i32
      %sign3A_786 = arith.subi %sign3A_782, %sign3A_785 : i32
      %ne3A_787 = arith.cmpi ne, %sign3A_779, %sign3A_786 : i32
      %rem3A_788 = arith.remsi %add3A_702, %jit3A_771 : i32
      %ne3A_789 = arith.constant 0 : i32
      %ne3A_790 = arith.cmpi ne, %rem3A_788, %ne3A_789 : i32
      %and3A_791 = arith.andi %ne3A_787, %ne3A_790 : i1
      %sub3A_792 = arith.constant 1 : i32
      %sub3A_793 = arith.subi %div3A_772, %sub3A_792 : i32
      %select_n3A_794 = arith.select %and3A_791, %sub3A_793, %div3A_772 : i32
      %add3A_795 = arith.constant 16 : i32
      %add3A_796 = arith.addi %mul3A_720, %add3A_795 : i32
      %get3A_797 = arith.index_cast %select_n3A_794 : i32 to index
      %get3A_798 = arith.index_cast %add3A_796 : i32 to index
      %get3A_799 = tpu.vector_load %arg5[%get3A_797, %get3A_798] {strides = array<i32>} : memref<80x128xi32, #tpu.memory_space<vmem>>, vector<1x16xi32>,
      %get3A_800 = vector.shape_cast %get3A_799 : vector<1x16xi32> to vector<16xi32>
      %and3A_801 = arith.constant 65535 : i32
      %and3A_802 = vector.broadcast %and3A_801 : i32 to vector<16xi32>
      %and3A_803 = arith.andi %get3A_800, %and3A_802 : vector<16xi32>
      %add3A_804 = vector.broadcast %mul3A_18 : i32 to vector<16xi32>
      %add3A_805 = arith.addi %and3A_803, %add3A_804 : vector<16xi32>
      %swap3A_806 = arith.constant 0 : i32
      %swap3A_807 = arith.index_cast %swap3A_806 : i32 to index
      %swap3A_808 = arith.constant 16 : index
      %swap3A_809 = tpu.vector_load %arg8[%swap3A_807, %swap3A_808] {strides = array<i32>} : memref<1x32xi32, #tpu.memory_space<vmem>>, vector<1x16xi32>,
      %swap3A_810 = vector.shape_cast %swap3A_809 : vector<1x16xi32> to vector<16xi32>
      %swap3A_811 = vector.shape_cast %add3A_805 : vector<16xi32> to vector<1x16xi32>
      tpu.vector_store %arg8[%swap3A_807, %swap3A_808], %swap3A_811 {strides = array<i32>} : memref<1x32xi32, #tpu.memory_space<vmem>>, vector<1x16xi32>,
      %shift_right_logical3A_812 = arith.constant 16 : i32
      %shift_right_logical3A_813 = vector.broadcast %shift_right_logical3A_812 : i32 to vector<16xi32>
      %shift_right_logical3A_814 = arith.shrui %get3A_800, %shift_right_logical3A_813 : vector<16xi32>
      %swap3A_815 = arith.constant 0 : i32
      %swap3A_816 = arith.index_cast %swap3A_815 : i32 to index
      %swap3A_817 = arith.constant 16 : index
      %swap3A_818 = tpu.vector_load %arg9[%swap3A_816, %swap3A_817] {strides = array<i32>} : memref<1x32xi32, #tpu.memory_space<vmem>>, vector<1x16xi32>,
      %swap3A_819 = vector.shape_cast %swap3A_818 : vector<1x16xi32> to vector<16xi32>
      %swap3A_820 = vector.shape_cast %shift_right_logical3A_814 : vector<16xi32> to vector<1x16xi32>
      tpu.vector_store %arg9[%swap3A_816, %swap3A_817], %swap3A_820 {strides = array<i32>} : memref<1x32xi32, #tpu.memory_space<vmem>>, vector<1x16xi32>,
      %dma_start3A_821 = arith.constant 0 : i32
      %dma_start3A_822 = arith.constant 0 : i32
      %dma_start3A_823 = tpu.memref_slice %arg8[%dma_start3A_821, %dma_start3A_822] : memref<1x32xi32, #tpu.memory_space<vmem>> -> memref<1x32xi32, #tpu.memory_space<vmem>>
      %dma_start3A_824 = tpu.memref_squeeze %dma_start3A_823 : memref<1x32xi32, #tpu.memory_space<vmem>> -> memref<32xi32, #tpu.memory_space<vmem>>
      %dma_start3A_825 = arith.constant 0 : i32
      %dma_start3A_826 = arith.constant 0 : i32
      %dma_start3A_827 = tpu.memref_slice %arg2[%dma_start3A_825, %dma_start3A_826] : memref<80000x128xf32, #tpu.memory_space<hbm>> -> memref<80000x128xf32, #tpu.memory_space<hbm>>
      tpu.enqueue_indirect_dma source(%dma_start3A_827 : memref<80000x128xf32, #tpu.memory_space<hbm>>) target(%arg23 : memref<32x128xf32, #tpu.memory_space<vmem>>) offsets(%dma_start3A_824 : memref<32xi32, #tpu.memory_space<vmem>>) semaphore(%arg32 : memref<!tpu.dma_semaphore, #tpu.memory_space<semaphore_mem>>)
      %dma_wait3A_828 = arith.constant 0 : i32
      %dma_wait3A_829 = tpu.memref_slice %arg10[%scan3A_472, %dma_wait3A_828] : memref<1x32xi32, #tpu.memory_space<vmem>> -> memref<1x32xi32, #tpu.memory_space<vmem>>
      %dma_wait3A_830 = tpu.memref_squeeze %dma_wait3A_829 : memref<1x32xi32, #tpu.memory_space<vmem>> -> memref<32xi32, #tpu.memory_space<vmem>>
      %dma_wait3A_831 = arith.constant 0 : i32
      %dma_wait3A_832 = arith.constant 0 : i32
      %dma_wait3A_833 = tpu.memref_slice %arg2[%dma_wait3A_831, %dma_wait3A_832] : memref<80000x128xf32, #tpu.memory_space<hbm>> -> memref<80000x128xf32, #tpu.memory_space<hbm>>
      tpu.wait_indirect_dma semaphore(%arg33 : memref<!tpu.dma_semaphore, #tpu.memory_space<semaphore_mem>>) src(%dma_wait3A_833 : memref<80000x128xf32, #tpu.memory_space<hbm>>) dst(%arg24 : memref<32x128xf32, #tpu.memory_space<vmem>>)
      %run_scoped3A_834 = arith.constant 0 : i32
      "tpu.region"() ({
        %run_scoped3A_1645 = tpu.sem_alloc : memref<!tpu.dma_semaphore, #tpu.memory_space<semaphore_mem>>
        %dma_start3A_1646 = arith.constant 0 : i32
        %dma_start3A_1647 = tpu.memref_slice %arg11[%run_scoped3A_834, %dma_start3A_1646] : memref<1x32xi32, #tpu.memory_space<vmem>> -> memref<1x32xi32, #tpu.memory_space<vmem>>
        %dma_start3A_1648 = tpu.memref_squeeze %dma_start3A_1647 : memref<1x32xi32, #tpu.memory_space<vmem>> -> memref<32xi32, #tpu.memory_space<vmem>>
        %dma_start3A_1649 = arith.constant 0 : i32
        %dma_start3A_1650 = arith.constant 0 : i32
        %dma_start3A_1651 = tpu.memref_slice %arg30[%dma_start3A_1649, %dma_start3A_1650] : memref<10240x128xf32, #tpu.memory_space<vmem_shared>> -> memref<10240x128xf32, #tpu.memory_space<vmem_shared>>
        tpu.enqueue_indirect_dma source(%arg24 : memref<32x128xf32, #tpu.memory_space<vmem>>) target(%dma_start3A_1651 : memref<10240x128xf32, #tpu.memory_space<vmem_shared>>) offsets(%dma_start3A_1648 : memref<32xi32, #tpu.memory_space<vmem>>) semaphore(%run_scoped3A_1645 : memref<!tpu.dma_semaphore, #tpu.memory_space<semaphore_mem>>) {add = true}
        %dma_wait3A_1652 = arith.constant 0 : i32
        %dma_wait3A_1653 = tpu.memref_slice %arg11[%run_scoped3A_834, %dma_wait3A_1652] : memref<1x32xi32, #tpu.memory_space<vmem>> -> memref<1x32xi32, #tpu.memory_space<vmem>>
        %dma_wait3A_1654 = tpu.memref_squeeze %dma_wait3A_1653 : memref<1x32xi32, #tpu.memory_space<vmem>> -> memref<32xi32, #tpu.memory_space<vmem>>
        %dma_wait3A_1655 = arith.constant 0 : i32
        %dma_wait3A_1656 = arith.constant 0 : i32
        %dma_wait3A_1657 = tpu.memref_slice %arg30[%dma_wait3A_1655, %dma_wait3A_1656] : memref<10240x128xf32, #tpu.memory_space<vmem_shared>> -> memref<10240x128xf32, #tpu.memory_space<vmem_shared>>
        tpu.wait_indirect_dma semaphore(%run_scoped3A_1645 : memref<!tpu.dma_semaphore, #tpu.memory_space<semaphore_mem>>) src(%arg24 : memref<32x128xf32, #tpu.memory_space<vmem>>) dst(%dma_wait3A_1657 : memref<10240x128xf32, #tpu.memory_space<vmem_shared>>)
        tpu.yield
      }) : () -> ()
      %add3A_835 = arith.constant 8 : i32
      %add3A_836 = arith.addi %mul3A_561, %add3A_835 : i32
      %add3A_837 = arith.constant 2 : i32
      %add3A_838 = arith.addi %add3A_836, %add3A_837 : i32
      %jit3A_839 = arith.constant 4 : i32
      %eq3A_840 = arith.constant 0 : i32
      %eq3A_841 = arith.cmpi eq, %jit3A_839, %eq3A_840 : i32
      %jit3A_842 = arith.constant 1 : i32
      %select_n3A_843 = arith.select %eq3A_841, %jit3A_842, %jit3A_839 : i32
      %rem3A_844 = arith.remsi %add3A_838, %select_n3A_843 : i32
      %ne3A_845 = arith.constant 0 : i32
      %ne3A_846 = arith.cmpi ne, %rem3A_844, %ne3A_845 : i32
      %lt3A_847 = arith.constant 0 : i32
      %lt3A_848 = arith.cmpi slt, %rem3A_844, %lt3A_847 : i32
      %lt3A_849 = arith.constant 0 : i32
      %lt3A_850 = arith.cmpi slt, %select_n3A_843, %lt3A_849 : i32
      %ne3A_851 = arith.xori %lt3A_848, %lt3A_850 : i1
      %and3A_852 = arith.andi %ne3A_851, %ne3A_846 : i1
      %add3A_853 = arith.addi %rem3A_844, %select_n3A_843 : i32
      %select_n3A_854 = arith.select %and3A_852, %add3A_853, %rem3A_844 : i32
      %mul3A_855 = arith.constant 32 : i32
      %mul3A_856 = arith.muli %select_n3A_854, %mul3A_855 : i32
      %jit3A_857 = arith.constant 4 : i32
      %div3A_858 = arith.divsi %add3A_838, %jit3A_857 : i32
      %sign3A_859 = arith.constant 0 : i32
      %sign3A_860 = arith.cmpi sgt, %add3A_838, %sign3A_859 : i32
      %sign3A_861 = arith.extui %sign3A_860 : i1 to i32
      %sign3A_862 = arith.constant 0 : i32
      %sign3A_863 = arith.cmpi slt, %add3A_838, %sign3A_862 : i32
      %sign3A_864 = arith.extui %sign3A_863 : i1 to i32
      %sign3A_865 = arith.subi %sign3A_861, %sign3A_864 : i32
      %sign3A_866 = arith.constant 0 : i32
      %sign3A_867 = arith.cmpi sgt, %jit3A_857, %sign3A_866 : i32
      %sign3A_868 = arith.extui %sign3A_867 : i1 to i32
      %sign3A_869 = arith.constant 0 : i32
      %sign3A_870 = arith.cmpi slt, %jit3A_857, %sign3A_869 : i32
      %sign3A_871 = arith.extui %sign3A_870 : i1 to i32
      %sign3A_872 = arith.subi %sign3A_868, %sign3A_871 : i32
      %ne3A_873 = arith.cmpi ne, %sign3A_865, %sign3A_872 : i32
      %rem3A_874 = arith.remsi %add3A_838, %jit3A_857 : i32
      %ne3A_875 = arith.constant 0 : i32
      %ne3A_876 = arith.cmpi ne, %rem3A_874, %ne3A_875 : i32
      %and3A_877 = arith.andi %ne3A_873, %ne3A_876 : i1
      %sub3A_878 = arith.constant 1 : i32
      %sub3A_879 = arith.subi %div3A_858, %sub3A_878 : i32
      %select_n3A_880 = arith.select %and3A_877, %sub3A_879, %div3A_858 : i32
      %add3A_881 = arith.constant 0 : i32
      %add3A_882 = arith.addi %mul3A_856, %add3A_881 : i32
      %get3A_883 = arith.index_cast %select_n3A_880 : i32 to index
      %get3A_884 = arith.index_cast %add3A_882 : i32 to index
      %get3A_885 = tpu.vector_load %arg5[%get3A_883, %get3A_884] {strides = array<i32>} : memref<80x128xi32, #tpu.memory_space<vmem>>, vector<1x16xi32>,
      %get3A_886 = vector.shape_cast %get3A_885 : vector<1x16xi32> to vector<16xi32>
      %and3A_887 = arith.constant 65535 : i32
      %and3A_888 = vector.broadcast %and3A_887 : i32 to vector<16xi32>
      %and3A_889 = arith.andi %get3A_886, %and3A_888 : vector<16xi32>
      %add3A_890 = vector.broadcast %mul3A_18 : i32 to vector<16xi32>
      %add3A_891 = arith.addi %and3A_889, %add3A_890 : vector<16xi32>
      %swap3A_892 = arith.constant 0 : i32
      %swap3A_893 = arith.index_cast %swap3A_892 : i32 to index
      %swap3A_894 = arith.constant 0 : index
      %swap3A_895 = tpu.vector_load %arg10[%swap3A_893, %swap3A_894] {strides = array<i32>} : memref<1x32xi32, #tpu.memory_space<vmem>>, vector<1x16xi32>,
      %swap3A_896 = vector.shape_cast %swap3A_895 : vector<1x16xi32> to vector<16xi32>
      %swap3A_897 = vector.shape_cast %add3A_891 : vector<16xi32> to vector<1x16xi32>
      tpu.vector_store %arg10[%swap3A_893, %swap3A_894], %swap3A_897 {strides = array<i32>} : memref<1x32xi32, #tpu.memory_space<vmem>>, vector<1x16xi32>,
      %shift_right_logical3A_898 = arith.constant 16 : i32
      %shift_right_logical3A_899 = vector.broadcast %shift_right_logical3A_898 : i32 to vector<16xi32>
      %shift_right_logical3A_900 = arith.shrui %get3A_886, %shift_right_logical3A_899 : vector<16xi32>
      %swap3A_901 = arith.constant 0 : i32
      %swap3A_902 = arith.index_cast %swap3A_901 : i32 to index
      %swap3A_903 = arith.constant 0 : index
      %swap3A_904 = tpu.vector_load %arg11[%swap3A_902, %swap3A_903] {strides = array<i32>} : memref<1x32xi32, #tpu.memory_space<vmem>>, vector<1x16xi32>,
      %swap3A_905 = vector.shape_cast %swap3A_904 : vector<1x16xi32> to vector<16xi32>
      %swap3A_906 = vector.shape_cast %shift_right_logical3A_900 : vector<16xi32> to vector<1x16xi32>
      tpu.vector_store %arg11[%swap3A_902, %swap3A_903], %swap3A_906 {strides = array<i32>} : memref<1x32xi32, #tpu.memory_space<vmem>>, vector<1x16xi32>,
      %jit3A_907 = arith.constant 4 : i32
      %div3A_908 = arith.divsi %add3A_838, %jit3A_907 : i32
      %sign3A_909 = arith.constant 0 : i32
      %sign3A_910 = arith.cmpi sgt, %add3A_838, %sign3A_909 : i32
      %sign3A_911 = arith.extui %sign3A_910 : i1 to i32
      %sign3A_912 = arith.constant 0 : i32
      %sign3A_913 = arith.cmpi slt, %add3A_838, %sign3A_912 : i32
      %sign3A_914 = arith.extui %sign3A_913 : i1 to i32
      %sign3A_915 = arith.subi %sign3A_911, %sign3A_914 : i32
      %sign3A_916 = arith.constant 0 : i32
      %sign3A_917 = arith.cmpi sgt, %jit3A_907, %sign3A_916 : i32
      %sign3A_918 = arith.extui %sign3A_917 : i1 to i32
      %sign3A_919 = arith.constant 0 : i32
      %sign3A_920 = arith.cmpi slt, %jit3A_907, %sign3A_919 : i32
      %sign3A_921 = arith.extui %sign3A_920 : i1 to i32
      %sign3A_922 = arith.subi %sign3A_918, %sign3A_921 : i32
      %ne3A_923 = arith.cmpi ne, %sign3A_915, %sign3A_922 : i32
      %rem3A_924 = arith.remsi %add3A_838, %jit3A_907 : i32
      %ne3A_925 = arith.constant 0 : i32
      %ne3A_926 = arith.cmpi ne, %rem3A_924, %ne3A_925 : i32
      %and3A_927 = arith.andi %ne3A_923, %ne3A_926 : i1
      %sub3A_928 = arith.constant 1 : i32
      %sub3A_929 = arith.subi %div3A_908, %sub3A_928 : i32
      %select_n3A_930 = arith.select %and3A_927, %sub3A_929, %div3A_908 : i32
      %add3A_931 = arith.constant 16 : i32
      %add3A_932 = arith.addi %mul3A_856, %add3A_931 : i32
      %get3A_933 = arith.index_cast %select_n3A_930 : i32 to index
      %get3A_934 = arith.index_cast %add3A_932 : i32 to index
      %get3A_935 = tpu.vector_load %arg5[%get3A_933, %get3A_934] {strides = array<i32>} : memref<80x128xi32, #tpu.memory_space<vmem>>, vector<1x16xi32>,
      %get3A_936 = vector.shape_cast %get3A_935 : vector<1x16xi32> to vector<16xi32>
      %and3A_937 = arith.constant 65535 : i32
      %and3A_938 = vector.broadcast %and3A_937 : i32 to vector<16xi32>
      %and3A_939 = arith.andi %get3A_936, %and3A_938 : vector<16xi32>
      %add3A_940 = vector.broadcast %mul3A_18 : i32 to vector<16xi32>
      %add3A_941 = arith.addi %and3A_939, %add3A_940 : vector<16xi32>
      %swap3A_942 = arith.constant 0 : i32
      %swap3A_943 = arith.index_cast %swap3A_942 : i32 to index
      %swap3A_944 = arith.constant 16 : index
      %swap3A_945 = tpu.vector_load %arg10[%swap3A_943, %swap3A_944] {strides = array<i32>} : memref<1x32xi32, #tpu.memory_space<vmem>>, vector<1x16xi32>,
      %swap3A_946 = vector.shape_cast %swap3A_945 : vector<1x16xi32> to vector<16xi32>
      %swap3A_947 = vector.shape_cast %add3A_941 : vector<16xi32> to vector<1x16xi32>
      tpu.vector_store %arg10[%swap3A_943, %swap3A_944], %swap3A_947 {strides = array<i32>} : memref<1x32xi32, #tpu.memory_space<vmem>>, vector<1x16xi32>,
      %shift_right_logical3A_948 = arith.constant 16 : i32
      %shift_right_logical3A_949 = vector.broadcast %shift_right_logical3A_948 : i32 to vector<16xi32>
      %shift_right_logical3A_950 = arith.shrui %get3A_936, %shift_right_logical3A_949 : vector<16xi32>
      %swap3A_951 = arith.constant 0 : i32
      %swap3A_952 = arith.index_cast %swap3A_951 : i32 to index
      %swap3A_953 = arith.constant 16 : index
      %swap3A_954 = tpu.vector_load %arg11[%swap3A_952, %swap3A_953] {strides = array<i32>} : memref<1x32xi32, #tpu.memory_space<vmem>>, vector<1x16xi32>,
      %swap3A_955 = vector.shape_cast %swap3A_954 : vector<1x16xi32> to vector<16xi32>
      %swap3A_956 = vector.shape_cast %shift_right_logical3A_950 : vector<16xi32> to vector<1x16xi32>
      tpu.vector_store %arg11[%swap3A_952, %swap3A_953], %swap3A_956 {strides = array<i32>} : memref<1x32xi32, #tpu.memory_space<vmem>>, vector<1x16xi32>,
      %dma_start3A_957 = arith.constant 0 : i32
      %dma_start3A_958 = arith.constant 0 : i32
      %dma_start3A_959 = tpu.memref_slice %arg10[%dma_start3A_957, %dma_start3A_958] : memref<1x32xi32, #tpu.memory_space<vmem>> -> memref<1x32xi32, #tpu.memory_space<vmem>>
      %dma_start3A_960 = tpu.memref_squeeze %dma_start3A_959 : memref<1x32xi32, #tpu.memory_space<vmem>> -> memref<32xi32, #tpu.memory_space<vmem>>
      %dma_start3A_961 = arith.constant 0 : i32
      %dma_start3A_962 = arith.constant 0 : i32
      %dma_start3A_963 = tpu.memref_slice %arg2[%dma_start3A_961, %dma_start3A_962] : memref<80000x128xf32, #tpu.memory_space<hbm>> -> memref<80000x128xf32, #tpu.memory_space<hbm>>
      tpu.enqueue_indirect_dma source(%dma_start3A_963 : memref<80000x128xf32, #tpu.memory_space<hbm>>) target(%arg24 : memref<32x128xf32, #tpu.memory_space<vmem>>) offsets(%dma_start3A_960 : memref<32xi32, #tpu.memory_space<vmem>>) semaphore(%arg33 : memref<!tpu.dma_semaphore, #tpu.memory_space<semaphore_mem>>)
      %dma_wait3A_964 = arith.constant 0 : i32
      %dma_wait3A_965 = tpu.memref_slice %arg12[%scan3A_473, %dma_wait3A_964] : memref<1x32xi32, #tpu.memory_space<vmem>> -> memref<1x32xi32, #tpu.memory_space<vmem>>
      %dma_wait3A_966 = tpu.memref_squeeze %dma_wait3A_965 : memref<1x32xi32, #tpu.memory_space<vmem>> -> memref<32xi32, #tpu.memory_space<vmem>>
      %dma_wait3A_967 = arith.constant 0 : i32
      %dma_wait3A_968 = arith.constant 0 : i32
      %dma_wait3A_969 = tpu.memref_slice %arg2[%dma_wait3A_967, %dma_wait3A_968] : memref<80000x128xf32, #tpu.memory_space<hbm>> -> memref<80000x128xf32, #tpu.memory_space<hbm>>
      tpu.wait_indirect_dma semaphore(%arg34 : memref<!tpu.dma_semaphore, #tpu.memory_space<semaphore_mem>>) src(%dma_wait3A_969 : memref<80000x128xf32, #tpu.memory_space<hbm>>) dst(%arg25 : memref<32x128xf32, #tpu.memory_space<vmem>>)
      %run_scoped3A_970 = arith.constant 0 : i32
      "tpu.region"() ({
        %run_scoped3A_1645 = tpu.sem_alloc : memref<!tpu.dma_semaphore, #tpu.memory_space<semaphore_mem>>
        %dma_start3A_1646 = arith.constant 0 : i32
        %dma_start3A_1647 = tpu.memref_slice %arg13[%run_scoped3A_970, %dma_start3A_1646] : memref<1x32xi32, #tpu.memory_space<vmem>> -> memref<1x32xi32, #tpu.memory_space<vmem>>
        %dma_start3A_1648 = tpu.memref_squeeze %dma_start3A_1647 : memref<1x32xi32, #tpu.memory_space<vmem>> -> memref<32xi32, #tpu.memory_space<vmem>>
        %dma_start3A_1649 = arith.constant 0 : i32
        %dma_start3A_1650 = arith.constant 0 : i32
        %dma_start3A_1651 = tpu.memref_slice %arg30[%dma_start3A_1649, %dma_start3A_1650] : memref<10240x128xf32, #tpu.memory_space<vmem_shared>> -> memref<10240x128xf32, #tpu.memory_space<vmem_shared>>
        tpu.enqueue_indirect_dma source(%arg25 : memref<32x128xf32, #tpu.memory_space<vmem>>) target(%dma_start3A_1651 : memref<10240x128xf32, #tpu.memory_space<vmem_shared>>) offsets(%dma_start3A_1648 : memref<32xi32, #tpu.memory_space<vmem>>) semaphore(%run_scoped3A_1645 : memref<!tpu.dma_semaphore, #tpu.memory_space<semaphore_mem>>) {add = true}
        %dma_wait3A_1652 = arith.constant 0 : i32
        %dma_wait3A_1653 = tpu.memref_slice %arg13[%run_scoped3A_970, %dma_wait3A_1652] : memref<1x32xi32, #tpu.memory_space<vmem>> -> memref<1x32xi32, #tpu.memory_space<vmem>>
        %dma_wait3A_1654 = tpu.memref_squeeze %dma_wait3A_1653 : memref<1x32xi32, #tpu.memory_space<vmem>> -> memref<32xi32, #tpu.memory_space<vmem>>
        %dma_wait3A_1655 = arith.constant 0 : i32
        %dma_wait3A_1656 = arith.constant 0 : i32
        %dma_wait3A_1657 = tpu.memref_slice %arg30[%dma_wait3A_1655, %dma_wait3A_1656] : memref<10240x128xf32, #tpu.memory_space<vmem_shared>> -> memref<10240x128xf32, #tpu.memory_space<vmem_shared>>
        tpu.wait_indirect_dma semaphore(%run_scoped3A_1645 : memref<!tpu.dma_semaphore, #tpu.memory_space<semaphore_mem>>) src(%arg25 : memref<32x128xf32, #tpu.memory_space<vmem>>) dst(%dma_wait3A_1657 : memref<10240x128xf32, #tpu.memory_space<vmem_shared>>)
        tpu.yield
      }) : () -> ()
      %add3A_971 = arith.constant 8 : i32
      %add3A_972 = arith.addi %mul3A_561, %add3A_971 : i32
      %add3A_973 = arith.constant 3 : i32
      %add3A_974 = arith.addi %add3A_972, %add3A_973 : i32
      %jit3A_975 = arith.constant 4 : i32
      %eq3A_976 = arith.constant 0 : i32
      %eq3A_977 = arith.cmpi eq, %jit3A_975, %eq3A_976 : i32
      %jit3A_978 = arith.constant 1 : i32
      %select_n3A_979 = arith.select %eq3A_977, %jit3A_978, %jit3A_975 : i32
      %rem3A_980 = arith.remsi %add3A_974, %select_n3A_979 : i32
      %ne3A_981 = arith.constant 0 : i32
      %ne3A_982 = arith.cmpi ne, %rem3A_980, %ne3A_981 : i32
      %lt3A_983 = arith.constant 0 : i32
      %lt3A_984 = arith.cmpi slt, %rem3A_980, %lt3A_983 : i32
      %lt3A_985 = arith.constant 0 : i32
      %lt3A_986 = arith.cmpi slt, %select_n3A_979, %lt3A_985 : i32
      %ne3A_987 = arith.xori %lt3A_984, %lt3A_986 : i1
      %and3A_988 = arith.andi %ne3A_987, %ne3A_982 : i1
      %add3A_989 = arith.addi %rem3A_980, %select_n3A_979 : i32
      %select_n3A_990 = arith.select %and3A_988, %add3A_989, %rem3A_980 : i32
      %mul3A_991 = arith.constant 32 : i32
      %mul3A_992 = arith.muli %select_n3A_990, %mul3A_991 : i32
      %jit3A_993 = arith.constant 4 : i32
      %div3A_994 = arith.divsi %add3A_974, %jit3A_993 : i32
      %sign3A_995 = arith.constant 0 : i32
      %sign3A_996 = arith.cmpi sgt, %add3A_974, %sign3A_995 : i32
      %sign3A_997 = arith.extui %sign3A_996 : i1 to i32
      %sign3A_998 = arith.constant 0 : i32
      %sign3A_999 = arith.cmpi slt, %add3A_974, %sign3A_998 : i32
      %sign3A_1000 = arith.extui %sign3A_999 : i1 to i32
      %sign3A_1001 = arith.subi %sign3A_997, %sign3A_1000 : i32
      %sign3A_1002 = arith.constant 0 : i32
      %sign3A_1003 = arith.cmpi sgt, %jit3A_993, %sign3A_1002 : i32
      %sign3A_1004 = arith.extui %sign3A_1003 : i1 to i32
      %sign3A_1005 = arith.constant 0 : i32
      %sign3A_1006 = arith.cmpi slt, %jit3A_993, %sign3A_1005 : i32
      %sign3A_1007 = arith.extui %sign3A_1006 : i1 to i32
      %sign3A_1008 = arith.subi %sign3A_1004, %sign3A_1007 : i32
      %ne3A_1009 = arith.cmpi ne, %sign3A_1001, %sign3A_1008 : i32
      %rem3A_1010 = arith.remsi %add3A_974, %jit3A_993 : i32
      %ne3A_1011 = arith.constant 0 : i32
      %ne3A_1012 = arith.cmpi ne, %rem3A_1010, %ne3A_1011 : i32
      %and3A_1013 = arith.andi %ne3A_1009, %ne3A_1012 : i1
      %sub3A_1014 = arith.constant 1 : i32
      %sub3A_1015 = arith.subi %div3A_994, %sub3A_1014 : i32
      %select_n3A_1016 = arith.select %and3A_1013, %sub3A_1015, %div3A_994 : i32
      %add3A_1017 = arith.constant 0 : i32
      %add3A_1018 = arith.addi %mul3A_992, %add3A_1017 : i32
      %get3A_1019 = arith.index_cast %select_n3A_1016 : i32 to index
      %get3A_1020 = arith.index_cast %add3A_1018 : i32 to index
      %get3A_1021 = tpu.vector_load %arg5[%get3A_1019, %get3A_1020] {strides = array<i32>} : memref<80x128xi32, #tpu.memory_space<vmem>>, vector<1x16xi32>,
      %get3A_1022 = vector.shape_cast %get3A_1021 : vector<1x16xi32> to vector<16xi32>
      %and3A_1023 = arith.constant 65535 : i32
      %and3A_1024 = vector.broadcast %and3A_1023 : i32 to vector<16xi32>
      %and3A_1025 = arith.andi %get3A_1022, %and3A_1024 : vector<16xi32>
      %add3A_1026 = vector.broadcast %mul3A_18 : i32 to vector<16xi32>
      %add3A_1027 = arith.addi %and3A_1025, %add3A_1026 : vector<16xi32>
      %swap3A_1028 = arith.constant 0 : i32
      %swap3A_1029 = arith.index_cast %swap3A_1028 : i32 to index
      %swap3A_1030 = arith.constant 0 : index
      %swap3A_1031 = tpu.vector_load %arg12[%swap3A_1029, %swap3A_1030] {strides = array<i32>} : memref<1x32xi32, #tpu.memory_space<vmem>>, vector<1x16xi32>,
      %swap3A_1032 = vector.shape_cast %swap3A_1031 : vector<1x16xi32> to vector<16xi32>
      %swap3A_1033 = vector.shape_cast %add3A_1027 : vector<16xi32> to vector<1x16xi32>
      tpu.vector_store %arg12[%swap3A_1029, %swap3A_1030], %swap3A_1033 {strides = array<i32>} : memref<1x32xi32, #tpu.memory_space<vmem>>, vector<1x16xi32>,
      %shift_right_logical3A_1034 = arith.constant 16 : i32
      %shift_right_logical3A_1035 = vector.broadcast %shift_right_logical3A_1034 : i32 to vector<16xi32>
      %shift_right_logical3A_1036 = arith.shrui %get3A_1022, %shift_right_logical3A_1035 : vector<16xi32>
      %swap3A_1037 = arith.constant 0 : i32
      %swap3A_1038 = arith.index_cast %swap3A_1037 : i32 to index
      %swap3A_1039 = arith.constant 0 : index
      %swap3A_1040 = tpu.vector_load %arg13[%swap3A_1038, %swap3A_1039] {strides = array<i32>} : memref<1x32xi32, #tpu.memory_space<vmem>>, vector<1x16xi32>,
      %swap3A_1041 = vector.shape_cast %swap3A_1040 : vector<1x16xi32> to vector<16xi32>
      %swap3A_1042 = vector.shape_cast %shift_right_logical3A_1036 : vector<16xi32> to vector<1x16xi32>
      tpu.vector_store %arg13[%swap3A_1038, %swap3A_1039], %swap3A_1042 {strides = array<i32>} : memref<1x32xi32, #tpu.memory_space<vmem>>, vector<1x16xi32>,
      %jit3A_1043 = arith.constant 4 : i32
      %div3A_1044 = arith.divsi %add3A_974, %jit3A_1043 : i32
      %sign3A_1045 = arith.constant 0 : i32
      %sign3A_1046 = arith.cmpi sgt, %add3A_974, %sign3A_1045 : i32
      %sign3A_1047 = arith.extui %sign3A_1046 : i1 to i32
      %sign3A_1048 = arith.constant 0 : i32
      %sign3A_1049 = arith.cmpi slt, %add3A_974, %sign3A_1048 : i32
      %sign3A_1050 = arith.extui %sign3A_1049 : i1 to i32
      %sign3A_1051 = arith.subi %sign3A_1047, %sign3A_1050 : i32
      %sign3A_1052 = arith.constant 0 : i32
      %sign3A_1053 = arith.cmpi sgt, %jit3A_1043, %sign3A_1052 : i32
      %sign3A_1054 = arith.extui %sign3A_1053 : i1 to i32
      %sign3A_1055 = arith.constant 0 : i32
      %sign3A_1056 = arith.cmpi slt, %jit3A_1043, %sign3A_1055 : i32
      %sign3A_1057 = arith.extui %sign3A_1056 : i1 to i32
      %sign3A_1058 = arith.subi %sign3A_1054, %sign3A_1057 : i32
      %ne3A_1059 = arith.cmpi ne, %sign3A_1051, %sign3A_1058 : i32
      %rem3A_1060 = arith.remsi %add3A_974, %jit3A_1043 : i32
      %ne3A_1061 = arith.constant 0 : i32
      %ne3A_1062 = arith.cmpi ne, %rem3A_1060, %ne3A_1061 : i32
      %and3A_1063 = arith.andi %ne3A_1059, %ne3A_1062 : i1
      %sub3A_1064 = arith.constant 1 : i32
      %sub3A_1065 = arith.subi %div3A_1044, %sub3A_1064 : i32
      %select_n3A_1066 = arith.select %and3A_1063, %sub3A_1065, %div3A_1044 : i32
      %add3A_1067 = arith.constant 16 : i32
      %add3A_1068 = arith.addi %mul3A_992, %add3A_1067 : i32
      %get3A_1069 = arith.index_cast %select_n3A_1066 : i32 to index
      %get3A_1070 = arith.index_cast %add3A_1068 : i32 to index
      %get3A_1071 = tpu.vector_load %arg5[%get3A_1069, %get3A_1070] {strides = array<i32>} : memref<80x128xi32, #tpu.memory_space<vmem>>, vector<1x16xi32>,
      %get3A_1072 = vector.shape_cast %get3A_1071 : vector<1x16xi32> to vector<16xi32>
      %and3A_1073 = arith.constant 65535 : i32
      %and3A_1074 = vector.broadcast %and3A_1073 : i32 to vector<16xi32>
      %and3A_1075 = arith.andi %get3A_1072, %and3A_1074 : vector<16xi32>
      %add3A_1076 = vector.broadcast %mul3A_18 : i32 to vector<16xi32>
      %add3A_1077 = arith.addi %and3A_1075, %add3A_1076 : vector<16xi32>
      %swap3A_1078 = arith.constant 0 : i32
      %swap3A_1079 = arith.index_cast %swap3A_1078 : i32 to index
      %swap3A_1080 = arith.constant 16 : index
      %swap3A_1081 = tpu.vector_load %arg12[%swap3A_1079, %swap3A_1080] {strides = array<i32>} : memref<1x32xi32, #tpu.memory_space<vmem>>, vector<1x16xi32>,
      %swap3A_1082 = vector.shape_cast %swap3A_1081 : vector<1x16xi32> to vector<16xi32>
      %swap3A_1083 = vector.shape_cast %add3A_1077 : vector<16xi32> to vector<1x16xi32>
      tpu.vector_store %arg12[%swap3A_1079, %swap3A_1080], %swap3A_1083 {strides = array<i32>} : memref<1x32xi32, #tpu.memory_space<vmem>>, vector<1x16xi32>,
      %shift_right_logical3A_1084 = arith.constant 16 : i32
      %shift_right_logical3A_1085 = vector.broadcast %shift_right_logical3A_1084 : i32 to vector<16xi32>
      %shift_right_logical3A_1086 = arith.shrui %get3A_1072, %shift_right_logical3A_1085 : vector<16xi32>
      %swap3A_1087 = arith.constant 0 : i32
      %swap3A_1088 = arith.index_cast %swap3A_1087 : i32 to index
      %swap3A_1089 = arith.constant 16 : index
      %swap3A_1090 = tpu.vector_load %arg13[%swap3A_1088, %swap3A_1089] {strides = array<i32>} : memref<1x32xi32, #tpu.memory_space<vmem>>, vector<1x16xi32>,
      %swap3A_1091 = vector.shape_cast %swap3A_1090 : vector<1x16xi32> to vector<16xi32>
      %swap3A_1092 = vector.shape_cast %shift_right_logical3A_1086 : vector<16xi32> to vector<1x16xi32>
      tpu.vector_store %arg13[%swap3A_1088, %swap3A_1089], %swap3A_1092 {strides = array<i32>} : memref<1x32xi32, #tpu.memory_space<vmem>>, vector<1x16xi32>,
      %dma_start3A_1093 = arith.constant 0 : i32
      %dma_start3A_1094 = arith.constant 0 : i32
      %dma_start3A_1095 = tpu.memref_slice %arg12[%dma_start3A_1093, %dma_start3A_1094] : memref<1x32xi32, #tpu.memory_space<vmem>> -> memref<1x32xi32, #tpu.memory_space<vmem>>
      %dma_start3A_1096 = tpu.memref_squeeze %dma_start3A_1095 : memref<1x32xi32, #tpu.memory_space<vmem>> -> memref<32xi32, #tpu.memory_space<vmem>>
      %dma_start3A_1097 = arith.constant 0 : i32
      %dma_start3A_1098 = arith.constant 0 : i32
      %dma_start3A_1099 = tpu.memref_slice %arg2[%dma_start3A_1097, %dma_start3A_1098] : memref<80000x128xf32, #tpu.memory_space<hbm>> -> memref<80000x128xf32, #tpu.memory_space<hbm>>
      tpu.enqueue_indirect_dma source(%dma_start3A_1099 : memref<80000x128xf32, #tpu.memory_space<hbm>>) target(%arg25 : memref<32x128xf32, #tpu.memory_space<vmem>>) offsets(%dma_start3A_1096 : memref<32xi32, #tpu.memory_space<vmem>>) semaphore(%arg34 : memref<!tpu.dma_semaphore, #tpu.memory_space<semaphore_mem>>)
      %dma_wait3A_1100 = arith.constant 0 : i32
      %dma_wait3A_1101 = tpu.memref_slice %arg14[%scan3A_474, %dma_wait3A_1100] : memref<1x32xi32, #tpu.memory_space<vmem>> -> memref<1x32xi32, #tpu.memory_space<vmem>>
      %dma_wait3A_1102 = tpu.memref_squeeze %dma_wait3A_1101 : memref<1x32xi32, #tpu.memory_space<vmem>> -> memref<32xi32, #tpu.memory_space<vmem>>
      %dma_wait3A_1103 = arith.constant 0 : i32
      %dma_wait3A_1104 = arith.constant 0 : i32
      %dma_wait3A_1105 = tpu.memref_slice %arg2[%dma_wait3A_1103, %dma_wait3A_1104] : memref<80000x128xf32, #tpu.memory_space<hbm>> -> memref<80000x128xf32, #tpu.memory_space<hbm>>
      tpu.wait_indirect_dma semaphore(%arg35 : memref<!tpu.dma_semaphore, #tpu.memory_space<semaphore_mem>>) src(%dma_wait3A_1105 : memref<80000x128xf32, #tpu.memory_space<hbm>>) dst(%arg26 : memref<32x128xf32, #tpu.memory_space<vmem>>)
      %run_scoped3A_1106 = arith.constant 0 : i32
      "tpu.region"() ({
        %run_scoped3A_1645 = tpu.sem_alloc : memref<!tpu.dma_semaphore, #tpu.memory_space<semaphore_mem>>
        %dma_start3A_1646 = arith.constant 0 : i32
        %dma_start3A_1647 = tpu.memref_slice %arg15[%run_scoped3A_1106, %dma_start3A_1646] : memref<1x32xi32, #tpu.memory_space<vmem>> -> memref<1x32xi32, #tpu.memory_space<vmem>>
        %dma_start3A_1648 = tpu.memref_squeeze %dma_start3A_1647 : memref<1x32xi32, #tpu.memory_space<vmem>> -> memref<32xi32, #tpu.memory_space<vmem>>
        %dma_start3A_1649 = arith.constant 0 : i32
        %dma_start3A_1650 = arith.constant 0 : i32
        %dma_start3A_1651 = tpu.memref_slice %arg30[%dma_start3A_1649, %dma_start3A_1650] : memref<10240x128xf32, #tpu.memory_space<vmem_shared>> -> memref<10240x128xf32, #tpu.memory_space<vmem_shared>>
        tpu.enqueue_indirect_dma source(%arg26 : memref<32x128xf32, #tpu.memory_space<vmem>>) target(%dma_start3A_1651 : memref<10240x128xf32, #tpu.memory_space<vmem_shared>>) offsets(%dma_start3A_1648 : memref<32xi32, #tpu.memory_space<vmem>>) semaphore(%run_scoped3A_1645 : memref<!tpu.dma_semaphore, #tpu.memory_space<semaphore_mem>>) {add = true}
        %dma_wait3A_1652 = arith.constant 0 : i32
        %dma_wait3A_1653 = tpu.memref_slice %arg15[%run_scoped3A_1106, %dma_wait3A_1652] : memref<1x32xi32, #tpu.memory_space<vmem>> -> memref<1x32xi32, #tpu.memory_space<vmem>>
        %dma_wait3A_1654 = tpu.memref_squeeze %dma_wait3A_1653 : memref<1x32xi32, #tpu.memory_space<vmem>> -> memref<32xi32, #tpu.memory_space<vmem>>
        %dma_wait3A_1655 = arith.constant 0 : i32
        %dma_wait3A_1656 = arith.constant 0 : i32
        %dma_wait3A_1657 = tpu.memref_slice %arg30[%dma_wait3A_1655, %dma_wait3A_1656] : memref<10240x128xf32, #tpu.memory_space<vmem_shared>> -> memref<10240x128xf32, #tpu.memory_space<vmem_shared>>
        tpu.wait_indirect_dma semaphore(%run_scoped3A_1645 : memref<!tpu.dma_semaphore, #tpu.memory_space<semaphore_mem>>) src(%arg26 : memref<32x128xf32, #tpu.memory_space<vmem>>) dst(%dma_wait3A_1657 : memref<10240x128xf32, #tpu.memory_space<vmem_shared>>)
        tpu.yield
      }) : () -> ()
      %add3A_1107 = arith.constant 8 : i32
      %add3A_1108 = arith.addi %mul3A_561, %add3A_1107 : i32
      %add3A_1109 = arith.constant 4 : i32
      %add3A_1110 = arith.addi %add3A_1108, %add3A_1109 : i32
      %jit3A_1111 = arith.constant 4 : i32
      %eq3A_1112 = arith.constant 0 : i32
      %eq3A_1113 = arith.cmpi eq, %jit3A_1111, %eq3A_1112 : i32
      %jit3A_1114 = arith.constant 1 : i32
      %select_n3A_1115 = arith.select %eq3A_1113, %jit3A_1114, %jit3A_1111 : i32
      %rem3A_1116 = arith.remsi %add3A_1110, %select_n3A_1115 : i32
      %ne3A_1117 = arith.constant 0 : i32
      %ne3A_1118 = arith.cmpi ne, %rem3A_1116, %ne3A_1117 : i32
      %lt3A_1119 = arith.constant 0 : i32
      %lt3A_1120 = arith.cmpi slt, %rem3A_1116, %lt3A_1119 : i32
      %lt3A_1121 = arith.constant 0 : i32
      %lt3A_1122 = arith.cmpi slt, %select_n3A_1115, %lt3A_1121 : i32
      %ne3A_1123 = arith.xori %lt3A_1120, %lt3A_1122 : i1
      %and3A_1124 = arith.andi %ne3A_1123, %ne3A_1118 : i1
      %add3A_1125 = arith.addi %rem3A_1116, %select_n3A_1115 : i32
      %select_n3A_1126 = arith.select %and3A_1124, %add3A_1125, %rem3A_1116 : i32
      %mul3A_1127 = arith.constant 32 : i32
      %mul3A_1128 = arith.muli %select_n3A_1126, %mul3A_1127 : i32
      %jit3A_1129 = arith.constant 4 : i32
      %div3A_1130 = arith.divsi %add3A_1110, %jit3A_1129 : i32
      %sign3A_1131 = arith.constant 0 : i32
      %sign3A_1132 = arith.cmpi sgt, %add3A_1110, %sign3A_1131 : i32
      %sign3A_1133 = arith.extui %sign3A_1132 : i1 to i32
      %sign3A_1134 = arith.constant 0 : i32
      %sign3A_1135 = arith.cmpi slt, %add3A_1110, %sign3A_1134 : i32
      %sign3A_1136 = arith.extui %sign3A_1135 : i1 to i32
      %sign3A_1137 = arith.subi %sign3A_1133, %sign3A_1136 : i32
      %sign3A_1138 = arith.constant 0 : i32
      %sign3A_1139 = arith.cmpi sgt, %jit3A_1129, %sign3A_1138 : i32
      %sign3A_1140 = arith.extui %sign3A_1139 : i1 to i32
      %sign3A_1141 = arith.constant 0 : i32
      %sign3A_1142 = arith.cmpi slt, %jit3A_1129, %sign3A_1141 : i32
      %sign3A_1143 = arith.extui %sign3A_1142 : i1 to i32
      %sign3A_1144 = arith.subi %sign3A_1140, %sign3A_1143 : i32
      %ne3A_1145 = arith.cmpi ne, %sign3A_1137, %sign3A_1144 : i32
      %rem3A_1146 = arith.remsi %add3A_1110, %jit3A_1129 : i32
      %ne3A_1147 = arith.constant 0 : i32
      %ne3A_1148 = arith.cmpi ne, %rem3A_1146, %ne3A_1147 : i32
      %and3A_1149 = arith.andi %ne3A_1145, %ne3A_1148 : i1
      %sub3A_1150 = arith.constant 1 : i32
      %sub3A_1151 = arith.subi %div3A_1130, %sub3A_1150 : i32
      %select_n3A_1152 = arith.select %and3A_1149, %sub3A_1151, %div3A_1130 : i32
      %add3A_1153 = arith.constant 0 : i32
      %add3A_1154 = arith.addi %mul3A_1128, %add3A_1153 : i32
      %get3A_1155 = arith.index_cast %select_n3A_1152 : i32 to index
      %get3A_1156 = arith.index_cast %add3A_1154 : i32 to index
      %get3A_1157 = tpu.vector_load %arg5[%get3A_1155, %get3A_1156] {strides = array<i32>} : memref<80x128xi32, #tpu.memory_space<vmem>>, vector<1x16xi32>,
      %get3A_1158 = vector.shape_cast %get3A_1157 : vector<1x16xi32> to vector<16xi32>
      %and3A_1159 = arith.constant 65535 : i32
      %and3A_1160 = vector.broadcast %and3A_1159 : i32 to vector<16xi32>
      %and3A_1161 = arith.andi %get3A_1158, %and3A_1160 : vector<16xi32>
      %add3A_1162 = vector.broadcast %mul3A_18 : i32 to vector<16xi32>
      %add3A_1163 = arith.addi %and3A_1161, %add3A_1162 : vector<16xi32>
      %swap3A_1164 = arith.constant 0 : i32
      %swap3A_1165 = arith.index_cast %swap3A_1164 : i32 to index
      %swap3A_1166 = arith.constant 0 : index
      %swap3A_1167 = tpu.vector_load %arg14[%swap3A_1165, %swap3A_1166] {strides = array<i32>} : memref<1x32xi32, #tpu.memory_space<vmem>>, vector<1x16xi32>,
      %swap3A_1168 = vector.shape_cast %swap3A_1167 : vector<1x16xi32> to vector<16xi32>
      %swap3A_1169 = vector.shape_cast %add3A_1163 : vector<16xi32> to vector<1x16xi32>
      tpu.vector_store %arg14[%swap3A_1165, %swap3A_1166], %swap3A_1169 {strides = array<i32>} : memref<1x32xi32, #tpu.memory_space<vmem>>, vector<1x16xi32>,
      %shift_right_logical3A_1170 = arith.constant 16 : i32
      %shift_right_logical3A_1171 = vector.broadcast %shift_right_logical3A_1170 : i32 to vector<16xi32>
      %shift_right_logical3A_1172 = arith.shrui %get3A_1158, %shift_right_logical3A_1171 : vector<16xi32>
      %swap3A_1173 = arith.constant 0 : i32
      %swap3A_1174 = arith.index_cast %swap3A_1173 : i32 to index
      %swap3A_1175 = arith.constant 0 : index
      %swap3A_1176 = tpu.vector_load %arg15[%swap3A_1174, %swap3A_1175] {strides = array<i32>} : memref<1x32xi32, #tpu.memory_space<vmem>>, vector<1x16xi32>,
      %swap3A_1177 = vector.shape_cast %swap3A_1176 : vector<1x16xi32> to vector<16xi32>
      %swap3A_1178 = vector.shape_cast %shift_right_logical3A_1172 : vector<16xi32> to vector<1x16xi32>
      tpu.vector_store %arg15[%swap3A_1174, %swap3A_1175], %swap3A_1178 {strides = array<i32>} : memref<1x32xi32, #tpu.memory_space<vmem>>, vector<1x16xi32>,
      %jit3A_1179 = arith.constant 4 : i32
      %div3A_1180 = arith.divsi %add3A_1110, %jit3A_1179 : i32
      %sign3A_1181 = arith.constant 0 : i32
      %sign3A_1182 = arith.cmpi sgt, %add3A_1110, %sign3A_1181 : i32
      %sign3A_1183 = arith.extui %sign3A_1182 : i1 to i32
      %sign3A_1184 = arith.constant 0 : i32
      %sign3A_1185 = arith.cmpi slt, %add3A_1110, %sign3A_1184 : i32
      %sign3A_1186 = arith.extui %sign3A_1185 : i1 to i32
      %sign3A_1187 = arith.subi %sign3A_1183, %sign3A_1186 : i32
      %sign3A_1188 = arith.constant 0 : i32
      %sign3A_1189 = arith.cmpi sgt, %jit3A_1179, %sign3A_1188 : i32
      %sign3A_1190 = arith.extui %sign3A_1189 : i1 to i32
      %sign3A_1191 = arith.constant 0 : i32
      %sign3A_1192 = arith.cmpi slt, %jit3A_1179, %sign3A_1191 : i32
      %sign3A_1193 = arith.extui %sign3A_1192 : i1 to i32
      %sign3A_1194 = arith.subi %sign3A_1190, %sign3A_1193 : i32
      %ne3A_1195 = arith.cmpi ne, %sign3A_1187, %sign3A_1194 : i32
      %rem3A_1196 = arith.remsi %add3A_1110, %jit3A_1179 : i32
      %ne3A_1197 = arith.constant 0 : i32
      %ne3A_1198 = arith.cmpi ne, %rem3A_1196, %ne3A_1197 : i32
      %and3A_1199 = arith.andi %ne3A_1195, %ne3A_1198 : i1
      %sub3A_1200 = arith.constant 1 : i32
      %sub3A_1201 = arith.subi %div3A_1180, %sub3A_1200 : i32
      %select_n3A_1202 = arith.select %and3A_1199, %sub3A_1201, %div3A_1180 : i32
      %add3A_1203 = arith.constant 16 : i32
      %add3A_1204 = arith.addi %mul3A_1128, %add3A_1203 : i32
      %get3A_1205 = arith.index_cast %select_n3A_1202 : i32 to index
      %get3A_1206 = arith.index_cast %add3A_1204 : i32 to index
      %get3A_1207 = tpu.vector_load %arg5[%get3A_1205, %get3A_1206] {strides = array<i32>} : memref<80x128xi32, #tpu.memory_space<vmem>>, vector<1x16xi32>,
      %get3A_1208 = vector.shape_cast %get3A_1207 : vector<1x16xi32> to vector<16xi32>
      %and3A_1209 = arith.constant 65535 : i32
      %and3A_1210 = vector.broadcast %and3A_1209 : i32 to vector<16xi32>
      %and3A_1211 = arith.andi %get3A_1208, %and3A_1210 : vector<16xi32>
      %add3A_1212 = vector.broadcast %mul3A_18 : i32 to vector<16xi32>
      %add3A_1213 = arith.addi %and3A_1211, %add3A_1212 : vector<16xi32>
      %swap3A_1214 = arith.constant 0 : i32
      %swap3A_1215 = arith.index_cast %swap3A_1214 : i32 to index
      %swap3A_1216 = arith.constant 16 : index
      %swap3A_1217 = tpu.vector_load %arg14[%swap3A_1215, %swap3A_1216] {strides = array<i32>} : memref<1x32xi32, #tpu.memory_space<vmem>>, vector<1x16xi32>,
      %swap3A_1218 = vector.shape_cast %swap3A_1217 : vector<1x16xi32> to vector<16xi32>
      %swap3A_1219 = vector.shape_cast %add3A_1213 : vector<16xi32> to vector<1x16xi32>
      tpu.vector_store %arg14[%swap3A_1215, %swap3A_1216], %swap3A_1219 {strides = array<i32>} : memref<1x32xi32, #tpu.memory_space<vmem>>, vector<1x16xi32>,
      %shift_right_logical3A_1220 = arith.constant 16 : i32
      %shift_right_logical3A_1221 = vector.broadcast %shift_right_logical3A_1220 : i32 to vector<16xi32>
      %shift_right_logical3A_1222 = arith.shrui %get3A_1208, %shift_right_logical3A_1221 : vector<16xi32>
      %swap3A_1223 = arith.constant 0 : i32
      %swap3A_1224 = arith.index_cast %swap3A_1223 : i32 to index
      %swap3A_1225 = arith.constant 16 : index
      %swap3A_1226 = tpu.vector_load %arg15[%swap3A_1224, %swap3A_1225] {strides = array<i32>} : memref<1x32xi32, #tpu.memory_space<vmem>>, vector<1x16xi32>,
      %swap3A_1227 = vector.shape_cast %swap3A_1226 : vector<1x16xi32> to vector<16xi32>
      %swap3A_1228 = vector.shape_cast %shift_right_logical3A_1222 : vector<16xi32> to vector<1x16xi32>
      tpu.vector_store %arg15[%swap3A_1224, %swap3A_1225], %swap3A_1228 {strides = array<i32>} : memref<1x32xi32, #tpu.memory_space<vmem>>, vector<1x16xi32>,
      %dma_start3A_1229 = arith.constant 0 : i32
      %dma_start3A_1230 = arith.constant 0 : i32
      %dma_start3A_1231 = tpu.memref_slice %arg14[%dma_start3A_1229, %dma_start3A_1230] : memref<1x32xi32, #tpu.memory_space<vmem>> -> memref<1x32xi32, #tpu.memory_space<vmem>>
      %dma_start3A_1232 = tpu.memref_squeeze %dma_start3A_1231 : memref<1x32xi32, #tpu.memory_space<vmem>> -> memref<32xi32, #tpu.memory_space<vmem>>
      %dma_start3A_1233 = arith.constant 0 : i32
      %dma_start3A_1234 = arith.constant 0 : i32
      %dma_start3A_1235 = tpu.memref_slice %arg2[%dma_start3A_1233, %dma_start3A_1234] : memref<80000x128xf32, #tpu.memory_space<hbm>> -> memref<80000x128xf32, #tpu.memory_space<hbm>>
      tpu.enqueue_indirect_dma source(%dma_start3A_1235 : memref<80000x128xf32, #tpu.memory_space<hbm>>) target(%arg26 : memref<32x128xf32, #tpu.memory_space<vmem>>) offsets(%dma_start3A_1232 : memref<32xi32, #tpu.memory_space<vmem>>) semaphore(%arg35 : memref<!tpu.dma_semaphore, #tpu.memory_space<semaphore_mem>>)
      %dma_wait3A_1236 = arith.constant 0 : i32
      %dma_wait3A_1237 = tpu.memref_slice %arg16[%scan3A_475, %dma_wait3A_1236] : memref<1x32xi32, #tpu.memory_space<vmem>> -> memref<1x32xi32, #tpu.memory_space<vmem>>
      %dma_wait3A_1238 = tpu.memref_squeeze %dma_wait3A_1237 : memref<1x32xi32, #tpu.memory_space<vmem>> -> memref<32xi32, #tpu.memory_space<vmem>>
      %dma_wait3A_1239 = arith.constant 0 : i32
      %dma_wait3A_1240 = arith.constant 0 : i32
      %dma_wait3A_1241 = tpu.memref_slice %arg2[%dma_wait3A_1239, %dma_wait3A_1240] : memref<80000x128xf32, #tpu.memory_space<hbm>> -> memref<80000x128xf32, #tpu.memory_space<hbm>>
      tpu.wait_indirect_dma semaphore(%arg36 : memref<!tpu.dma_semaphore, #tpu.memory_space<semaphore_mem>>) src(%dma_wait3A_1241 : memref<80000x128xf32, #tpu.memory_space<hbm>>) dst(%arg27 : memref<32x128xf32, #tpu.memory_space<vmem>>)
      %run_scoped3A_1242 = arith.constant 0 : i32
      "tpu.region"() ({
        %run_scoped3A_1645 = tpu.sem_alloc : memref<!tpu.dma_semaphore, #tpu.memory_space<semaphore_mem>>
        %dma_start3A_1646 = arith.constant 0 : i32
        %dma_start3A_1647 = tpu.memref_slice %arg17[%run_scoped3A_1242, %dma_start3A_1646] : memref<1x32xi32, #tpu.memory_space<vmem>> -> memref<1x32xi32, #tpu.memory_space<vmem>>
        %dma_start3A_1648 = tpu.memref_squeeze %dma_start3A_1647 : memref<1x32xi32, #tpu.memory_space<vmem>> -> memref<32xi32, #tpu.memory_space<vmem>>
        %dma_start3A_1649 = arith.constant 0 : i32
        %dma_start3A_1650 = arith.constant 0 : i32
        %dma_start3A_1651 = tpu.memref_slice %arg30[%dma_start3A_1649, %dma_start3A_1650] : memref<10240x128xf32, #tpu.memory_space<vmem_shared>> -> memref<10240x128xf32, #tpu.memory_space<vmem_shared>>
        tpu.enqueue_indirect_dma source(%arg27 : memref<32x128xf32, #tpu.memory_space<vmem>>) target(%dma_start3A_1651 : memref<10240x128xf32, #tpu.memory_space<vmem_shared>>) offsets(%dma_start3A_1648 : memref<32xi32, #tpu.memory_space<vmem>>) semaphore(%run_scoped3A_1645 : memref<!tpu.dma_semaphore, #tpu.memory_space<semaphore_mem>>) {add = true}
        %dma_wait3A_1652 = arith.constant 0 : i32
        %dma_wait3A_1653 = tpu.memref_slice %arg17[%run_scoped3A_1242, %dma_wait3A_1652] : memref<1x32xi32, #tpu.memory_space<vmem>> -> memref<1x32xi32, #tpu.memory_space<vmem>>
        %dma_wait3A_1654 = tpu.memref_squeeze %dma_wait3A_1653 : memref<1x32xi32, #tpu.memory_space<vmem>> -> memref<32xi32, #tpu.memory_space<vmem>>
        %dma_wait3A_1655 = arith.constant 0 : i32
        %dma_wait3A_1656 = arith.constant 0 : i32
        %dma_wait3A_1657 = tpu.memref_slice %arg30[%dma_wait3A_1655, %dma_wait3A_1656] : memref<10240x128xf32, #tpu.memory_space<vmem_shared>> -> memref<10240x128xf32, #tpu.memory_space<vmem_shared>>
        tpu.wait_indirect_dma semaphore(%run_scoped3A_1645 : memref<!tpu.dma_semaphore, #tpu.memory_space<semaphore_mem>>) src(%arg27 : memref<32x128xf32, #tpu.memory_space<vmem>>) dst(%dma_wait3A_1657 : memref<10240x128xf32, #tpu.memory_space<vmem_shared>>)
        tpu.yield
      }) : () -> ()
      %add3A_1243 = arith.constant 8 : i32
      %add3A_1244 = arith.addi %mul3A_561, %add3A_1243 : i32
      %add3A_1245 = arith.constant 5 : i32
      %add3A_1246 = arith.addi %add3A_1244, %add3A_1245 : i32
      %jit3A_1247 = arith.constant 4 : i32
      %eq3A_1248 = arith.constant 0 : i32
      %eq3A_1249 = arith.cmpi eq, %jit3A_1247, %eq3A_1248 : i32
      %jit3A_1250 = arith.constant 1 : i32
      %select_n3A_1251 = arith.select %eq3A_1249, %jit3A_1250, %jit3A_1247 : i32
      %rem3A_1252 = arith.remsi %add3A_1246, %select_n3A_1251 : i32
      %ne3A_1253 = arith.constant 0 : i32
      %ne3A_1254 = arith.cmpi ne, %rem3A_1252, %ne3A_1253 : i32
      %lt3A_1255 = arith.constant 0 : i32
      %lt3A_1256 = arith.cmpi slt, %rem3A_1252, %lt3A_1255 : i32
      %lt3A_1257 = arith.constant 0 : i32
      %lt3A_1258 = arith.cmpi slt, %select_n3A_1251, %lt3A_1257 : i32
      %ne3A_1259 = arith.xori %lt3A_1256, %lt3A_1258 : i1
      %and3A_1260 = arith.andi %ne3A_1259, %ne3A_1254 : i1
      %add3A_1261 = arith.addi %rem3A_1252, %select_n3A_1251 : i32
      %select_n3A_1262 = arith.select %and3A_1260, %add3A_1261, %rem3A_1252 : i32
      %mul3A_1263 = arith.constant 32 : i32
      %mul3A_1264 = arith.muli %select_n3A_1262, %mul3A_1263 : i32
      %jit3A_1265 = arith.constant 4 : i32
      %div3A_1266 = arith.divsi %add3A_1246, %jit3A_1265 : i32
      %sign3A_1267 = arith.constant 0 : i32
      %sign3A_1268 = arith.cmpi sgt, %add3A_1246, %sign3A_1267 : i32
      %sign3A_1269 = arith.extui %sign3A_1268 : i1 to i32
      %sign3A_1270 = arith.constant 0 : i32
      %sign3A_1271 = arith.cmpi slt, %add3A_1246, %sign3A_1270 : i32
      %sign3A_1272 = arith.extui %sign3A_1271 : i1 to i32
      %sign3A_1273 = arith.subi %sign3A_1269, %sign3A_1272 : i32
      %sign3A_1274 = arith.constant 0 : i32
      %sign3A_1275 = arith.cmpi sgt, %jit3A_1265, %sign3A_1274 : i32
      %sign3A_1276 = arith.extui %sign3A_1275 : i1 to i32
      %sign3A_1277 = arith.constant 0 : i32
      %sign3A_1278 = arith.cmpi slt, %jit3A_1265, %sign3A_1277 : i32
      %sign3A_1279 = arith.extui %sign3A_1278 : i1 to i32
      %sign3A_1280 = arith.subi %sign3A_1276, %sign3A_1279 : i32
      %ne3A_1281 = arith.cmpi ne, %sign3A_1273, %sign3A_1280 : i32
      %rem3A_1282 = arith.remsi %add3A_1246, %jit3A_1265 : i32
      %ne3A_1283 = arith.constant 0 : i32
      %ne3A_1284 = arith.cmpi ne, %rem3A_1282, %ne3A_1283 : i32
      %and3A_1285 = arith.andi %ne3A_1281, %ne3A_1284 : i1
      %sub3A_1286 = arith.constant 1 : i32
      %sub3A_1287 = arith.subi %div3A_1266, %sub3A_1286 : i32
      %select_n3A_1288 = arith.select %and3A_1285, %sub3A_1287, %div3A_1266 : i32
      %add3A_1289 = arith.constant 0 : i32
      %add3A_1290 = arith.addi %mul3A_1264, %add3A_1289 : i32
      %get3A_1291 = arith.index_cast %select_n3A_1288 : i32 to index
      %get3A_1292 = arith.index_cast %add3A_1290 : i32 to index
      %get3A_1293 = tpu.vector_load %arg5[%get3A_1291, %get3A_1292] {strides = array<i32>} : memref<80x128xi32, #tpu.memory_space<vmem>>, vector<1x16xi32>,
      %get3A_1294 = vector.shape_cast %get3A_1293 : vector<1x16xi32> to vector<16xi32>
      %and3A_1295 = arith.constant 65535 : i32
      %and3A_1296 = vector.broadcast %and3A_1295 : i32 to vector<16xi32>
      %and3A_1297 = arith.andi %get3A_1294, %and3A_1296 : vector<16xi32>
      %add3A_1298 = vector.broadcast %mul3A_18 : i32 to vector<16xi32>
      %add3A_1299 = arith.addi %and3A_1297, %add3A_1298 : vector<16xi32>
      %swap3A_1300 = arith.constant 0 : i32
      %swap3A_1301 = arith.index_cast %swap3A_1300 : i32 to index
      %swap3A_1302 = arith.constant 0 : index
      %swap3A_1303 = tpu.vector_load %arg16[%swap3A_1301, %swap3A_1302] {strides = array<i32>} : memref<1x32xi32, #tpu.memory_space<vmem>>, vector<1x16xi32>,
      %swap3A_1304 = vector.shape_cast %swap3A_1303 : vector<1x16xi32> to vector<16xi32>
      %swap3A_1305 = vector.shape_cast %add3A_1299 : vector<16xi32> to vector<1x16xi32>
      tpu.vector_store %arg16[%swap3A_1301, %swap3A_1302], %swap3A_1305 {strides = array<i32>} : memref<1x32xi32, #tpu.memory_space<vmem>>, vector<1x16xi32>,
      %shift_right_logical3A_1306 = arith.constant 16 : i32
      %shift_right_logical3A_1307 = vector.broadcast %shift_right_logical3A_1306 : i32 to vector<16xi32>
      %shift_right_logical3A_1308 = arith.shrui %get3A_1294, %shift_right_logical3A_1307 : vector<16xi32>
      %swap3A_1309 = arith.constant 0 : i32
      %swap3A_1310 = arith.index_cast %swap3A_1309 : i32 to index
      %swap3A_1311 = arith.constant 0 : index
      %swap3A_1312 = tpu.vector_load %arg17[%swap3A_1310, %swap3A_1311] {strides = array<i32>} : memref<1x32xi32, #tpu.memory_space<vmem>>, vector<1x16xi32>,
      %swap3A_1313 = vector.shape_cast %swap3A_1312 : vector<1x16xi32> to vector<16xi32>
      %swap3A_1314 = vector.shape_cast %shift_right_logical3A_1308 : vector<16xi32> to vector<1x16xi32>
      tpu.vector_store %arg17[%swap3A_1310, %swap3A_1311], %swap3A_1314 {strides = array<i32>} : memref<1x32xi32, #tpu.memory_space<vmem>>, vector<1x16xi32>,
      %jit3A_1315 = arith.constant 4 : i32
      %div3A_1316 = arith.divsi %add3A_1246, %jit3A_1315 : i32
      %sign3A_1317 = arith.constant 0 : i32
      %sign3A_1318 = arith.cmpi sgt, %add3A_1246, %sign3A_1317 : i32
      %sign3A_1319 = arith.extui %sign3A_1318 : i1 to i32
      %sign3A_1320 = arith.constant 0 : i32
      %sign3A_1321 = arith.cmpi slt, %add3A_1246, %sign3A_1320 : i32
      %sign3A_1322 = arith.extui %sign3A_1321 : i1 to i32
      %sign3A_1323 = arith.subi %sign3A_1319, %sign3A_1322 : i32
      %sign3A_1324 = arith.constant 0 : i32
      %sign3A_1325 = arith.cmpi sgt, %jit3A_1315, %sign3A_1324 : i32
      %sign3A_1326 = arith.extui %sign3A_1325 : i1 to i32
      %sign3A_1327 = arith.constant 0 : i32
      %sign3A_1328 = arith.cmpi slt, %jit3A_1315, %sign3A_1327 : i32
      %sign3A_1329 = arith.extui %sign3A_1328 : i1 to i32
      %sign3A_1330 = arith.subi %sign3A_1326, %sign3A_1329 : i32
      %ne3A_1331 = arith.cmpi ne, %sign3A_1323, %sign3A_1330 : i32
      %rem3A_1332 = arith.remsi %add3A_1246, %jit3A_1315 : i32
      %ne3A_1333 = arith.constant 0 : i32
      %ne3A_1334 = arith.cmpi ne, %rem3A_1332, %ne3A_1333 : i32
      %and3A_1335 = arith.andi %ne3A_1331, %ne3A_1334 : i1
      %sub3A_1336 = arith.constant 1 : i32
      %sub3A_1337 = arith.subi %div3A_1316, %sub3A_1336 : i32
      %select_n3A_1338 = arith.select %and3A_1335, %sub3A_1337, %div3A_1316 : i32
      %add3A_1339 = arith.constant 16 : i32
      %add3A_1340 = arith.addi %mul3A_1264, %add3A_1339 : i32
      %get3A_1341 = arith.index_cast %select_n3A_1338 : i32 to index
      %get3A_1342 = arith.index_cast %add3A_1340 : i32 to index
      %get3A_1343 = tpu.vector_load %arg5[%get3A_1341, %get3A_1342] {strides = array<i32>} : memref<80x128xi32, #tpu.memory_space<vmem>>, vector<1x16xi32>,
      %get3A_1344 = vector.shape_cast %get3A_1343 : vector<1x16xi32> to vector<16xi32>
      %and3A_1345 = arith.constant 65535 : i32
      %and3A_1346 = vector.broadcast %and3A_1345 : i32 to vector<16xi32>
      %and3A_1347 = arith.andi %get3A_1344, %and3A_1346 : vector<16xi32>
      %add3A_1348 = vector.broadcast %mul3A_18 : i32 to vector<16xi32>
      %add3A_1349 = arith.addi %and3A_1347, %add3A_1348 : vector<16xi32>
      %swap3A_1350 = arith.constant 0 : i32
      %swap3A_1351 = arith.index_cast %swap3A_1350 : i32 to index
      %swap3A_1352 = arith.constant 16 : index
      %swap3A_1353 = tpu.vector_load %arg16[%swap3A_1351, %swap3A_1352] {strides = array<i32>} : memref<1x32xi32, #tpu.memory_space<vmem>>, vector<1x16xi32>,
      %swap3A_1354 = vector.shape_cast %swap3A_1353 : vector<1x16xi32> to vector<16xi32>
      %swap3A_1355 = vector.shape_cast %add3A_1349 : vector<16xi32> to vector<1x16xi32>
      tpu.vector_store %arg16[%swap3A_1351, %swap3A_1352], %swap3A_1355 {strides = array<i32>} : memref<1x32xi32, #tpu.memory_space<vmem>>, vector<1x16xi32>,
      %shift_right_logical3A_1356 = arith.constant 16 : i32
      %shift_right_logical3A_1357 = vector.broadcast %shift_right_logical3A_1356 : i32 to vector<16xi32>
      %shift_right_logical3A_1358 = arith.shrui %get3A_1344, %shift_right_logical3A_1357 : vector<16xi32>
      %swap3A_1359 = arith.constant 0 : i32
      %swap3A_1360 = arith.index_cast %swap3A_1359 : i32 to index
      %swap3A_1361 = arith.constant 16 : index
      %swap3A_1362 = tpu.vector_load %arg17[%swap3A_1360, %swap3A_1361] {strides = array<i32>} : memref<1x32xi32, #tpu.memory_space<vmem>>, vector<1x16xi32>,
      %swap3A_1363 = vector.shape_cast %swap3A_1362 : vector<1x16xi32> to vector<16xi32>
      %swap3A_1364 = vector.shape_cast %shift_right_logical3A_1358 : vector<16xi32> to vector<1x16xi32>
      tpu.vector_store %arg17[%swap3A_1360, %swap3A_1361], %swap3A_1364 {strides = array<i32>} : memref<1x32xi32, #tpu.memory_space<vmem>>, vector<1x16xi32>,
      %dma_start3A_1365 = arith.constant 0 : i32
      %dma_start3A_1366 = arith.constant 0 : i32
      %dma_start3A_1367 = tpu.memref_slice %arg16[%dma_start3A_1365, %dma_start3A_1366] : memref<1x32xi32, #tpu.memory_space<vmem>> -> memref<1x32xi32, #tpu.memory_space<vmem>>
      %dma_start3A_1368 = tpu.memref_squeeze %dma_start3A_1367 : memref<1x32xi32, #tpu.memory_space<vmem>> -> memref<32xi32, #tpu.memory_space<vmem>>
      %dma_start3A_1369 = arith.constant 0 : i32
      %dma_start3A_1370 = arith.constant 0 : i32
      %dma_start3A_1371 = tpu.memref_slice %arg2[%dma_start3A_1369, %dma_start3A_1370] : memref<80000x128xf32, #tpu.memory_space<hbm>> -> memref<80000x128xf32, #tpu.memory_space<hbm>>
      tpu.enqueue_indirect_dma source(%dma_start3A_1371 : memref<80000x128xf32, #tpu.memory_space<hbm>>) target(%arg27 : memref<32x128xf32, #tpu.memory_space<vmem>>) offsets(%dma_start3A_1368 : memref<32xi32, #tpu.memory_space<vmem>>) semaphore(%arg36 : memref<!tpu.dma_semaphore, #tpu.memory_space<semaphore_mem>>)
      %dma_wait3A_1372 = arith.constant 0 : i32
      %dma_wait3A_1373 = tpu.memref_slice %arg18[%scan3A_476, %dma_wait3A_1372] : memref<1x32xi32, #tpu.memory_space<vmem>> -> memref<1x32xi32, #tpu.memory_space<vmem>>
      %dma_wait3A_1374 = tpu.memref_squeeze %dma_wait3A_1373 : memref<1x32xi32, #tpu.memory_space<vmem>> -> memref<32xi32, #tpu.memory_space<vmem>>
      %dma_wait3A_1375 = arith.constant 0 : i32
      %dma_wait3A_1376 = arith.constant 0 : i32
      %dma_wait3A_1377 = tpu.memref_slice %arg2[%dma_wait3A_1375, %dma_wait3A_1376] : memref<80000x128xf32, #tpu.memory_space<hbm>> -> memref<80000x128xf32, #tpu.memory_space<hbm>>
      tpu.wait_indirect_dma semaphore(%arg37 : memref<!tpu.dma_semaphore, #tpu.memory_space<semaphore_mem>>) src(%dma_wait3A_1377 : memref<80000x128xf32, #tpu.memory_space<hbm>>) dst(%arg28 : memref<32x128xf32, #tpu.memory_space<vmem>>)
      %run_scoped3A_1378 = arith.constant 0 : i32
      "tpu.region"() ({
        %run_scoped3A_1645 = tpu.sem_alloc : memref<!tpu.dma_semaphore, #tpu.memory_space<semaphore_mem>>
        %dma_start3A_1646 = arith.constant 0 : i32
        %dma_start3A_1647 = tpu.memref_slice %arg19[%run_scoped3A_1378, %dma_start3A_1646] : memref<1x32xi32, #tpu.memory_space<vmem>> -> memref<1x32xi32, #tpu.memory_space<vmem>>
        %dma_start3A_1648 = tpu.memref_squeeze %dma_start3A_1647 : memref<1x32xi32, #tpu.memory_space<vmem>> -> memref<32xi32, #tpu.memory_space<vmem>>
        %dma_start3A_1649 = arith.constant 0 : i32
        %dma_start3A_1650 = arith.constant 0 : i32
        %dma_start3A_1651 = tpu.memref_slice %arg30[%dma_start3A_1649, %dma_start3A_1650] : memref<10240x128xf32, #tpu.memory_space<vmem_shared>> -> memref<10240x128xf32, #tpu.memory_space<vmem_shared>>
        tpu.enqueue_indirect_dma source(%arg28 : memref<32x128xf32, #tpu.memory_space<vmem>>) target(%dma_start3A_1651 : memref<10240x128xf32, #tpu.memory_space<vmem_shared>>) offsets(%dma_start3A_1648 : memref<32xi32, #tpu.memory_space<vmem>>) semaphore(%run_scoped3A_1645 : memref<!tpu.dma_semaphore, #tpu.memory_space<semaphore_mem>>) {add = true}
        %dma_wait3A_1652 = arith.constant 0 : i32
        %dma_wait3A_1653 = tpu.memref_slice %arg19[%run_scoped3A_1378, %dma_wait3A_1652] : memref<1x32xi32, #tpu.memory_space<vmem>> -> memref<1x32xi32, #tpu.memory_space<vmem>>
        %dma_wait3A_1654 = tpu.memref_squeeze %dma_wait3A_1653 : memref<1x32xi32, #tpu.memory_space<vmem>> -> memref<32xi32, #tpu.memory_space<vmem>>
        %dma_wait3A_1655 = arith.constant 0 : i32
        %dma_wait3A_1656 = arith.constant 0 : i32
        %dma_wait3A_1657 = tpu.memref_slice %arg30[%dma_wait3A_1655, %dma_wait3A_1656] : memref<10240x128xf32, #tpu.memory_space<vmem_shared>> -> memref<10240x128xf32, #tpu.memory_space<vmem_shared>>
        tpu.wait_indirect_dma semaphore(%run_scoped3A_1645 : memref<!tpu.dma_semaphore, #tpu.memory_space<semaphore_mem>>) src(%arg28 : memref<32x128xf32, #tpu.memory_space<vmem>>) dst(%dma_wait3A_1657 : memref<10240x128xf32, #tpu.memory_space<vmem_shared>>)
        tpu.yield
      }) : () -> ()
      %add3A_1379 = arith.constant 8 : i32
      %add3A_1380 = arith.addi %mul3A_561, %add3A_1379 : i32
      %add3A_1381 = arith.constant 6 : i32
      %add3A_1382 = arith.addi %add3A_1380, %add3A_1381 : i32
      %jit3A_1383 = arith.constant 4 : i32
      %eq3A_1384 = arith.constant 0 : i32
      %eq3A_1385 = arith.cmpi eq, %jit3A_1383, %eq3A_1384 : i32
      %jit3A_1386 = arith.constant 1 : i32
      %select_n3A_1387 = arith.select %eq3A_1385, %jit3A_1386, %jit3A_1383 : i32
      %rem3A_1388 = arith.remsi %add3A_1382, %select_n3A_1387 : i32
      %ne3A_1389 = arith.constant 0 : i32
      %ne3A_1390 = arith.cmpi ne, %rem3A_1388, %ne3A_1389 : i32
      %lt3A_1391 = arith.constant 0 : i32
      %lt3A_1392 = arith.cmpi slt, %rem3A_1388, %lt3A_1391 : i32
      %lt3A_1393 = arith.constant 0 : i32
      %lt3A_1394 = arith.cmpi slt, %select_n3A_1387, %lt3A_1393 : i32
      %ne3A_1395 = arith.xori %lt3A_1392, %lt3A_1394 : i1
      %and3A_1396 = arith.andi %ne3A_1395, %ne3A_1390 : i1
      %add3A_1397 = arith.addi %rem3A_1388, %select_n3A_1387 : i32
      %select_n3A_1398 = arith.select %and3A_1396, %add3A_1397, %rem3A_1388 : i32
      %mul3A_1399 = arith.constant 32 : i32
      %mul3A_1400 = arith.muli %select_n3A_1398, %mul3A_1399 : i32
      %jit3A_1401 = arith.constant 4 : i32
      %div3A_1402 = arith.divsi %add3A_1382, %jit3A_1401 : i32
      %sign3A_1403 = arith.constant 0 : i32
      %sign3A_1404 = arith.cmpi sgt, %add3A_1382, %sign3A_1403 : i32
      %sign3A_1405 = arith.extui %sign3A_1404 : i1 to i32
      %sign3A_1406 = arith.constant 0 : i32
      %sign3A_1407 = arith.cmpi slt, %add3A_1382, %sign3A_1406 : i32
      %sign3A_1408 = arith.extui %sign3A_1407 : i1 to i32
      %sign3A_1409 = arith.subi %sign3A_1405, %sign3A_1408 : i32
      %sign3A_1410 = arith.constant 0 : i32
      %sign3A_1411 = arith.cmpi sgt, %jit3A_1401, %sign3A_1410 : i32
      %sign3A_1412 = arith.extui %sign3A_1411 : i1 to i32
      %sign3A_1413 = arith.constant 0 : i32
      %sign3A_1414 = arith.cmpi slt, %jit3A_1401, %sign3A_1413 : i32
      %sign3A_1415 = arith.extui %sign3A_1414 : i1 to i32
      %sign3A_1416 = arith.subi %sign3A_1412, %sign3A_1415 : i32
      %ne3A_1417 = arith.cmpi ne, %sign3A_1409, %sign3A_1416 : i32
      %rem3A_1418 = arith.remsi %add3A_1382, %jit3A_1401 : i32
      %ne3A_1419 = arith.constant 0 : i32
      %ne3A_1420 = arith.cmpi ne, %rem3A_1418, %ne3A_1419 : i32
      %and3A_1421 = arith.andi %ne3A_1417, %ne3A_1420 : i1
      %sub3A_1422 = arith.constant 1 : i32
      %sub3A_1423 = arith.subi %div3A_1402, %sub3A_1422 : i32
      %select_n3A_1424 = arith.select %and3A_1421, %sub3A_1423, %div3A_1402 : i32
      %add3A_1425 = arith.constant 0 : i32
      %add3A_1426 = arith.addi %mul3A_1400, %add3A_1425 : i32
      %get3A_1427 = arith.index_cast %select_n3A_1424 : i32 to index
      %get3A_1428 = arith.index_cast %add3A_1426 : i32 to index
      %get3A_1429 = tpu.vector_load %arg5[%get3A_1427, %get3A_1428] {strides = array<i32>} : memref<80x128xi32, #tpu.memory_space<vmem>>, vector<1x16xi32>,
      %get3A_1430 = vector.shape_cast %get3A_1429 : vector<1x16xi32> to vector<16xi32>
      %and3A_1431 = arith.constant 65535 : i32
      %and3A_1432 = vector.broadcast %and3A_1431 : i32 to vector<16xi32>
      %and3A_1433 = arith.andi %get3A_1430, %and3A_1432 : vector<16xi32>
      %add3A_1434 = vector.broadcast %mul3A_18 : i32 to vector<16xi32>
      %add3A_1435 = arith.addi %and3A_1433, %add3A_1434 : vector<16xi32>
      %swap3A_1436 = arith.constant 0 : i32
      %swap3A_1437 = arith.index_cast %swap3A_1436 : i32 to index
      %swap3A_1438 = arith.constant 0 : index
      %swap3A_1439 = tpu.vector_load %arg18[%swap3A_1437, %swap3A_1438] {strides = array<i32>} : memref<1x32xi32, #tpu.memory_space<vmem>>, vector<1x16xi32>,
      %swap3A_1440 = vector.shape_cast %swap3A_1439 : vector<1x16xi32> to vector<16xi32>
      %swap3A_1441 = vector.shape_cast %add3A_1435 : vector<16xi32> to vector<1x16xi32>
      tpu.vector_store %arg18[%swap3A_1437, %swap3A_1438], %swap3A_1441 {strides = array<i32>} : memref<1x32xi32, #tpu.memory_space<vmem>>, vector<1x16xi32>,
      %shift_right_logical3A_1442 = arith.constant 16 : i32
      %shift_right_logical3A_1443 = vector.broadcast %shift_right_logical3A_1442 : i32 to vector<16xi32>
      %shift_right_logical3A_1444 = arith.shrui %get3A_1430, %shift_right_logical3A_1443 : vector<16xi32>
      %swap3A_1445 = arith.constant 0 : i32
      %swap3A_1446 = arith.index_cast %swap3A_1445 : i32 to index
      %swap3A_1447 = arith.constant 0 : index
      %swap3A_1448 = tpu.vector_load %arg19[%swap3A_1446, %swap3A_1447] {strides = array<i32>} : memref<1x32xi32, #tpu.memory_space<vmem>>, vector<1x16xi32>,
      %swap3A_1449 = vector.shape_cast %swap3A_1448 : vector<1x16xi32> to vector<16xi32>
      %swap3A_1450 = vector.shape_cast %shift_right_logical3A_1444 : vector<16xi32> to vector<1x16xi32>
      tpu.vector_store %arg19[%swap3A_1446, %swap3A_1447], %swap3A_1450 {strides = array<i32>} : memref<1x32xi32, #tpu.memory_space<vmem>>, vector<1x16xi32>,
      %jit3A_1451 = arith.constant 4 : i32
      %div3A_1452 = arith.divsi %add3A_1382, %jit3A_1451 : i32
      %sign3A_1453 = arith.constant 0 : i32
      %sign3A_1454 = arith.cmpi sgt, %add3A_1382, %sign3A_1453 : i32
      %sign3A_1455 = arith.extui %sign3A_1454 : i1 to i32
      %sign3A_1456 = arith.constant 0 : i32
      %sign3A_1457 = arith.cmpi slt, %add3A_1382, %sign3A_1456 : i32
      %sign3A_1458 = arith.extui %sign3A_1457 : i1 to i32
      %sign3A_1459 = arith.subi %sign3A_1455, %sign3A_1458 : i32
      %sign3A_1460 = arith.constant 0 : i32
      %sign3A_1461 = arith.cmpi sgt, %jit3A_1451, %sign3A_1460 : i32
      %sign3A_1462 = arith.extui %sign3A_1461 : i1 to i32
      %sign3A_1463 = arith.constant 0 : i32
      %sign3A_1464 = arith.cmpi slt, %jit3A_1451, %sign3A_1463 : i32
      %sign3A_1465 = arith.extui %sign3A_1464 : i1 to i32
      %sign3A_1466 = arith.subi %sign3A_1462, %sign3A_1465 : i32
      %ne3A_1467 = arith.cmpi ne, %sign3A_1459, %sign3A_1466 : i32
      %rem3A_1468 = arith.remsi %add3A_1382, %jit3A_1451 : i32
      %ne3A_1469 = arith.constant 0 : i32
      %ne3A_1470 = arith.cmpi ne, %rem3A_1468, %ne3A_1469 : i32
      %and3A_1471 = arith.andi %ne3A_1467, %ne3A_1470 : i1
      %sub3A_1472 = arith.constant 1 : i32
      %sub3A_1473 = arith.subi %div3A_1452, %sub3A_1472 : i32
      %select_n3A_1474 = arith.select %and3A_1471, %sub3A_1473, %div3A_1452 : i32
      %add3A_1475 = arith.constant 16 : i32
      %add3A_1476 = arith.addi %mul3A_1400, %add3A_1475 : i32
      %get3A_1477 = arith.index_cast %select_n3A_1474 : i32 to index
      %get3A_1478 = arith.index_cast %add3A_1476 : i32 to index
      %get3A_1479 = tpu.vector_load %arg5[%get3A_1477, %get3A_1478] {strides = array<i32>} : memref<80x128xi32, #tpu.memory_space<vmem>>, vector<1x16xi32>,
      %get3A_1480 = vector.shape_cast %get3A_1479 : vector<1x16xi32> to vector<16xi32>
      %and3A_1481 = arith.constant 65535 : i32
      %and3A_1482 = vector.broadcast %and3A_1481 : i32 to vector<16xi32>
      %and3A_1483 = arith.andi %get3A_1480, %and3A_1482 : vector<16xi32>
      %add3A_1484 = vector.broadcast %mul3A_18 : i32 to vector<16xi32>
      %add3A_1485 = arith.addi %and3A_1483, %add3A_1484 : vector<16xi32>
      %swap3A_1486 = arith.constant 0 : i32
      %swap3A_1487 = arith.index_cast %swap3A_1486 : i32 to index
      %swap3A_1488 = arith.constant 16 : index
      %swap3A_1489 = tpu.vector_load %arg18[%swap3A_1487, %swap3A_1488] {strides = array<i32>} : memref<1x32xi32, #tpu.memory_space<vmem>>, vector<1x16xi32>,
      %swap3A_1490 = vector.shape_cast %swap3A_1489 : vector<1x16xi32> to vector<16xi32>
      %swap3A_1491 = vector.shape_cast %add3A_1485 : vector<16xi32> to vector<1x16xi32>
      tpu.vector_store %arg18[%swap3A_1487, %swap3A_1488], %swap3A_1491 {strides = array<i32>} : memref<1x32xi32, #tpu.memory_space<vmem>>, vector<1x16xi32>,
      %shift_right_logical3A_1492 = arith.constant 16 : i32
      %shift_right_logical3A_1493 = vector.broadcast %shift_right_logical3A_1492 : i32 to vector<16xi32>
      %shift_right_logical3A_1494 = arith.shrui %get3A_1480, %shift_right_logical3A_1493 : vector<16xi32>
      %swap3A_1495 = arith.constant 0 : i32
      %swap3A_1496 = arith.index_cast %swap3A_1495 : i32 to index
      %swap3A_1497 = arith.constant 16 : index
      %swap3A_1498 = tpu.vector_load %arg19[%swap3A_1496, %swap3A_1497] {strides = array<i32>} : memref<1x32xi32, #tpu.memory_space<vmem>>, vector<1x16xi32>,
      %swap3A_1499 = vector.shape_cast %swap3A_1498 : vector<1x16xi32> to vector<16xi32>
      %swap3A_1500 = vector.shape_cast %shift_right_logical3A_1494 : vector<16xi32> to vector<1x16xi32>
      tpu.vector_store %arg19[%swap3A_1496, %swap3A_1497], %swap3A_1500 {strides = array<i32>} : memref<1x32xi32, #tpu.memory_space<vmem>>, vector<1x16xi32>,
      %dma_start3A_1501 = arith.constant 0 : i32
      %dma_start3A_1502 = arith.constant 0 : i32
      %dma_start3A_1503 = tpu.memref_slice %arg18[%dma_start3A_1501, %dma_start3A_1502] : memref<1x32xi32, #tpu.memory_space<vmem>> -> memref<1x32xi32, #tpu.memory_space<vmem>>
      %dma_start3A_1504 = tpu.memref_squeeze %dma_start3A_1503 : memref<1x32xi32, #tpu.memory_space<vmem>> -> memref<32xi32, #tpu.memory_space<vmem>>
      %dma_start3A_1505 = arith.constant 0 : i32
      %dma_start3A_1506 = arith.constant 0 : i32
      %dma_start3A_1507 = tpu.memref_slice %arg2[%dma_start3A_1505, %dma_start3A_1506] : memref<80000x128xf32, #tpu.memory_space<hbm>> -> memref<80000x128xf32, #tpu.memory_space<hbm>>
      tpu.enqueue_indirect_dma source(%dma_start3A_1507 : memref<80000x128xf32, #tpu.memory_space<hbm>>) target(%arg28 : memref<32x128xf32, #tpu.memory_space<vmem>>) offsets(%dma_start3A_1504 : memref<32xi32, #tpu.memory_space<vmem>>) semaphore(%arg37 : memref<!tpu.dma_semaphore, #tpu.memory_space<semaphore_mem>>)
      %dma_wait3A_1508 = arith.constant 0 : i32
      %dma_wait3A_1509 = tpu.memref_slice %arg20[%scan3A_477, %dma_wait3A_1508] : memref<1x32xi32, #tpu.memory_space<vmem>> -> memref<1x32xi32, #tpu.memory_space<vmem>>
      %dma_wait3A_1510 = tpu.memref_squeeze %dma_wait3A_1509 : memref<1x32xi32, #tpu.memory_space<vmem>> -> memref<32xi32, #tpu.memory_space<vmem>>
      %dma_wait3A_1511 = arith.constant 0 : i32
      %dma_wait3A_1512 = arith.constant 0 : i32
      %dma_wait3A_1513 = tpu.memref_slice %arg2[%dma_wait3A_1511, %dma_wait3A_1512] : memref<80000x128xf32, #tpu.memory_space<hbm>> -> memref<80000x128xf32, #tpu.memory_space<hbm>>
      tpu.wait_indirect_dma semaphore(%arg38 : memref<!tpu.dma_semaphore, #tpu.memory_space<semaphore_mem>>) src(%dma_wait3A_1513 : memref<80000x128xf32, #tpu.memory_space<hbm>>) dst(%arg29 : memref<32x128xf32, #tpu.memory_space<vmem>>)
      %run_scoped3A_1514 = arith.constant 0 : i32
      "tpu.region"() ({
        %run_scoped3A_1645 = tpu.sem_alloc : memref<!tpu.dma_semaphore, #tpu.memory_space<semaphore_mem>>
        %dma_start3A_1646 = arith.constant 0 : i32
        %dma_start3A_1647 = tpu.memref_slice %arg21[%run_scoped3A_1514, %dma_start3A_1646] : memref<1x32xi32, #tpu.memory_space<vmem>> -> memref<1x32xi32, #tpu.memory_space<vmem>>
        %dma_start3A_1648 = tpu.memref_squeeze %dma_start3A_1647 : memref<1x32xi32, #tpu.memory_space<vmem>> -> memref<32xi32, #tpu.memory_space<vmem>>
        %dma_start3A_1649 = arith.constant 0 : i32
        %dma_start3A_1650 = arith.constant 0 : i32
        %dma_start3A_1651 = tpu.memref_slice %arg30[%dma_start3A_1649, %dma_start3A_1650] : memref<10240x128xf32, #tpu.memory_space<vmem_shared>> -> memref<10240x128xf32, #tpu.memory_space<vmem_shared>>
        tpu.enqueue_indirect_dma source(%arg29 : memref<32x128xf32, #tpu.memory_space<vmem>>) target(%dma_start3A_1651 : memref<10240x128xf32, #tpu.memory_space<vmem_shared>>) offsets(%dma_start3A_1648 : memref<32xi32, #tpu.memory_space<vmem>>) semaphore(%run_scoped3A_1645 : memref<!tpu.dma_semaphore, #tpu.memory_space<semaphore_mem>>) {add = true}
        %dma_wait3A_1652 = arith.constant 0 : i32
        %dma_wait3A_1653 = tpu.memref_slice %arg21[%run_scoped3A_1514, %dma_wait3A_1652] : memref<1x32xi32, #tpu.memory_space<vmem>> -> memref<1x32xi32, #tpu.memory_space<vmem>>
        %dma_wait3A_1654 = tpu.memref_squeeze %dma_wait3A_1653 : memref<1x32xi32, #tpu.memory_space<vmem>> -> memref<32xi32, #tpu.memory_space<vmem>>
        %dma_wait3A_1655 = arith.constant 0 : i32
        %dma_wait3A_1656 = arith.constant 0 : i32
        %dma_wait3A_1657 = tpu.memref_slice %arg30[%dma_wait3A_1655, %dma_wait3A_1656] : memref<10240x128xf32, #tpu.memory_space<vmem_shared>> -> memref<10240x128xf32, #tpu.memory_space<vmem_shared>>
        tpu.wait_indirect_dma semaphore(%run_scoped3A_1645 : memref<!tpu.dma_semaphore, #tpu.memory_space<semaphore_mem>>) src(%arg29 : memref<32x128xf32, #tpu.memory_space<vmem>>) dst(%dma_wait3A_1657 : memref<10240x128xf32, #tpu.memory_space<vmem_shared>>)
        tpu.yield
      }) : () -> ()
      %add3A_1515 = arith.constant 8 : i32
      %add3A_1516 = arith.addi %mul3A_561, %add3A_1515 : i32
      %add3A_1517 = arith.constant 7 : i32
      %add3A_1518 = arith.addi %add3A_1516, %add3A_1517 : i32
      %jit3A_1519 = arith.constant 4 : i32
      %eq3A_1520 = arith.constant 0 : i32
      %eq3A_1521 = arith.cmpi eq, %jit3A_1519, %eq3A_1520 : i32
      %jit3A_1522 = arith.constant 1 : i32
      %select_n3A_1523 = arith.select %eq3A_1521, %jit3A_1522, %jit3A_1519 : i32
      %rem3A_1524 = arith.remsi %add3A_1518, %select_n3A_1523 : i32
      %ne3A_1525 = arith.constant 0 : i32
      %ne3A_1526 = arith.cmpi ne, %rem3A_1524, %ne3A_1525 : i32
      %lt3A_1527 = arith.constant 0 : i32
      %lt3A_1528 = arith.cmpi slt, %rem3A_1524, %lt3A_1527 : i32
      %lt3A_1529 = arith.constant 0 : i32
      %lt3A_1530 = arith.cmpi slt, %select_n3A_1523, %lt3A_1529 : i32
      %ne3A_1531 = arith.xori %lt3A_1528, %lt3A_1530 : i1
      %and3A_1532 = arith.andi %ne3A_1531, %ne3A_1526 : i1
      %add3A_1533 = arith.addi %rem3A_1524, %select_n3A_1523 : i32
      %select_n3A_1534 = arith.select %and3A_1532, %add3A_1533, %rem3A_1524 : i32
      %mul3A_1535 = arith.constant 32 : i32
      %mul3A_1536 = arith.muli %select_n3A_1534, %mul3A_1535 : i32
      %jit3A_1537 = arith.constant 4 : i32
      %div3A_1538 = arith.divsi %add3A_1518, %jit3A_1537 : i32
      %sign3A_1539 = arith.constant 0 : i32
      %sign3A_1540 = arith.cmpi sgt, %add3A_1518, %sign3A_1539 : i32
      %sign3A_1541 = arith.extui %sign3A_1540 : i1 to i32
      %sign3A_1542 = arith.constant 0 : i32
      %sign3A_1543 = arith.cmpi slt, %add3A_1518, %sign3A_1542 : i32
      %sign3A_1544 = arith.extui %sign3A_1543 : i1 to i32
      %sign3A_1545 = arith.subi %sign3A_1541, %sign3A_1544 : i32
      %sign3A_1546 = arith.constant 0 : i32
      %sign3A_1547 = arith.cmpi sgt, %jit3A_1537, %sign3A_1546 : i32
      %sign3A_1548 = arith.extui %sign3A_1547 : i1 to i32
      %sign3A_1549 = arith.constant 0 : i32
      %sign3A_1550 = arith.cmpi slt, %jit3A_1537, %sign3A_1549 : i32
      %sign3A_1551 = arith.extui %sign3A_1550 : i1 to i32
      %sign3A_1552 = arith.subi %sign3A_1548, %sign3A_1551 : i32
      %ne3A_1553 = arith.cmpi ne, %sign3A_1545, %sign3A_1552 : i32
      %rem3A_1554 = arith.remsi %add3A_1518, %jit3A_1537 : i32
      %ne3A_1555 = arith.constant 0 : i32
      %ne3A_1556 = arith.cmpi ne, %rem3A_1554, %ne3A_1555 : i32
      %and3A_1557 = arith.andi %ne3A_1553, %ne3A_1556 : i1
      %sub3A_1558 = arith.constant 1 : i32
      %sub3A_1559 = arith.subi %div3A_1538, %sub3A_1558 : i32
      %select_n3A_1560 = arith.select %and3A_1557, %sub3A_1559, %div3A_1538 : i32
      %add3A_1561 = arith.constant 0 : i32
      %add3A_1562 = arith.addi %mul3A_1536, %add3A_1561 : i32
      %get3A_1563 = arith.index_cast %select_n3A_1560 : i32 to index
      %get3A_1564 = arith.index_cast %add3A_1562 : i32 to index
      %get3A_1565 = tpu.vector_load %arg5[%get3A_1563, %get3A_1564] {strides = array<i32>} : memref<80x128xi32, #tpu.memory_space<vmem>>, vector<1x16xi32>,
      %get3A_1566 = vector.shape_cast %get3A_1565 : vector<1x16xi32> to vector<16xi32>
      %and3A_1567 = arith.constant 65535 : i32
      %and3A_1568 = vector.broadcast %and3A_1567 : i32 to vector<16xi32>
      %and3A_1569 = arith.andi %get3A_1566, %and3A_1568 : vector<16xi32>
      %add3A_1570 = vector.broadcast %mul3A_18 : i32 to vector<16xi32>
      %add3A_1571 = arith.addi %and3A_1569, %add3A_1570 : vector<16xi32>
      %swap3A_1572 = arith.constant 0 : i32
      %swap3A_1573 = arith.index_cast %swap3A_1572 : i32 to index
      %swap3A_1574 = arith.constant 0 : index
      %swap3A_1575 = tpu.vector_load %arg20[%swap3A_1573, %swap3A_1574] {strides = array<i32>} : memref<1x32xi32, #tpu.memory_space<vmem>>, vector<1x16xi32>,
      %swap3A_1576 = vector.shape_cast %swap3A_1575 : vector<1x16xi32> to vector<16xi32>
      %swap3A_1577 = vector.shape_cast %add3A_1571 : vector<16xi32> to vector<1x16xi32>
      tpu.vector_store %arg20[%swap3A_1573, %swap3A_1574], %swap3A_1577 {strides = array<i32>} : memref<1x32xi32, #tpu.memory_space<vmem>>, vector<1x16xi32>,
      %shift_right_logical3A_1578 = arith.constant 16 : i32
      %shift_right_logical3A_1579 = vector.broadcast %shift_right_logical3A_1578 : i32 to vector<16xi32>
      %shift_right_logical3A_1580 = arith.shrui %get3A_1566, %shift_right_logical3A_1579 : vector<16xi32>
      %swap3A_1581 = arith.constant 0 : i32
      %swap3A_1582 = arith.index_cast %swap3A_1581 : i32 to index
      %swap3A_1583 = arith.constant 0 : index
      %swap3A_1584 = tpu.vector_load %arg21[%swap3A_1582, %swap3A_1583] {strides = array<i32>} : memref<1x32xi32, #tpu.memory_space<vmem>>, vector<1x16xi32>,
      %swap3A_1585 = vector.shape_cast %swap3A_1584 : vector<1x16xi32> to vector<16xi32>
      %swap3A_1586 = vector.shape_cast %shift_right_logical3A_1580 : vector<16xi32> to vector<1x16xi32>
      tpu.vector_store %arg21[%swap3A_1582, %swap3A_1583], %swap3A_1586 {strides = array<i32>} : memref<1x32xi32, #tpu.memory_space<vmem>>, vector<1x16xi32>,
      %jit3A_1587 = arith.constant 4 : i32
      %div3A_1588 = arith.divsi %add3A_1518, %jit3A_1587 : i32
      %sign3A_1589 = arith.constant 0 : i32
      %sign3A_1590 = arith.cmpi sgt, %add3A_1518, %sign3A_1589 : i32
      %sign3A_1591 = arith.extui %sign3A_1590 : i1 to i32
      %sign3A_1592 = arith.constant 0 : i32
      %sign3A_1593 = arith.cmpi slt, %add3A_1518, %sign3A_1592 : i32
      %sign3A_1594 = arith.extui %sign3A_1593 : i1 to i32
      %sign3A_1595 = arith.subi %sign3A_1591, %sign3A_1594 : i32
      %sign3A_1596 = arith.constant 0 : i32
      %sign3A_1597 = arith.cmpi sgt, %jit3A_1587, %sign3A_1596 : i32
      %sign3A_1598 = arith.extui %sign3A_1597 : i1 to i32
      %sign3A_1599 = arith.constant 0 : i32
      %sign3A_1600 = arith.cmpi slt, %jit3A_1587, %sign3A_1599 : i32
      %sign3A_1601 = arith.extui %sign3A_1600 : i1 to i32
      %sign3A_1602 = arith.subi %sign3A_1598, %sign3A_1601 : i32
      %ne3A_1603 = arith.cmpi ne, %sign3A_1595, %sign3A_1602 : i32
      %rem3A_1604 = arith.remsi %add3A_1518, %jit3A_1587 : i32
      %ne3A_1605 = arith.constant 0 : i32
      %ne3A_1606 = arith.cmpi ne, %rem3A_1604, %ne3A_1605 : i32
      %and3A_1607 = arith.andi %ne3A_1603, %ne3A_1606 : i1
      %sub3A_1608 = arith.constant 1 : i32
      %sub3A_1609 = arith.subi %div3A_1588, %sub3A_1608 : i32
      %select_n3A_1610 = arith.select %and3A_1607, %sub3A_1609, %div3A_1588 : i32
      %add3A_1611 = arith.constant 16 : i32
      %add3A_1612 = arith.addi %mul3A_1536, %add3A_1611 : i32
      %get3A_1613 = arith.index_cast %select_n3A_1610 : i32 to index
      %get3A_1614 = arith.index_cast %add3A_1612 : i32 to index
      %get3A_1615 = tpu.vector_load %arg5[%get3A_1613, %get3A_1614] {strides = array<i32>} : memref<80x128xi32, #tpu.memory_space<vmem>>, vector<1x16xi32>,
      %get3A_1616 = vector.shape_cast %get3A_1615 : vector<1x16xi32> to vector<16xi32>
      %and3A_1617 = arith.constant 65535 : i32
      %and3A_1618 = vector.broadcast %and3A_1617 : i32 to vector<16xi32>
      %and3A_1619 = arith.andi %get3A_1616, %and3A_1618 : vector<16xi32>
      %add3A_1620 = vector.broadcast %mul3A_18 : i32 to vector<16xi32>
      %add3A_1621 = arith.addi %and3A_1619, %add3A_1620 : vector<16xi32>
      %swap3A_1622 = arith.constant 0 : i32
      %swap3A_1623 = arith.index_cast %swap3A_1622 : i32 to index
      %swap3A_1624 = arith.constant 16 : index
      %swap3A_1625 = tpu.vector_load %arg20[%swap3A_1623, %swap3A_1624] {strides = array<i32>} : memref<1x32xi32, #tpu.memory_space<vmem>>, vector<1x16xi32>,
      %swap3A_1626 = vector.shape_cast %swap3A_1625 : vector<1x16xi32> to vector<16xi32>
      %swap3A_1627 = vector.shape_cast %add3A_1621 : vector<16xi32> to vector<1x16xi32>
      tpu.vector_store %arg20[%swap3A_1623, %swap3A_1624], %swap3A_1627 {strides = array<i32>} : memref<1x32xi32, #tpu.memory_space<vmem>>, vector<1x16xi32>,
      %shift_right_logical3A_1628 = arith.constant 16 : i32
      %shift_right_logical3A_1629 = vector.broadcast %shift_right_logical3A_1628 : i32 to vector<16xi32>
      %shift_right_logical3A_1630 = arith.shrui %get3A_1616, %shift_right_logical3A_1629 : vector<16xi32>
      %swap3A_1631 = arith.constant 0 : i32
      %swap3A_1632 = arith.index_cast %swap3A_1631 : i32 to index
      %swap3A_1633 = arith.constant 16 : index
      %swap3A_1634 = tpu.vector_load %arg21[%swap3A_1632, %swap3A_1633] {strides = array<i32>} : memref<1x32xi32, #tpu.memory_space<vmem>>, vector<1x16xi32>,
      %swap3A_1635 = vector.shape_cast %swap3A_1634 : vector<1x16xi32> to vector<16xi32>
      %swap3A_1636 = vector.shape_cast %shift_right_logical3A_1630 : vector<16xi32> to vector<1x16xi32>
      tpu.vector_store %arg21[%swap3A_1632, %swap3A_1633], %swap3A_1636 {strides = array<i32>} : memref<1x32xi32, #tpu.memory_space<vmem>>, vector<1x16xi32>,
      %dma_start3A_1637 = arith.constant 0 : i32
      %dma_start3A_1638 = arith.constant 0 : i32
      %dma_start3A_1639 = tpu.memref_slice %arg20[%dma_start3A_1637, %dma_start3A_1638] : memref<1x32xi32, #tpu.memory_space<vmem>> -> memref<1x32xi32, #tpu.memory_space<vmem>>
      %dma_start3A_1640 = tpu.memref_squeeze %dma_start3A_1639 : memref<1x32xi32, #tpu.memory_space<vmem>> -> memref<32xi32, #tpu.memory_space<vmem>>
      %dma_start3A_1641 = arith.constant 0 : i32
      %dma_start3A_1642 = arith.constant 0 : i32
      %dma_start3A_1643 = tpu.memref_slice %arg2[%dma_start3A_1641, %dma_start3A_1642] : memref<80000x128xf32, #tpu.memory_space<hbm>> -> memref<80000x128xf32, #tpu.memory_space<hbm>>
      tpu.enqueue_indirect_dma source(%dma_start3A_1643 : memref<80000x128xf32, #tpu.memory_space<hbm>>) target(%arg29 : memref<32x128xf32, #tpu.memory_space<vmem>>) offsets(%dma_start3A_1640 : memref<32xi32, #tpu.memory_space<vmem>>) semaphore(%arg38 : memref<!tpu.dma_semaphore, #tpu.memory_space<semaphore_mem>>)
      %scan3A_1644 = arith.constant 0 : i32
      scf.yield %scan3A_1644 : i32
    }
    %scan3A_484 = arith.constant 39 : i32
    %dma_wait3A = arith.constant 0 : i32
    %dma_wait3A_485 = arith.constant 0 : i32
    %dma_wait3A_486 = tpu.memref_slice %arg6[%dma_wait3A, %dma_wait3A_485] : memref<1x32xi32, #tpu.memory_space<vmem>> -> memref<1x32xi32, #tpu.memory_space<vmem>>
    %dma_wait3A_487 = tpu.memref_squeeze %dma_wait3A_486 : memref<1x32xi32, #tpu.memory_space<vmem>> -> memref<32xi32, #tpu.memory_space<vmem>>
    %dma_wait3A_488 = arith.constant 0 : i32
    %dma_wait3A_489 = arith.constant 0 : i32
    %dma_wait3A_490 = tpu.memref_slice %arg2[%dma_wait3A_488, %dma_wait3A_489] : memref<80000x128xf32, #tpu.memory_space<hbm>> -> memref<80000x128xf32, #tpu.memory_space<hbm>>
    tpu.wait_indirect_dma semaphore(%arg31 : memref<!tpu.dma_semaphore, #tpu.memory_space<semaphore_mem>>) src(%dma_wait3A_490 : memref<80000x128xf32, #tpu.memory_space<hbm>>) dst(%arg22 : memref<32x128xf32, #tpu.memory_space<vmem>>)
    %run_scoped3A = arith.constant 0 : i32
    "tpu.region"() ({
      %run_scoped3A_558 = tpu.sem_alloc : memref<!tpu.dma_semaphore, #tpu.memory_space<semaphore_mem>>
      %dma_start3A_559 = arith.constant 0 : i32
      %dma_start3A_560 = tpu.memref_slice %arg7[%run_scoped3A, %dma_start3A_559] : memref<1x32xi32, #tpu.memory_space<vmem>> -> memref<1x32xi32, #tpu.memory_space<vmem>>
      %dma_start3A_561 = tpu.memref_squeeze %dma_start3A_560 : memref<1x32xi32, #tpu.memory_space<vmem>> -> memref<32xi32, #tpu.memory_space<vmem>>
      %dma_start3A_562 = arith.constant 0 : i32
      %dma_start3A_563 = arith.constant 0 : i32
      %dma_start3A_564 = tpu.memref_slice %arg30[%dma_start3A_562, %dma_start3A_563] : memref<10240x128xf32, #tpu.memory_space<vmem_shared>> -> memref<10240x128xf32, #tpu.memory_space<vmem_shared>>
      tpu.enqueue_indirect_dma source(%arg22 : memref<32x128xf32, #tpu.memory_space<vmem>>) target(%dma_start3A_564 : memref<10240x128xf32, #tpu.memory_space<vmem_shared>>) offsets(%dma_start3A_561 : memref<32xi32, #tpu.memory_space<vmem>>) semaphore(%run_scoped3A_558 : memref<!tpu.dma_semaphore, #tpu.memory_space<semaphore_mem>>) {add = true}
      %dma_wait3A_565 = arith.constant 0 : i32
      %dma_wait3A_566 = tpu.memref_slice %arg7[%run_scoped3A, %dma_wait3A_565] : memref<1x32xi32, #tpu.memory_space<vmem>> -> memref<1x32xi32, #tpu.memory_space<vmem>>
      %dma_wait3A_567 = tpu.memref_squeeze %dma_wait3A_566 : memref<1x32xi32, #tpu.memory_space<vmem>> -> memref<32xi32, #tpu.memory_space<vmem>>
      %dma_wait3A_568 = arith.constant 0 : i32
      %dma_wait3A_569 = arith.constant 0 : i32
      %dma_wait3A_570 = tpu.memref_slice %arg30[%dma_wait3A_568, %dma_wait3A_569] : memref<10240x128xf32, #tpu.memory_space<vmem_shared>> -> memref<10240x128xf32, #tpu.memory_space<vmem_shared>>
      tpu.wait_indirect_dma semaphore(%run_scoped3A_558 : memref<!tpu.dma_semaphore, #tpu.memory_space<semaphore_mem>>) src(%arg22 : memref<32x128xf32, #tpu.memory_space<vmem>>) dst(%dma_wait3A_570 : memref<10240x128xf32, #tpu.memory_space<vmem_shared>>)
      tpu.yield
    }) : () -> ()
    %dma_wait3A_491 = arith.constant 0 : i32
    %dma_wait3A_492 = arith.constant 0 : i32
    %dma_wait3A_493 = tpu.memref_slice %arg8[%dma_wait3A_491, %dma_wait3A_492] : memref<1x32xi32, #tpu.memory_space<vmem>> -> memref<1x32xi32, #tpu.memory_space<vmem>>
    %dma_wait3A_494 = tpu.memref_squeeze %dma_wait3A_493 : memref<1x32xi32, #tpu.memory_space<vmem>> -> memref<32xi32, #tpu.memory_space<vmem>>
    %dma_wait3A_495 = arith.constant 0 : i32
    %dma_wait3A_496 = arith.constant 0 : i32
    %dma_wait3A_497 = tpu.memref_slice %arg2[%dma_wait3A_495, %dma_wait3A_496] : memref<80000x128xf32, #tpu.memory_space<hbm>> -> memref<80000x128xf32, #tpu.memory_space<hbm>>
    tpu.wait_indirect_dma semaphore(%arg32 : memref<!tpu.dma_semaphore, #tpu.memory_space<semaphore_mem>>) src(%dma_wait3A_497 : memref<80000x128xf32, #tpu.memory_space<hbm>>) dst(%arg23 : memref<32x128xf32, #tpu.memory_space<vmem>>)
    %run_scoped3A_498 = arith.constant 0 : i32
    "tpu.region"() ({
      %run_scoped3A_558 = tpu.sem_alloc : memref<!tpu.dma_semaphore, #tpu.memory_space<semaphore_mem>>
      %dma_start3A_559 = arith.constant 0 : i32
      %dma_start3A_560 = tpu.memref_slice %arg9[%run_scoped3A_498, %dma_start3A_559] : memref<1x32xi32, #tpu.memory_space<vmem>> -> memref<1x32xi32, #tpu.memory_space<vmem>>
      %dma_start3A_561 = tpu.memref_squeeze %dma_start3A_560 : memref<1x32xi32, #tpu.memory_space<vmem>> -> memref<32xi32, #tpu.memory_space<vmem>>
      %dma_start3A_562 = arith.constant 0 : i32
      %dma_start3A_563 = arith.constant 0 : i32
      %dma_start3A_564 = tpu.memref_slice %arg30[%dma_start3A_562, %dma_start3A_563] : memref<10240x128xf32, #tpu.memory_space<vmem_shared>> -> memref<10240x128xf32, #tpu.memory_space<vmem_shared>>
      tpu.enqueue_indirect_dma source(%arg23 : memref<32x128xf32, #tpu.memory_space<vmem>>) target(%dma_start3A_564 : memref<10240x128xf32, #tpu.memory_space<vmem_shared>>) offsets(%dma_start3A_561 : memref<32xi32, #tpu.memory_space<vmem>>) semaphore(%run_scoped3A_558 : memref<!tpu.dma_semaphore, #tpu.memory_space<semaphore_mem>>) {add = true}
      %dma_wait3A_565 = arith.constant 0 : i32
      %dma_wait3A_566 = tpu.memref_slice %arg9[%run_scoped3A_498, %dma_wait3A_565] : memref<1x32xi32, #tpu.memory_space<vmem>> -> memref<1x32xi32, #tpu.memory_space<vmem>>
      %dma_wait3A_567 = tpu.memref_squeeze %dma_wait3A_566 : memref<1x32xi32, #tpu.memory_space<vmem>> -> memref<32xi32, #tpu.memory_space<vmem>>
      %dma_wait3A_568 = arith.constant 0 : i32
      %dma_wait3A_569 = arith.constant 0 : i32
      %dma_wait3A_570 = tpu.memref_slice %arg30[%dma_wait3A_568, %dma_wait3A_569] : memref<10240x128xf32, #tpu.memory_space<vmem_shared>> -> memref<10240x128xf32, #tpu.memory_space<vmem_shared>>
      tpu.wait_indirect_dma semaphore(%run_scoped3A_558 : memref<!tpu.dma_semaphore, #tpu.memory_space<semaphore_mem>>) src(%arg23 : memref<32x128xf32, #tpu.memory_space<vmem>>) dst(%dma_wait3A_570 : memref<10240x128xf32, #tpu.memory_space<vmem_shared>>)
      tpu.yield
    }) : () -> ()
    %dma_wait3A_499 = arith.constant 0 : i32
    %dma_wait3A_500 = arith.constant 0 : i32
    %dma_wait3A_501 = tpu.memref_slice %arg10[%dma_wait3A_499, %dma_wait3A_500] : memref<1x32xi32, #tpu.memory_space<vmem>> -> memref<1x32xi32, #tpu.memory_space<vmem>>
    %dma_wait3A_502 = tpu.memref_squeeze %dma_wait3A_501 : memref<1x32xi32, #tpu.memory_space<vmem>> -> memref<32xi32, #tpu.memory_space<vmem>>
    %dma_wait3A_503 = arith.constant 0 : i32
    %dma_wait3A_504 = arith.constant 0 : i32
    %dma_wait3A_505 = tpu.memref_slice %arg2[%dma_wait3A_503, %dma_wait3A_504] : memref<80000x128xf32, #tpu.memory_space<hbm>> -> memref<80000x128xf32, #tpu.memory_space<hbm>>
    tpu.wait_indirect_dma semaphore(%arg33 : memref<!tpu.dma_semaphore, #tpu.memory_space<semaphore_mem>>) src(%dma_wait3A_505 : memref<80000x128xf32, #tpu.memory_space<hbm>>) dst(%arg24 : memref<32x128xf32, #tpu.memory_space<vmem>>)
    %run_scoped3A_506 = arith.constant 0 : i32
    "tpu.region"() ({
      %run_scoped3A_558 = tpu.sem_alloc : memref<!tpu.dma_semaphore, #tpu.memory_space<semaphore_mem>>
      %dma_start3A_559 = arith.constant 0 : i32
      %dma_start3A_560 = tpu.memref_slice %arg11[%run_scoped3A_506, %dma_start3A_559] : memref<1x32xi32, #tpu.memory_space<vmem>> -> memref<1x32xi32, #tpu.memory_space<vmem>>
      %dma_start3A_561 = tpu.memref_squeeze %dma_start3A_560 : memref<1x32xi32, #tpu.memory_space<vmem>> -> memref<32xi32, #tpu.memory_space<vmem>>
      %dma_start3A_562 = arith.constant 0 : i32
      %dma_start3A_563 = arith.constant 0 : i32
      %dma_start3A_564 = tpu.memref_slice %arg30[%dma_start3A_562, %dma_start3A_563] : memref<10240x128xf32, #tpu.memory_space<vmem_shared>> -> memref<10240x128xf32, #tpu.memory_space<vmem_shared>>
      tpu.enqueue_indirect_dma source(%arg24 : memref<32x128xf32, #tpu.memory_space<vmem>>) target(%dma_start3A_564 : memref<10240x128xf32, #tpu.memory_space<vmem_shared>>) offsets(%dma_start3A_561 : memref<32xi32, #tpu.memory_space<vmem>>) semaphore(%run_scoped3A_558 : memref<!tpu.dma_semaphore, #tpu.memory_space<semaphore_mem>>) {add = true}
      %dma_wait3A_565 = arith.constant 0 : i32
      %dma_wait3A_566 = tpu.memref_slice %arg11[%run_scoped3A_506, %dma_wait3A_565] : memref<1x32xi32, #tpu.memory_space<vmem>> -> memref<1x32xi32, #tpu.memory_space<vmem>>
      %dma_wait3A_567 = tpu.memref_squeeze %dma_wait3A_566 : memref<1x32xi32, #tpu.memory_space<vmem>> -> memref<32xi32, #tpu.memory_space<vmem>>
      %dma_wait3A_568 = arith.constant 0 : i32
      %dma_wait3A_569 = arith.constant 0 : i32
      %dma_wait3A_570 = tpu.memref_slice %arg30[%dma_wait3A_568, %dma_wait3A_569] : memref<10240x128xf32, #tpu.memory_space<vmem_shared>> -> memref<10240x128xf32, #tpu.memory_space<vmem_shared>>
      tpu.wait_indirect_dma semaphore(%run_scoped3A_558 : memref<!tpu.dma_semaphore, #tpu.memory_space<semaphore_mem>>) src(%arg24 : memref<32x128xf32, #tpu.memory_space<vmem>>) dst(%dma_wait3A_570 : memref<10240x128xf32, #tpu.memory_space<vmem_shared>>)
      tpu.yield
    }) : () -> ()
    %dma_wait3A_507 = arith.constant 0 : i32
    %dma_wait3A_508 = arith.constant 0 : i32
    %dma_wait3A_509 = tpu.memref_slice %arg12[%dma_wait3A_507, %dma_wait3A_508] : memref<1x32xi32, #tpu.memory_space<vmem>> -> memref<1x32xi32, #tpu.memory_space<vmem>>
    %dma_wait3A_510 = tpu.memref_squeeze %dma_wait3A_509 : memref<1x32xi32, #tpu.memory_space<vmem>> -> memref<32xi32, #tpu.memory_space<vmem>>
    %dma_wait3A_511 = arith.constant 0 : i32
    %dma_wait3A_512 = arith.constant 0 : i32
    %dma_wait3A_513 = tpu.memref_slice %arg2[%dma_wait3A_511, %dma_wait3A_512] : memref<80000x128xf32, #tpu.memory_space<hbm>> -> memref<80000x128xf32, #tpu.memory_space<hbm>>
    tpu.wait_indirect_dma semaphore(%arg34 : memref<!tpu.dma_semaphore, #tpu.memory_space<semaphore_mem>>) src(%dma_wait3A_513 : memref<80000x128xf32, #tpu.memory_space<hbm>>) dst(%arg25 : memref<32x128xf32, #tpu.memory_space<vmem>>)
    %run_scoped3A_514 = arith.constant 0 : i32
    "tpu.region"() ({
      %run_scoped3A_558 = tpu.sem_alloc : memref<!tpu.dma_semaphore, #tpu.memory_space<semaphore_mem>>
      %dma_start3A_559 = arith.constant 0 : i32
      %dma_start3A_560 = tpu.memref_slice %arg13[%run_scoped3A_514, %dma_start3A_559] : memref<1x32xi32, #tpu.memory_space<vmem>> -> memref<1x32xi32, #tpu.memory_space<vmem>>
      %dma_start3A_561 = tpu.memref_squeeze %dma_start3A_560 : memref<1x32xi32, #tpu.memory_space<vmem>> -> memref<32xi32, #tpu.memory_space<vmem>>
      %dma_start3A_562 = arith.constant 0 : i32
      %dma_start3A_563 = arith.constant 0 : i32
      %dma_start3A_564 = tpu.memref_slice %arg30[%dma_start3A_562, %dma_start3A_563] : memref<10240x128xf32, #tpu.memory_space<vmem_shared>> -> memref<10240x128xf32, #tpu.memory_space<vmem_shared>>
      tpu.enqueue_indirect_dma source(%arg25 : memref<32x128xf32, #tpu.memory_space<vmem>>) target(%dma_start3A_564 : memref<10240x128xf32, #tpu.memory_space<vmem_shared>>) offsets(%dma_start3A_561 : memref<32xi32, #tpu.memory_space<vmem>>) semaphore(%run_scoped3A_558 : memref<!tpu.dma_semaphore, #tpu.memory_space<semaphore_mem>>) {add = true}
      %dma_wait3A_565 = arith.constant 0 : i32
      %dma_wait3A_566 = tpu.memref_slice %arg13[%run_scoped3A_514, %dma_wait3A_565] : memref<1x32xi32, #tpu.memory_space<vmem>> -> memref<1x32xi32, #tpu.memory_space<vmem>>
      %dma_wait3A_567 = tpu.memref_squeeze %dma_wait3A_566 : memref<1x32xi32, #tpu.memory_space<vmem>> -> memref<32xi32, #tpu.memory_space<vmem>>
      %dma_wait3A_568 = arith.constant 0 : i32
      %dma_wait3A_569 = arith.constant 0 : i32
      %dma_wait3A_570 = tpu.memref_slice %arg30[%dma_wait3A_568, %dma_wait3A_569] : memref<10240x128xf32, #tpu.memory_space<vmem_shared>> -> memref<10240x128xf32, #tpu.memory_space<vmem_shared>>
      tpu.wait_indirect_dma semaphore(%run_scoped3A_558 : memref<!tpu.dma_semaphore, #tpu.memory_space<semaphore_mem>>) src(%arg25 : memref<32x128xf32, #tpu.memory_space<vmem>>) dst(%dma_wait3A_570 : memref<10240x128xf32, #tpu.memory_space<vmem_shared>>)
      tpu.yield
    }) : () -> ()
    %dma_wait3A_515 = arith.constant 0 : i32
    %dma_wait3A_516 = arith.constant 0 : i32
    %dma_wait3A_517 = tpu.memref_slice %arg14[%dma_wait3A_515, %dma_wait3A_516] : memref<1x32xi32, #tpu.memory_space<vmem>> -> memref<1x32xi32, #tpu.memory_space<vmem>>
    %dma_wait3A_518 = tpu.memref_squeeze %dma_wait3A_517 : memref<1x32xi32, #tpu.memory_space<vmem>> -> memref<32xi32, #tpu.memory_space<vmem>>
    %dma_wait3A_519 = arith.constant 0 : i32
    %dma_wait3A_520 = arith.constant 0 : i32
    %dma_wait3A_521 = tpu.memref_slice %arg2[%dma_wait3A_519, %dma_wait3A_520] : memref<80000x128xf32, #tpu.memory_space<hbm>> -> memref<80000x128xf32, #tpu.memory_space<hbm>>
    tpu.wait_indirect_dma semaphore(%arg35 : memref<!tpu.dma_semaphore, #tpu.memory_space<semaphore_mem>>) src(%dma_wait3A_521 : memref<80000x128xf32, #tpu.memory_space<hbm>>) dst(%arg26 : memref<32x128xf32, #tpu.memory_space<vmem>>)
    %run_scoped3A_522 = arith.constant 0 : i32
    "tpu.region"() ({
      %run_scoped3A_558 = tpu.sem_alloc : memref<!tpu.dma_semaphore, #tpu.memory_space<semaphore_mem>>
      %dma_start3A_559 = arith.constant 0 : i32
      %dma_start3A_560 = tpu.memref_slice %arg15[%run_scoped3A_522, %dma_start3A_559] : memref<1x32xi32, #tpu.memory_space<vmem>> -> memref<1x32xi32, #tpu.memory_space<vmem>>
      %dma_start3A_561 = tpu.memref_squeeze %dma_start3A_560 : memref<1x32xi32, #tpu.memory_space<vmem>> -> memref<32xi32, #tpu.memory_space<vmem>>
      %dma_start3A_562 = arith.constant 0 : i32
      %dma_start3A_563 = arith.constant 0 : i32
      %dma_start3A_564 = tpu.memref_slice %arg30[%dma_start3A_562, %dma_start3A_563] : memref<10240x128xf32, #tpu.memory_space<vmem_shared>> -> memref<10240x128xf32, #tpu.memory_space<vmem_shared>>
      tpu.enqueue_indirect_dma source(%arg26 : memref<32x128xf32, #tpu.memory_space<vmem>>) target(%dma_start3A_564 : memref<10240x128xf32, #tpu.memory_space<vmem_shared>>) offsets(%dma_start3A_561 : memref<32xi32, #tpu.memory_space<vmem>>) semaphore(%run_scoped3A_558 : memref<!tpu.dma_semaphore, #tpu.memory_space<semaphore_mem>>) {add = true}
      %dma_wait3A_565 = arith.constant 0 : i32
      %dma_wait3A_566 = tpu.memref_slice %arg15[%run_scoped3A_522, %dma_wait3A_565] : memref<1x32xi32, #tpu.memory_space<vmem>> -> memref<1x32xi32, #tpu.memory_space<vmem>>
      %dma_wait3A_567 = tpu.memref_squeeze %dma_wait3A_566 : memref<1x32xi32, #tpu.memory_space<vmem>> -> memref<32xi32, #tpu.memory_space<vmem>>
      %dma_wait3A_568 = arith.constant 0 : i32
      %dma_wait3A_569 = arith.constant 0 : i32
      %dma_wait3A_570 = tpu.memref_slice %arg30[%dma_wait3A_568, %dma_wait3A_569] : memref<10240x128xf32, #tpu.memory_space<vmem_shared>> -> memref<10240x128xf32, #tpu.memory_space<vmem_shared>>
      tpu.wait_indirect_dma semaphore(%run_scoped3A_558 : memref<!tpu.dma_semaphore, #tpu.memory_space<semaphore_mem>>) src(%arg26 : memref<32x128xf32, #tpu.memory_space<vmem>>) dst(%dma_wait3A_570 : memref<10240x128xf32, #tpu.memory_space<vmem_shared>>)
      tpu.yield
    }) : () -> ()
    %dma_wait3A_523 = arith.constant 0 : i32
    %dma_wait3A_524 = arith.constant 0 : i32
    %dma_wait3A_525 = tpu.memref_slice %arg16[%dma_wait3A_523, %dma_wait3A_524] : memref<1x32xi32, #tpu.memory_space<vmem>> -> memref<1x32xi32, #tpu.memory_space<vmem>>
    %dma_wait3A_526 = tpu.memref_squeeze %dma_wait3A_525 : memref<1x32xi32, #tpu.memory_space<vmem>> -> memref<32xi32, #tpu.memory_space<vmem>>
    %dma_wait3A_527 = arith.constant 0 : i32
    %dma_wait3A_528 = arith.constant 0 : i32
    %dma_wait3A_529 = tpu.memref_slice %arg2[%dma_wait3A_527, %dma_wait3A_528] : memref<80000x128xf32, #tpu.memory_space<hbm>> -> memref<80000x128xf32, #tpu.memory_space<hbm>>
    tpu.wait_indirect_dma semaphore(%arg36 : memref<!tpu.dma_semaphore, #tpu.memory_space<semaphore_mem>>) src(%dma_wait3A_529 : memref<80000x128xf32, #tpu.memory_space<hbm>>) dst(%arg27 : memref<32x128xf32, #tpu.memory_space<vmem>>)
    %run_scoped3A_530 = arith.constant 0 : i32
    "tpu.region"() ({
      %run_scoped3A_558 = tpu.sem_alloc : memref<!tpu.dma_semaphore, #tpu.memory_space<semaphore_mem>>
      %dma_start3A_559 = arith.constant 0 : i32
      %dma_start3A_560 = tpu.memref_slice %arg17[%run_scoped3A_530, %dma_start3A_559] : memref<1x32xi32, #tpu.memory_space<vmem>> -> memref<1x32xi32, #tpu.memory_space<vmem>>
      %dma_start3A_561 = tpu.memref_squeeze %dma_start3A_560 : memref<1x32xi32, #tpu.memory_space<vmem>> -> memref<32xi32, #tpu.memory_space<vmem>>
      %dma_start3A_562 = arith.constant 0 : i32
      %dma_start3A_563 = arith.constant 0 : i32
      %dma_start3A_564 = tpu.memref_slice %arg30[%dma_start3A_562, %dma_start3A_563] : memref<10240x128xf32, #tpu.memory_space<vmem_shared>> -> memref<10240x128xf32, #tpu.memory_space<vmem_shared>>
      tpu.enqueue_indirect_dma source(%arg27 : memref<32x128xf32, #tpu.memory_space<vmem>>) target(%dma_start3A_564 : memref<10240x128xf32, #tpu.memory_space<vmem_shared>>) offsets(%dma_start3A_561 : memref<32xi32, #tpu.memory_space<vmem>>) semaphore(%run_scoped3A_558 : memref<!tpu.dma_semaphore, #tpu.memory_space<semaphore_mem>>) {add = true}
      %dma_wait3A_565 = arith.constant 0 : i32
      %dma_wait3A_566 = tpu.memref_slice %arg17[%run_scoped3A_530, %dma_wait3A_565] : memref<1x32xi32, #tpu.memory_space<vmem>> -> memref<1x32xi32, #tpu.memory_space<vmem>>
      %dma_wait3A_567 = tpu.memref_squeeze %dma_wait3A_566 : memref<1x32xi32, #tpu.memory_space<vmem>> -> memref<32xi32, #tpu.memory_space<vmem>>
      %dma_wait3A_568 = arith.constant 0 : i32
      %dma_wait3A_569 = arith.constant 0 : i32
      %dma_wait3A_570 = tpu.memref_slice %arg30[%dma_wait3A_568, %dma_wait3A_569] : memref<10240x128xf32, #tpu.memory_space<vmem_shared>> -> memref<10240x128xf32, #tpu.memory_space<vmem_shared>>
      tpu.wait_indirect_dma semaphore(%run_scoped3A_558 : memref<!tpu.dma_semaphore, #tpu.memory_space<semaphore_mem>>) src(%arg27 : memref<32x128xf32, #tpu.memory_space<vmem>>) dst(%dma_wait3A_570 : memref<10240x128xf32, #tpu.memory_space<vmem_shared>>)
      tpu.yield
    }) : () -> ()
    %dma_wait3A_531 = arith.constant 0 : i32
    %dma_wait3A_532 = arith.constant 0 : i32
    %dma_wait3A_533 = tpu.memref_slice %arg18[%dma_wait3A_531, %dma_wait3A_532] : memref<1x32xi32, #tpu.memory_space<vmem>> -> memref<1x32xi32, #tpu.memory_space<vmem>>
    %dma_wait3A_534 = tpu.memref_squeeze %dma_wait3A_533 : memref<1x32xi32, #tpu.memory_space<vmem>> -> memref<32xi32, #tpu.memory_space<vmem>>
    %dma_wait3A_535 = arith.constant 0 : i32
    %dma_wait3A_536 = arith.constant 0 : i32
    %dma_wait3A_537 = tpu.memref_slice %arg2[%dma_wait3A_535, %dma_wait3A_536] : memref<80000x128xf32, #tpu.memory_space<hbm>> -> memref<80000x128xf32, #tpu.memory_space<hbm>>
    tpu.wait_indirect_dma semaphore(%arg37 : memref<!tpu.dma_semaphore, #tpu.memory_space<semaphore_mem>>) src(%dma_wait3A_537 : memref<80000x128xf32, #tpu.memory_space<hbm>>) dst(%arg28 : memref<32x128xf32, #tpu.memory_space<vmem>>)
    %run_scoped3A_538 = arith.constant 0 : i32
    "tpu.region"() ({
      %run_scoped3A_558 = tpu.sem_alloc : memref<!tpu.dma_semaphore, #tpu.memory_space<semaphore_mem>>
      %dma_start3A_559 = arith.constant 0 : i32
      %dma_start3A_560 = tpu.memref_slice %arg19[%run_scoped3A_538, %dma_start3A_559] : memref<1x32xi32, #tpu.memory_space<vmem>> -> memref<1x32xi32, #tpu.memory_space<vmem>>
      %dma_start3A_561 = tpu.memref_squeeze %dma_start3A_560 : memref<1x32xi32, #tpu.memory_space<vmem>> -> memref<32xi32, #tpu.memory_space<vmem>>
      %dma_start3A_562 = arith.constant 0 : i32
      %dma_start3A_563 = arith.constant 0 : i32
      %dma_start3A_564 = tpu.memref_slice %arg30[%dma_start3A_562, %dma_start3A_563] : memref<10240x128xf32, #tpu.memory_space<vmem_shared>> -> memref<10240x128xf32, #tpu.memory_space<vmem_shared>>
      tpu.enqueue_indirect_dma source(%arg28 : memref<32x128xf32, #tpu.memory_space<vmem>>) target(%dma_start3A_564 : memref<10240x128xf32, #tpu.memory_space<vmem_shared>>) offsets(%dma_start3A_561 : memref<32xi32, #tpu.memory_space<vmem>>) semaphore(%run_scoped3A_558 : memref<!tpu.dma_semaphore, #tpu.memory_space<semaphore_mem>>) {add = true}
      %dma_wait3A_565 = arith.constant 0 : i32
      %dma_wait3A_566 = tpu.memref_slice %arg19[%run_scoped3A_538, %dma_wait3A_565] : memref<1x32xi32, #tpu.memory_space<vmem>> -> memref<1x32xi32, #tpu.memory_space<vmem>>
      %dma_wait3A_567 = tpu.memref_squeeze %dma_wait3A_566 : memref<1x32xi32, #tpu.memory_space<vmem>> -> memref<32xi32, #tpu.memory_space<vmem>>
      %dma_wait3A_568 = arith.constant 0 : i32
      %dma_wait3A_569 = arith.constant 0 : i32
      %dma_wait3A_570 = tpu.memref_slice %arg30[%dma_wait3A_568, %dma_wait3A_569] : memref<10240x128xf32, #tpu.memory_space<vmem_shared>> -> memref<10240x128xf32, #tpu.memory_space<vmem_shared>>
      tpu.wait_indirect_dma semaphore(%run_scoped3A_558 : memref<!tpu.dma_semaphore, #tpu.memory_space<semaphore_mem>>) src(%arg28 : memref<32x128xf32, #tpu.memory_space<vmem>>) dst(%dma_wait3A_570 : memref<10240x128xf32, #tpu.memory_space<vmem_shared>>)
      tpu.yield
    }) : () -> ()
    %dma_wait3A_539 = arith.constant 0 : i32
    %dma_wait3A_540 = arith.constant 0 : i32
    %dma_wait3A_541 = tpu.memref_slice %arg20[%dma_wait3A_539, %dma_wait3A_540] : memref<1x32xi32, #tpu.memory_space<vmem>> -> memref<1x32xi32, #tpu.memory_space<vmem>>
    %dma_wait3A_542 = tpu.memref_squeeze %dma_wait3A_541 : memref<1x32xi32, #tpu.memory_space<vmem>> -> memref<32xi32, #tpu.memory_space<vmem>>
    %dma_wait3A_543 = arith.constant 0 : i32
    %dma_wait3A_544 = arith.constant 0 : i32
    %dma_wait3A_545 = tpu.memref_slice %arg2[%dma_wait3A_543, %dma_wait3A_544] : memref<80000x128xf32, #tpu.memory_space<hbm>> -> memref<80000x128xf32, #tpu.memory_space<hbm>>
    tpu.wait_indirect_dma semaphore(%arg38 : memref<!tpu.dma_semaphore, #tpu.memory_space<semaphore_mem>>) src(%dma_wait3A_545 : memref<80000x128xf32, #tpu.memory_space<hbm>>) dst(%arg29 : memref<32x128xf32, #tpu.memory_space<vmem>>)
    %run_scoped3A_546 = arith.constant 0 : i32
    "tpu.region"() ({
      %run_scoped3A_558 = tpu.sem_alloc : memref<!tpu.dma_semaphore, #tpu.memory_space<semaphore_mem>>
      %dma_start3A_559 = arith.constant 0 : i32
      %dma_start3A_560 = tpu.memref_slice %arg21[%run_scoped3A_546, %dma_start3A_559] : memref<1x32xi32, #tpu.memory_space<vmem>> -> memref<1x32xi32, #tpu.memory_space<vmem>>
      %dma_start3A_561 = tpu.memref_squeeze %dma_start3A_560 : memref<1x32xi32, #tpu.memory_space<vmem>> -> memref<32xi32, #tpu.memory_space<vmem>>
      %dma_start3A_562 = arith.constant 0 : i32
      %dma_start3A_563 = arith.constant 0 : i32
      %dma_start3A_564 = tpu.memref_slice %arg30[%dma_start3A_562, %dma_start3A_563] : memref<10240x128xf32, #tpu.memory_space<vmem_shared>> -> memref<10240x128xf32, #tpu.memory_space<vmem_shared>>
      tpu.enqueue_indirect_dma source(%arg29 : memref<32x128xf32, #tpu.memory_space<vmem>>) target(%dma_start3A_564 : memref<10240x128xf32, #tpu.memory_space<vmem_shared>>) offsets(%dma_start3A_561 : memref<32xi32, #tpu.memory_space<vmem>>) semaphore(%run_scoped3A_558 : memref<!tpu.dma_semaphore, #tpu.memory_space<semaphore_mem>>) {add = true}
      %dma_wait3A_565 = arith.constant 0 : i32
      %dma_wait3A_566 = tpu.memref_slice %arg21[%run_scoped3A_546, %dma_wait3A_565] : memref<1x32xi32, #tpu.memory_space<vmem>> -> memref<1x32xi32, #tpu.memory_space<vmem>>
      %dma_wait3A_567 = tpu.memref_squeeze %dma_wait3A_566 : memref<1x32xi32, #tpu.memory_space<vmem>> -> memref<32xi32, #tpu.memory_space<vmem>>
      %dma_wait3A_568 = arith.constant 0 : i32
      %dma_wait3A_569 = arith.constant 0 : i32
      %dma_wait3A_570 = tpu.memref_slice %arg30[%dma_wait3A_568, %dma_wait3A_569] : memref<10240x128xf32, #tpu.memory_space<vmem_shared>> -> memref<10240x128xf32, #tpu.memory_space<vmem_shared>>
      tpu.wait_indirect_dma semaphore(%run_scoped3A_558 : memref<!tpu.dma_semaphore, #tpu.memory_space<semaphore_mem>>) src(%arg29 : memref<32x128xf32, #tpu.memory_space<vmem>>) dst(%dma_wait3A_570 : memref<10240x128xf32, #tpu.memory_space<vmem_shared>>)
      tpu.yield
    }) : () -> ()
    %barrier3A_547 = arith.constant 0 : index
    tpu.barrier barrier_id(%barrier3A_547)
    %lt3A_548 = arith.constant 15 : i32
    %lt3A_549 = arith.cmpi slt, %arg1, %lt3A_548 : i32
    %convert_element_type3A_550 = arith.extui %lt3A_549 : i1 to i32
    %cond3A_551 = arith.constant 0 : i32
    %cond3A_552 = arith.cmpi ne, %convert_element_type3A_550, %cond3A_551 : i32
    scf.if %cond3A_552 {
      %mul3A_558 = arith.constant 624 : i32
      %mul3A_559 = arith.muli %arg1, %mul3A_558 : i32
      "tpu.region"() ({
        %run_scoped3A_560 = tpu.sem_alloc : memref<!tpu.dma_semaphore, #tpu.memory_space<semaphore_mem>>
        %dma_start3A_561 = arith.constant 0 : i32
        %dma_start3A_562 = arith.constant 0 : i32
        %dma_start3A_563 = tpu.memref_slice %arg4[%arg0, %dma_start3A_561, %dma_start3A_562] : memref<2x10000x128xf32, #tpu.memory_space<hbm>> -> memref<1x10000x128xf32, #tpu.memory_space<hbm>>
        %dma_start3A_564 = tpu.memref_squeeze %dma_start3A_563 : memref<1x10000x128xf32, #tpu.memory_space<hbm>> -> memref<10000x128xf32, #tpu.memory_space<hbm>>
        %dma_start3A_565 = arith.constant 0 : i32
        %dma_start3A_566 = tpu.memref_slice %dma_start3A_564[%mul3A_559, %dma_start3A_565] : memref<10000x128xf32, #tpu.memory_space<hbm>> -> memref<624x128xf32, #tpu.memory_space<hbm>>
        %dma_start3A_567 = arith.constant 0 : i32
        %dma_start3A_568 = tpu.memref_slice %arg30[%mul3A_559, %dma_start3A_567] : memref<10240x128xf32, #tpu.memory_space<vmem_shared>> -> memref<624x128xf32, #tpu.memory_space<vmem_shared>>
        tpu.enqueue_dma source(%dma_start3A_568 : memref<624x128xf32, #tpu.memory_space<vmem_shared>>) target(%dma_start3A_566 : memref<624x128xf32, #tpu.memory_space<hbm>>) target_semaphore(%run_scoped3A_560 : memref<!tpu.dma_semaphore, #tpu.memory_space<semaphore_mem>>)
        %dma_wait3A_569 = arith.constant 0 : i32
        %dma_wait3A_570 = arith.constant 0 : i32
        %dma_wait3A_571 = tpu.memref_slice %arg4[%arg0, %dma_wait3A_569, %dma_wait3A_570] : memref<2x10000x128xf32, #tpu.memory_space<hbm>> -> memref<1x10000x128xf32, #tpu.memory_space<hbm>>
        %dma_wait3A_572 = tpu.memref_squeeze %dma_wait3A_571 : memref<1x10000x128xf32, #tpu.memory_space<hbm>> -> memref<10000x128xf32, #tpu.memory_space<hbm>>
        %dma_wait3A_573 = arith.constant 0 : i32
        %dma_wait3A_574 = tpu.memref_slice %dma_wait3A_572[%mul3A_559, %dma_wait3A_573] : memref<10000x128xf32, #tpu.memory_space<hbm>> -> memref<624x128xf32, #tpu.memory_space<hbm>>
        %dma_wait3A_575 = arith.constant 0 : i32
        %dma_wait3A_576 = tpu.memref_slice %arg30[%mul3A_559, %dma_wait3A_575] : memref<10240x128xf32, #tpu.memory_space<vmem_shared>> -> memref<624x128xf32, #tpu.memory_space<vmem_shared>>
        tpu.wait_dma2 semaphore(%run_scoped3A_560 : memref<!tpu.dma_semaphore, #tpu.memory_space<semaphore_mem>>) src(%dma_wait3A_576 : memref<624x128xf32, #tpu.memory_space<vmem_shared>>) dst(%dma_wait3A_574 : memref<624x128xf32, #tpu.memory_space<hbm>>)
        tpu.yield
      }) : () -> ()
    } else {
    }
    %eq3A_553 = arith.constant 15 : i32
    %eq3A_554 = arith.cmpi eq, %arg1, %eq3A_553 : i32
    %convert_element_type3A_555 = arith.extui %eq3A_554 : i1 to i32
    %cond3A_556 = arith.constant 0 : i32
    %cond3A_557 = arith.cmpi ne, %convert_element_type3A_555, %cond3A_556 : i32
    scf.if %cond3A_557 {
      %mul3A_558 = arith.constant 624 : i32
      %mul3A_559 = arith.muli %arg1, %mul3A_558 : i32
      "tpu.region"() ({
        %run_scoped3A_560 = tpu.sem_alloc : memref<!tpu.dma_semaphore, #tpu.memory_space<semaphore_mem>>
        %dma_start3A_561 = arith.constant 0 : i32
        %dma_start3A_562 = arith.constant 0 : i32
        %dma_start3A_563 = tpu.memref_slice %arg4[%arg0, %dma_start3A_561, %dma_start3A_562] : memref<2x10000x128xf32, #tpu.memory_space<hbm>> -> memref<1x10000x128xf32, #tpu.memory_space<hbm>>
        %dma_start3A_564 = tpu.memref_squeeze %dma_start3A_563 : memref<1x10000x128xf32, #tpu.memory_space<hbm>> -> memref<10000x128xf32, #tpu.memory_space<hbm>>
        %dma_start3A_565 = arith.constant 0 : i32
        %dma_start3A_566 = tpu.memref_slice %dma_start3A_564[%mul3A_559, %dma_start3A_565] : memref<10000x128xf32, #tpu.memory_space<hbm>> -> memref<640x128xf32, #tpu.memory_space<hbm>>
        %dma_start3A_567 = arith.constant 0 : i32
        %dma_start3A_568 = tpu.memref_slice %arg30[%mul3A_559, %dma_start3A_567] : memref<10240x128xf32, #tpu.memory_space<vmem_shared>> -> memref<640x128xf32, #tpu.memory_space<vmem_shared>>
        tpu.enqueue_dma source(%dma_start3A_568 : memref<640x128xf32, #tpu.memory_space<vmem_shared>>) target(%dma_start3A_566 : memref<640x128xf32, #tpu.memory_space<hbm>>) target_semaphore(%run_scoped3A_560 : memref<!tpu.dma_semaphore, #tpu.memory_space<semaphore_mem>>)
        %dma_wait3A_569 = arith.constant 0 : i32
        %dma_wait3A_570 = arith.constant 0 : i32
        %dma_wait3A_571 = tpu.memref_slice %arg4[%arg0, %dma_wait3A_569, %dma_wait3A_570] : memref<2x10000x128xf32, #tpu.memory_space<hbm>> -> memref<1x10000x128xf32, #tpu.memory_space<hbm>>
        %dma_wait3A_572 = tpu.memref_squeeze %dma_wait3A_571 : memref<1x10000x128xf32, #tpu.memory_space<hbm>> -> memref<10000x128xf32, #tpu.memory_space<hbm>>
        %dma_wait3A_573 = arith.constant 0 : i32
        %dma_wait3A_574 = tpu.memref_slice %dma_wait3A_572[%mul3A_559, %dma_wait3A_573] : memref<10000x128xf32, #tpu.memory_space<hbm>> -> memref<640x128xf32, #tpu.memory_space<hbm>>
        %dma_wait3A_575 = arith.constant 0 : i32
        %dma_wait3A_576 = tpu.memref_slice %arg30[%mul3A_559, %dma_wait3A_575] : memref<10240x128xf32, #tpu.memory_space<vmem_shared>> -> memref<640x128xf32, #tpu.memory_space<vmem_shared>>
        tpu.wait_dma2 semaphore(%run_scoped3A_560 : memref<!tpu.dma_semaphore, #tpu.memory_space<semaphore_mem>>) src(%dma_wait3A_576 : memref<640x128xf32, #tpu.memory_space<vmem_shared>>) dst(%dma_wait3A_574 : memref<640x128xf32, #tpu.memory_space<hbm>>)
        tpu.yield
      }) : () -> ()
    } else {
    }
    return
  }
}

</mosaic_0001>

<sc_bundles>
// kernel: _sc_aggregate.3.cloned.1.call-start
scs
__scs_entry_jumppad:
0x0: {  	(pc) =	sbr.rel $0x88, $3  }
0x1: {  	(tag) =	ssettag $0x0;
	lr =	simm.s32 $0x1  }
0x2: {  	[smem:$0x3F9F] =	sst lr;
	_ =	strace $0xD0000000  }
0x3: {  	_ = 	snop  }
0x4: {  	_ = 	snop  }
0x5: {  	_ = 	snop  }
0x6: {  	_ = 	snop  }
0x7: {  	_ = 	snop  }
__scs_overlays_trampoline_lowered:
0x8: {  	[smem:$0x3FAE] =	sst s0  }
0x9: {  	[smem:$0x3FAF] =	sst s1  }
0xa: {  	[smem:$0x3FB0] =	sst s2  }
0xb: {  	[smem:$0x3FB1] =	sst s3  }
0xc: {  	[smem:$0x3FB2] =	sst s4  }
0xd: {  	[smem:$0x3FB3] =	sst s5  }
0xe: {  	[smem:$0x3FB4] =	sst s6  }
0xf: {  	[smem:$0x3FB5] =	sst s7  }
0x10: {  	[smem:$0x3FB6] =	sst s8  }
0x11: {  	[smem:$0x3FB7] =	sst s9;
	s0 =	simm.s32 @!p0 $0x0  }
0x12: {  	s1 =	sld [smem:$0x3F9D];
	s0 =	simm.s32 @p0 $0x1  }
0x13: {  	[smem:$0x3FB8] =	sst s0;
	s0 =	simm.s32 @!p1 $0x0  }
0x14: {  	s2 =	sld [smem:$0x3F9C];
	s0 =	simm.s32 @p1 $0x1  }
0x15: {  	[smem:$0x3FB9] =	sst s0;
	s0 =	simm.s32 @!p2 $0x0  }
0x16: {  	s3 =	sld [smem:$0x3FDB];
	s0 =	simm.s32 @p2 $0x1  }
0x17: {  	s4 =	simm.s32 $0x1BF5;
	[smem:$0x3FBB] =	sst s0  }
0x18: {  	s0 =	sld [smem:$0x3F9E];
	_ =	swait.ge [sflag:s4], $0x0  }
0x19: {  	s7 =	sld [smem:$0x3F9F]  }
0x1a: {  	s8 =	sadd.s32 $0xFFFFE003, lr  }
0x1b: {  	s9 =	sadd.s32 $0xFFFFFEF7, lr;
	s5 =	simm.s32 $0xFFFFFFFF;
	p2 =	slt.u32 s8, $0xFFFFF086  }
0x1c: {  	p1 =	slt.u32 s9, $0xF7A;
	s5 =	simm.s32 @!p2 $0x0  }
0x1d: {  	s5 =	simm.s32 @p1 $0x1;
	p0 =	seq.s32 s7, s2  }
0x1e: {  	s7 =	smul.u32 @!p0 $0xF7A, s2;
	p2 =	seq.s32 @!p0 s5, $0x0  }
0x1f: {  	s9 =	smul.u32 $0xF7A, s1;
	s8 =	simm.s32 @!p0 $0x1BF5;
	p2 =	por !p2, p0  }
0x20: {  	[sflag:s8] =	ssyncset.s32 @!p0 $0xFFFFF086;
	s6 =	sadd.s32 @!p0 s3, s7;
	s7 =	simm.s32 @!p0 $0x108  }
0x21: {  	s3 =	sadd.s32 s3, s9;
	s6 =	sadd.s32 @!p0 $0x88, s6;
	s7 =	simm.s32 @p2 $0x1082  }
0x22: {  	[simem:s7], [sflag:s8] =	dma.local @!p0 [hbm:s6], $0xF7A  }
0x23: {  	s9 =	sor.u32 $0xD0000000, s2;
	s6 =	simm.s32 $0x108;
	_ =	swait.ge @!p0 [sflag:s8], $0x0  }
0x24: {  	s3 =	sadd.s32 $0x88, s3;
	s6 =	simm.s32 @!p1 $0x1082;
	[sflag:s4] =	ssyncset.s32 $0xFFFFF086  }
0x25: {  	[simem:s6], [sflag:s4] =	dma.local [hbm:s3], $0xF7A  }
0x26: {  	[smem:$0x3F9F] =	sst s1;
	(tag) =	ssettag s2;
	_ =	strace s9  }
0x27: {  	s1 =	sld [smem:$0x3FAF]  }
0x28: {  	s2 =	sld [smem:$0x3FB0]  }
0x29: {  	s4 =	sld [smem:$0x3FB2]  }
0x2a: {  	p0 =	seq.s32 s5, $0x0;
	s5 =	sld [smem:$0x3FB3]  }
0x2b: {  	s6 =	sld [smem:$0x3FB4]  }
0x2c: {  	s7 =	sld [smem:$0x3FB5]  }
0x2d: {  	s3 =	simm.s32 $0x108;
	s8 =	sld [smem:$0x3FB6]  }
0x2e: {  	s3 =	simm.s32 @!p0 $0x1082;
	s9 =	sld [smem:$0x3FB7]  }
0x2f: {  	lr =	sadd.s32 s0, s3;
	s0 =	sld [smem:$0x3FAE]  }
0x30: {  	s3 =	sld [smem:$0x3FB1]  }
0x31: {  	[smem:$0x3FBA] =	sst s10  }
0x32: {  	s10 =	sld [smem:$0x3FB8];
	_ =	sdelay $0x3  }
0x33: {  	p0 =	seq.s32 s10, $0x1;
	s10 =	sld [smem:$0x3FBA];
	_ =	sdelay $0x3  }
0x34: {  	[smem:$0x3FBA] =	sst s10  }
0x35: {  	s10 =	sld [smem:$0x3FB9];
	_ =	sdelay $0x3  }
0x36: {  	p1 =	seq.s32 s10, $0x1;
	s10 =	sld [smem:$0x3FBA];
	_ =	sdelay $0x3  }
0x37: {  	[smem:$0x3FBA] =	sst s10  }
0x38: {  	s10 =	sld [smem:$0x3FBB]  }
0x39: {  	_ = 	snop;
	(pc) =	sbr.ind lr, $3  }
0x3a: {  	_ = 	snop  }
0x3b: {  	_ = 	snop  }
0x3c: {  	p2 =	seq.s32 s10, $0x1;
	s10 =	sld [smem:$0x3FBA]  }
0x3d: {  	_ =	shalt  }
0x3e: {  	_ =	shalt  }
0x3f: {  	_ =	shalt  }
0x40: {  	_ =	shalt  }
0x41: {  	_ =	shalt  }
0x42: {  	_ =	shalt  }
0x43: {  	_ =	shalt  }
0x44: {  	_ =	shalt  }
0x45: {  	_ =	shalt  }
0x46: {  	_ =	shalt  }
0x47: {  	_ =	shalt  }
0x48: {  	_ =	shalt  }
0x49: {  	_ =	shalt  }
0x4a: {  	_ =	shalt  }
0x4b: {  	_ =	shalt  }
0x4c: {  	_ =	shalt  }
0x4d: {  	_ =	shalt  }
0x4e: {  	_ =	shalt  }
0x4f: {  	_ =	shalt  }
0x50: {  	_ =	shalt  }
0x51: {  	_ =	shalt  }
0x52: {  	_ =	shalt  }
0x53: {  	_ =	shalt  }
0x54: {  	_ =	shalt  }
0x55: {  	_ =	shalt  }
0x56: {  	_ =	shalt  }
0x57: {  	_ =	shalt  }
0x58: {  	_ =	shalt  }
0x59: {  	_ =	shalt  }
0x5a: {  	_ =	shalt  }
0x5b: {  	_ =	shalt  }
0x5c: {  	_ =	shalt  }
0x5d: {  	_ =	shalt  }
0x5e: {  	_ =	shalt  }
0x5f: {  	_ =	shalt  }
0x60: {  	_ =	shalt  }
0x61: {  	_ =	shalt  }
0x62: {  	_ =	shalt  }
0x63: {  	_ =	shalt  }
0x64: {  	_ =	shalt  }
0x65: {  	_ =	shalt  }
0x66: {  	_ =	shalt  }
0x67: {  	_ =	shalt  }
0x68: {  	_ =	shalt  }
0x69: {  	_ =	shalt  }
0x6a: {  	_ =	shalt  }
0x6b: {  	_ =	shalt  }
0x6c: {  	_ =	shalt  }
0x6d: {  	_ =	shalt  }
0x6e: {  	_ =	shalt  }
0x6f: {  	_ =	shalt  }
0x70: {  	_ =	shalt  }
0x71: {  	_ =	shalt  }
0x72: {  	_ =	shalt  }
0x73: {  	_ =	shalt  }
0x74: {  	_ =	shalt  }
0x75: {  	_ =	shalt  }
0x76: {  	_ =	shalt  }
0x77: {  	_ =	shalt  }
0x78: {  	_ =	shalt  }
0x79: {  	_ =	shalt  }
0x7a: {  	_ =	shalt  }
0x7b: {  	_ =	shalt  }
0x7c: {  	_ =	shalt  }
0x7d: {  	_ =	shalt  }
0x7e: {  	_ =	shalt  }
0x7f: {  	_ =	shalt  }
0x80: {  	_ =	shalt  }
0x81: {  	_ =	shalt  }
0x82: {  	_ =	shalt  }
0x83: {  	_ =	shalt  }
0x84: {  	_ =	shalt  }
0x85: {  	_ =	shalt  }
0x86: {  	_ =	shalt  }
0x87: {  	_ =	shalt  }
.Lfunc_end0:
.L_simem_size_0:
called_computation_lowered:
.L_overlay_start_0:
0x88: {  	s2 =	sld [smem:$0x3FD9]  }
0x89: {  	s3 =	sld [smem:$0x3FFE];
	_ =	sdelay $0x1  }
0x8a: {  	s1 =	srdreg.scid  }
0x8b: {  	s0 =	sand.u32 $0x1, s1  }
0x8c: {  	s18 =	sshll.u32 s0, $0xA;
	s2 =	sadd.s32 s3, s2  }
0x8d: {  	s2 =	sadd.s32 s2, s18  }
0x8e: {  	[smem:$0x3FC6] =	sst s2  }
0x8f: {  	_ = 	snop  }
0x90: {  	s2 =	sld [smem:$0x3FC9]  }
0x91: {  	s19 =	sld [smem:$0x3FC8]  }
0x92: {  	s4 =	sld [smem:$0x3FD0];
	(tm) =	ssettm $0x1  }
0x93: {  	s5 =	sld [smem:$0x3FFB];
	_ =	sdelay $0x3  }
0x94: {  	_ =	strace s5  }
0x95: {  	s5 =	sld [smem:$0x3FFC];
	_ =	sdelay $0x3  }
0x96: {  	_ =	strace s5  }
0x97: {  	s5 =	sld [smem:$0x3FFD];
	_ =	sdelay $0x3  }
0x98: {  	_ =	strace s5  }
0x99: {  	_ =	strace $0x8FFFFFFF  }
0x9a: {  	s20 =	sld [smem:$0x3FDB];
	_ =	sdelay $0x1  }
0x9b: {  	s6 =	simm.s32 $_scs_section_size  }
0x9c: {  	s7 =	simm.s32 $_size__tile_overlayer_lowered;
	s8 =	simm.s32 $_tile_overlayer_lowered  }
0x9d: {  	s23 =	simm.s32 $0x1BFF;
	s22 =	sshll.u32 s8, $0x1;
	s5 =	sadd.s32 s6, s20  }
0x9e: {  	s9 =	simm.s32 $0x0;
	s21 =	sshll.u32 s7, $0x1;
	s7 =	sadd.s32 s22, s5  }
0x9f: {  	[timem:s9], [sflag:s23] =	dma.local [hbm:s7], s21  }
0xa0: {  	_ =	swait.ge [sflag:s23], s21  }
0xa1: {  	s6 =	ssub.s32 $0x0, s21;
	[sflag:s23] =	ssyncset.done $0x0  }
0xa2: {  	[sflag:s23] =	ssyncadd.s32 s6;
	_ =	sdelay $0x1  }
0xa3: {  	s24 =	simm.s32 $0x1B8B  }
0xa4: {  	_ =	swait.ge [sflag:s24], $0x1  }
0xa5: {  	[sflag:s24] =	ssyncset.done $0x0  }
0xa6: {  	s25 =	simm.s32 $0x1B8E;
	[sflag:s24] =	ssyncadd.s32 $0xFFFFFFFF  }
0xa7: {  	s26 =	simm.s32 $execute0_lowered;
	[smem:$0x3FD2] =	sst s25  }
0xa8: {  	s6 =	sshll.u32 s26, $0x1;
	_ =	strace $0x80000046;
	[dreg:$0x1] =	wrdreg $0xFFFFFFFF  }
0xa9: {  	s28 =	simm.s32 $_size_execute0_lowered;
	s5 =	sadd.s32 s5, s6;
	[dreg:$0x0] =	wrdreg $0x0  }
0xaa: {  	s6 =	sshll.u32 s28, $0x1;
	[dreg:$0x2] =	wrdreg s5  }
0xab: {  	[dreg:$0x3] =	wrdreg s6  }
0xac: {  	[dreg:$0x4] =	wrdreg $0xC0  }
0xad: {  	_ =	task [dreg:s9], $0x5FFFF  }
0xae: {  	[dreg:$0x1] =	wrdreg $0xFFFFFFFF  }
0xaf: {  	[dreg:$0x0] =	wrdreg $0x60  }
0xb0: {  	[dreg:$0x2] =	wrdreg s2  }
0xb1: {  	[dreg:$0x3] =	wrdreg s19  }
0xb2: {  	[dreg:$0x4] =	wrdreg s4  }
0xb3: {  	[dreg:$0x5] =	wrdreg $0xB0000  }
0xb4: {  	[dreg:$0x6] =	wrdreg $0x9  }
0xb5: {  	_ =	task.clear_ibuf [dreg:s9], $0x7FFFF;
	_ =	strace $0x90000046  }
0xb6: {  	s29 =	simm.s32 $0x9;
	_ =	strace $0x80000048  }
0xb7: {  	_ =	swait.ge [sflag:s29], $0x1  }
0xb8: {  	[sflag:s29] =	ssyncadd.s32 $0xFFFFFFFF  }
0xb9: {  	_ =	strace $0x90000048  }
0xba: {  	_ =	sfence  }
0xbb: {  	s30 =	sld [smem:$0x0];
	_ =	sdelay $0x2  }
0xbc: {  	s31 =	sshll.u32 s1, $0xD;
	s1 =	sshrl.u32 s1, $0x2  }
0xbd: {  	s3 =	sand.u32 $0x4000, s31;
	s1 =	sadd.s32 s1, s30  }
0xbe: {  	s0 =	sor.u32 s3, s0;
	s1 =	sshll.u32 s1, $0x11  }
0xbf: {  	s0 =	sor.u32 s1, s0  }
0xc0: {  	s0 =	sadd.s32 $0x8F2B, s0  }
0xc1: {  	[sflag:s0] =	ssyncadd.remote.s32 $0x1  }
0xc2: {  	_ =	sfence.sel $0xFFFF  }
0xc3: {  	[dreg:$0x0] =	wrdreg $0xFFFFFFFF;
	(pc) =	sbr.abs _section_cstart, $3  }
0xc4: {  	[dreg:$0x1] =	wrdreg $0xFFFFFFFF  }
0xc5: {  	_ =	task.clear_ibuf [dreg:s9], $0x2FFFF;
	_ =	strace $0x9FFFFFFF  }
0xc6: {  	(tm) =	ssettm $0x7FFFFFFF  }
0xc7: {  	_ =	shalt  }
tec
execute0_lowered:
.L_overlay_start_1:
0x0: {  	(tag) =	ssettag $0x1  }
0x1: {  	s0 =	srdreg.scid;
	s3 =	rddreg [dreg:$0x1]  }
0x2: {  	s7 =	stileid.u32;
	s1 =	rddreg [dreg:$0x3]  }
0x3: {  	s29 =	simm.s32 $0x4;
	s2 =	sand.u32 $0x1, s0;
	s4 =	smul.u32 $0x50000, s7  }
0x4: {  	s31 =	simm.s32 $0x5;
	s30 =	simm.s32 $0x2D80;
	s0 =	ssub.s32 $0x2, s2  }
0x5: {  	p0 =	seq.s32 s7, $0xF;
	s5 =	sshrl.u32 s0, $0x1;
	s4 =	sshrl.u32 s4, $0x2  }
0x6: {  	s26 =	sshll.u32 s2, $0x4;
	s0 =	ssub.s32 s0, s5;
	s6 =	sadd.s32 s4, s1  }
0x7: {  	s5 =	sor.u32 s7, s26;
	s4 =	sadd.s32 $0x12F000, s1;
	s8 =	sadd.s32 $0x1000, s6  }
0x8: {  	s9 =	sadd.s32 $0x2000, s6;
	s10 =	sadd.s32 $0x3000, s6;
	s11 =	sadd.s32 $0x4000, s6  }
0x9: {  	s12 =	sadd.s32 $0x5000, s6;
	s13 =	sadd.s32 $0x6000, s6;
	s14 =	sadd.s32 $0x7000, s6  }
0xa: {  	s15 =	sadd.s32 $0x8000, s6;
	s16 =	sadd.s32 $0x9000, s6;
	s17 =	sadd.s32 $0xA000, s6  }
0xb: {  	s18 =	sadd.s32 $0xB000, s6;
	s19 =	sadd.s32 $0xC000, s6;
	s20 =	sadd.s32 $0xD000, s6  }
0xc: {  	s21 =	sadd.s32 $0xE000, s6;
	s22 =	sadd.s32 $0xF000, s6;
	s23 =	sadd.s32 $0x10000, s6  }
0xd: {  	s24 =	sadd.s32 $0x11000, s6;
	s28 =	smul.u32 $0x500, s5;
	s25 =	sadd.s32 $0x12000, s6  }
0xe: {  	s26 =	sadd.s32 $0x13000, s6;
	s5 =	sadd.s32 $0x12C000, s1;
	s0 =	smax.u32 s0, $0x1  }
0xf: {  	s6 =	smov.u32 @p0 s5;
	s10 =	smov.u32 @p0 s4;
	s4 =	sadd.s32 $0x132000, s1  }
0x10: {  	s5 =	sadd.s32 $0x13F000, s1;
	s3 =	sadd.s32 s3, s28;
	[dreg:$0x5] =	wrdreg s6  }
0x11: {  	[dreg:$0x8] =	wrdreg s10;
	s13 =	smov.u32 @p0 s4;
	s4 =	sadd.s32 $0x135000, s1  }
0x12: {  	s26 =	smov.u32 @p0 s5;
	s6 =	simm.s32 $0x5000;
	[dreg:$0x19] =	wrdreg s3  }
0x13: {  	s10 =	simm.s32 $0x7000;
	s5 =	simm.s32 $0x0;
	[dreg:$0xb] =	wrdreg s13  }
0x14: {  	s3 =	sadd.s32 $0x12D000, s1;
	s16 =	smov.u32 @p0 s4;
	[dreg:$0x18] =	wrdreg s26  }
0x15: {  	s4 =	sadd.s32 $0x138000, s1;
	s8 =	smov.u32 @p0 s3;
	[dreg:$0xe] =	wrdreg s16  }
0x16: {  	s3 =	sadd.s32 $0x12E000, s1;
	s19 =	smov.u32 @p0 s4;
	[dreg:$0x6] =	wrdreg s8  }
0x17: {  	s4 =	sadd.s32 $0x13B000, s1;
	s9 =	smov.u32 @p0 s3;
	[dreg:$0x11] =	wrdreg s19  }
0x18: {  	s3 =	sadd.s32 $0x130000, s1;
	s22 =	smov.u32 @p0 s4;
	[dreg:$0x7] =	wrdreg s9  }
0x19: {  	s4 =	sadd.s32 $0x13E000, s1;
	s11 =	smov.u32 @p0 s3;
	[dreg:$0x14] =	wrdreg s22  }
0x1a: {  	s16 =	simm.s32 $0xA000;
	s25 =	smov.u32 @p0 s4;
	[dreg:$0x9] =	wrdreg s11  }
0x1b: {  	s19 =	simm.s32 $0x2;
	s3 =	sadd.s32 $0x131000, s1;
	[dreg:$0x17] =	wrdreg s25  }
0x1c: {  	s22 =	sshrl.u32 s7, $0x2;
	s12 =	smov.u32 @p0 s3;
	s25 =	rddreg [dreg:$0x0]  }
0x1d: {  	s4 =	smul.u32 $0x2700, s7;
	s3 =	sadd.s32 $0x133000, s1;
	[dreg:$0xa] =	wrdreg s12  }
0x1e: {  	s14 =	smov.u32 @p0 s3;
	s3 =	sadd.s32 $0x134000, s1;
	s12 =	simm.s32 $0x8000  }
0x1f: {  	[dreg:$0xc] =	wrdreg s14;
	s15 =	smov.u32 @p0 s3;
	s3 =	sadd.s32 $0x136000, s1  }
0x20: {  	s14 =	simm.s32 $0x9000;
	[dreg:$0xd] =	wrdreg s15;
	s17 =	smov.u32 @p0 s3  }
0x21: {  	s3 =	sadd.s32 $0x137000, s1;
	s15 =	simm.s32 $0x2800;
	[dreg:$0xf] =	wrdreg s17  }
0x22: {  	s18 =	smov.u32 @p0 s3;
	s3 =	sadd.s32 $0x139000, s1;
	s17 =	simm.s32 $0x1  }
0x23: {  	[dreg:$0x10] =	wrdreg s18;
	s20 =	smov.u32 @p0 s3;
	s3 =	sadd.s32 $0x13A000, s1  }
0x24: {  	[dreg:$0x12] =	wrdreg s20;
	s21 =	smov.u32 @p0 s3;
	s3 =	sadd.s32 $0x13C000, s1  }
0x25: {  	s20 =	simm.s32 $0x0;
	[dreg:$0x13] =	wrdreg s21;
	s23 =	smov.u32 @p0 s3  }
0x26: {  	s3 =	sadd.s32 $0x13D000, s1;
	[smem:$0x7FF] =	sst s20;
	s21 =	sshll.u32 s2, $0x2  }
0x27: {  	s2 =	smul.u32 $0x27100, s2;
	[dreg:$0x15] =	wrdreg s23;
	s24 =	smov.u32 @p0 s3  }
0x28: {  	s3 =	sor.u32 s22, s21;
	s23 =	rddreg [dreg:$0x2];
	s21 =	simm.s32 $0x3  }
0x29: {  	[dreg:$0x16] =	wrdreg s24;
	s24 =	smul.u32 $0x4E000, s7;
	s8 =	sadd.s32 s23, s2  }
0x2a: {  	s28 =	smul.u32 $0x2710, s3;
	s3 =	sadd.s32 $0x124800, s1;
	s23 =	simm.s32 $0x9  }
0x2b: {  	s7 =	simm.s32 $0x8;
	_ =	strace $0x80000047;
	[dreg:$0x1b] =	wrdreg s0  }
0x2c: {  	s0 =	sshrl.u32 @p0 s3, $0x3;
	[dreg:$0x1a] =	wrdreg s8;
	s3 =	simm.s32 $0x7  }
0x2d: {  	s26 =	sshrl.u32 s24, $0x2;
	[dreg:$0x1c] =	wrdreg s0;
	s0 =	sadd.s32 @!p0 s4, s8  }
0x2e: {  	s24 =	simm.s32 $0x3000;
	s4 =	simm.s32 $0x4000;
	s2 =	sadd.s32 s26, s1  }
0x2f: {  	s8 =	simm.s32 $0x6000;
	[dreg:$0x1d] =	wrdreg s0;
	s0 =	sshrl.u32 @!p0 s2, $0x3  }
0x30: {  	v1 =	vimm.f32 $0.0e+00;
	v0 =	vmov s28;
	s2 =	simm.s32 $0x6;
	[dreg:$0x1e] =	wrdreg s0;
	s0 =	simm.s32 $0x20  }
.LBB2_1:
0x31: {  	[dreg:$0x1f] =	wrdreg s5;
	s11 =	simm.s32 $0x0;
	s13 =	simm.s32 $0x200  }
.LBB2_2:
0x32: {  	p1 =	sne.s32 s13, $0x3E00;
	[tilespmem:s11+$0x3070] =	vst v1  }
0x33: {  	[tilespmem:s11+$0x3000] =	vst v1  }
0x34: {  	[tilespmem:s11+$0x3010] =	vst v1  }
.Ltmp0:
0x35: {  	[tilespmem:s11+$0x3020] =	vst v1;
	(pc) =	sbr.rel @p1 .LBB2_2-.Ltmp0, $4  }
0x36: {  	[tilespmem:s11+$0x3030] =	vst v1  }
0x37: {  	[tilespmem:s11+$0x3040] =	vst v1  }
0x38: {  	[tilespmem:s11+$0x3050] =	vst v1  }
0x39: {  	[tilespmem:s11+$0x3060] =	vst v1;
	s11 =	sshra.s32 s13, $0x2;
	s13 =	sadd.s32 $0x200, s13  }
0x3a: {  	[tilespmem:s11+$0x3070] =	vst v1  }
0x3b: {  	[tilespmem:s11+$0x3000] =	vst v1  }
0x3c: {  	[tilespmem:s11+$0x3010] =	vst v1  }
0x3d: {  	[tilespmem:s11+$0x3020] =	vst v1  }
0x3e: {  	[tilespmem:s11+$0x3030] =	vst v1  }
0x3f: {  	[tilespmem:s11+$0x3040] =	vst v1  }
0x40: {  	[tilespmem:s11+$0x3050] =	vst v1  }
0x41: {  	[tilespmem:s11+$0x3060] =	vst v1;
	s22 =	rddreg [dreg:$0x5]  }
0x42: {  	[spmem:s22] =	stream.linear.scatter [tilespmem:s24], [sflag:$0x9], $0x1000, $0x38;
	[tilespmem:$0x1F000] =	vst v63  }
0x43: {  	_ =	swait.ge [sflag:s23], $0x1000  }
0x44: {  	[sflag:s23] =	ssyncset.done $0x0  }
0x45: {  	s26 =	rddreg [dreg:$0x6];
	[sflag:s23] =	ssyncadd.s32 $0xFFFFF000  }
0x46: {  	[spmem:s26] =	stream.linear.scatter [tilespmem:s24], [sflag:$0x9], $0x1000, $0x38;
	[tilespmem:$0x1F000] =	vst v63  }
0x47: {  	_ =	swait.ge [sflag:s23], $0x1000  }
0x48: {  	[sflag:s23] =	ssyncset.done $0x0  }
0x49: {  	s28 =	rddreg [dreg:$0x7];
	[sflag:s23] =	ssyncadd.s32 $0xFFFFF000  }
0x4a: {  	[spmem:s28] =	stream.linear.scatter [tilespmem:s24], [sflag:$0x9], $0x1000, $0x38;
	[tilespmem:$0x1F000] =	vst v63  }
0x4b: {  	_ =	swait.ge [sflag:s23], $0x1000  }
0x4c: {  	[sflag:s23] =	ssyncset.done $0x0  }
0x4d: {  	s5 =	rddreg [dreg:$0x8];
	[sflag:s23] =	ssyncadd.s32 $0xFFFFF000  }
0x4e: {  	[spmem:s5] =	stream.linear.scatter [tilespmem:s24], [sflag:$0x9], $0x1000, $0x38;
	[tilespmem:$0x1F000] =	vst v63  }
0x4f: {  	_ =	swait.ge [sflag:s23], $0x1000  }
0x50: {  	[sflag:s23] =	ssyncset.done $0x0  }
0x51: {  	s9 =	rddreg [dreg:$0x9];
	[sflag:s23] =	ssyncadd.s32 $0xFFFFF000  }
0x52: {  	[spmem:s9] =	stream.linear.scatter [tilespmem:s24], [sflag:$0x9], $0x1000, $0x38;
	[tilespmem:$0x1F000] =	vst v63  }
0x53: {  	_ =	swait.ge [sflag:s23], $0x1000  }
0x54: {  	[sflag:s23] =	ssyncset.done $0x0  }
0x55: {  	s13 =	rddreg [dreg:$0xa];
	[sflag:s23] =	ssyncadd.s32 $0xFFFFF000  }
0x56: {  	[spmem:s13] =	stream.linear.scatter [tilespmem:s24], [sflag:$0x9], $0x1000, $0x38;
	[tilespmem:$0x1F000] =	vst v63  }
0x57: {  	_ =	swait.ge [sflag:s23], $0x1000  }
0x58: {  	[sflag:s23] =	ssyncset.done $0x0  }
0x59: {  	s18 =	rddreg [dreg:$0xb];
	[sflag:s23] =	ssyncadd.s32 $0xFFFFF000  }
0x5a: {  	[spmem:s18] =	stream.linear.scatter [tilespmem:s24], [sflag:$0x9], $0x1000, $0x38;
	[tilespmem:$0x1F000] =	vst v63  }
0x5b: {  	_ =	swait.ge [sflag:s23], $0x1000  }
0x5c: {  	[sflag:s23] =	ssyncset.done $0x0  }
0x5d: {  	s20 =	rddreg [dreg:$0xc];
	[sflag:s23] =	ssyncadd.s32 $0xFFFFF000  }
0x5e: {  	[spmem:s20] =	stream.linear.scatter [tilespmem:s24], [sflag:$0x9], $0x1000, $0x38;
	[tilespmem:$0x1F000] =	vst v63  }
0x5f: {  	_ =	swait.ge [sflag:s23], $0x1000  }
0x60: {  	[sflag:s23] =	ssyncset.done $0x0  }
0x61: {  	s22 =	rddreg [dreg:$0xd];
	[sflag:s23] =	ssyncadd.s32 $0xFFFFF000  }
0x62: {  	[spmem:s22] =	stream.linear.scatter [tilespmem:s24], [sflag:$0x9], $0x1000, $0x38;
	[tilespmem:$0x1F000] =	vst v63  }
0x63: {  	_ =	swait.ge [sflag:s23], $0x1000  }
0x64: {  	[sflag:s23] =	ssyncset.done $0x0  }
0x65: {  	s26 =	rddreg [dreg:$0xe];
	[sflag:s23] =	ssyncadd.s32 $0xFFFFF000  }
0x66: {  	[spmem:s26] =	stream.linear.scatter [tilespmem:s24], [sflag:$0x9], $0x1000, $0x38;
	[tilespmem:$0x1F000] =	vst v63  }
0x67: {  	_ =	swait.ge [sflag:s23], $0x1000  }
0x68: {  	[sflag:s23] =	ssyncset.done $0x0  }
0x69: {  	s28 =	rddreg [dreg:$0xf];
	[sflag:s23] =	ssyncadd.s32 $0xFFFFF000  }
0x6a: {  	[spmem:s28] =	stream.linear.scatter [tilespmem:s24], [sflag:$0x9], $0x1000, $0x38;
	[tilespmem:$0x1F000] =	vst v63  }
0x6b: {  	_ =	swait.ge [sflag:s23], $0x1000  }
0x6c: {  	[sflag:s23] =	ssyncset.done $0x0  }
0x6d: {  	s5 =	rddreg [dreg:$0x10];
	[sflag:s23] =	ssyncadd.s32 $0xFFFFF000  }
0x6e: {  	[spmem:s5] =	stream.linear.scatter [tilespmem:s24], [sflag:$0x9], $0x1000, $0x38;
	[tilespmem:$0x1F000] =	vst v63  }
0x6f: {  	_ =	swait.ge [sflag:s23], $0x1000  }
0x70: {  	[sflag:s23] =	ssyncset.done $0x0  }
0x71: {  	s9 =	rddreg [dreg:$0x11];
	[sflag:s23] =	ssyncadd.s32 $0xFFFFF000  }
0x72: {  	[spmem:s9] =	stream.linear.scatter [tilespmem:s24], [sflag:$0x9], $0x1000, $0x38;
	[tilespmem:$0x1F000] =	vst v63  }
0x73: {  	_ =	swait.ge [sflag:s23], $0x1000  }
0x74: {  	[sflag:s23] =	ssyncset.done $0x0  }
0x75: {  	s13 =	rddreg [dreg:$0x12];
	[sflag:s23] =	ssyncadd.s32 $0xFFFFF000  }
0x76: {  	[spmem:s13] =	stream.linear.scatter [tilespmem:s24], [sflag:$0x9], $0x1000, $0x38;
	[tilespmem:$0x1F000] =	vst v63  }
0x77: {  	_ =	swait.ge [sflag:s23], $0x1000  }
0x78: {  	[sflag:s23] =	ssyncset.done $0x0  }
0x79: {  	s18 =	rddreg [dreg:$0x13];
	[sflag:s23] =	ssyncadd.s32 $0xFFFFF000  }
0x7a: {  	[spmem:s18] =	stream.linear.scatter [tilespmem:s24], [sflag:$0x9], $0x1000, $0x38;
	[tilespmem:$0x1F000] =	vst v63  }
0x7b: {  	_ =	swait.ge [sflag:s23], $0x1000  }
0x7c: {  	[sflag:s23] =	ssyncset.done $0x0  }
0x7d: {  	s20 =	rddreg [dreg:$0x14];
	[sflag:s23] =	ssyncadd.s32 $0xFFFFF000  }
0x7e: {  	[spmem:s20] =	stream.linear.scatter [tilespmem:s24], [sflag:$0x9], $0x1000, $0x38;
	[tilespmem:$0x1F000] =	vst v63  }
0x7f: {  	_ =	swait.ge [sflag:s23], $0x1000  }
0x80: {  	[sflag:s23] =	ssyncset.done $0x0  }
0x81: {  	s22 =	rddreg [dreg:$0x15];
	[sflag:s23] =	ssyncadd.s32 $0xFFFFF000  }
0x82: {  	[spmem:s22] =	stream.linear.scatter [tilespmem:s24], [sflag:$0x9], $0x1000, $0x38;
	[tilespmem:$0x1F000] =	vst v63  }
0x83: {  	_ =	swait.ge [sflag:s23], $0x1000  }
0x84: {  	[sflag:s23] =	ssyncset.done $0x0  }
0x85: {  	s26 =	rddreg [dreg:$0x16];
	[sflag:s23] =	ssyncadd.s32 $0xFFFFF000  }
0x86: {  	[spmem:s26] =	stream.linear.scatter [tilespmem:s24], [sflag:$0x9], $0x1000, $0x38;
	[tilespmem:$0x1F000] =	vst v63  }
0x87: {  	_ =	swait.ge [sflag:s23], $0x1000  }
0x88: {  	[sflag:s23] =	ssyncset.done $0x0  }
0x89: {  	s28 =	rddreg [dreg:$0x17];
	[sflag:s23] =	ssyncadd.s32 $0xFFFFF000  }
0x8a: {  	[spmem:s28] =	stream.linear.scatter [tilespmem:s24], [sflag:$0x9], $0x1000, $0x38;
	[tilespmem:$0x1F000] =	vst v63  }
0x8b: {  	_ =	swait.ge [sflag:s23], $0x1000  }
0x8c: {  	[sflag:s23] =	ssyncset.done $0x0  }
0x8d: {  	s5 =	rddreg [dreg:$0x18];
	[sflag:s23] =	ssyncadd.s32 $0xFFFFF000  }
0x8e: {  	[spmem:s5] =	stream.linear.scatter [tilespmem:s24], [sflag:$0x9], $0x1000, $0x38;
	[tilespmem:$0x1F000] =	vst v63  }
0x8f: {  	_ =	swait.ge [sflag:s23], $0x1000  }
0x90: {  	[sflag:s23] =	ssyncset.done $0x0  }
0x91: {  	[sflag:s23] =	ssyncadd.s32 $0xFFFFF000  }
0x92: {  	[bflag:$0x0] =	sbarrier.arrive $0xFFFF  }
0x93: {  	s13 =	simm.s32 $0x0;
	s9 =	rddreg [dreg:$0x19]  }
0x94: {  	[tilespmem:s13], [sflag:$0x9] =	stream.linear.gather [hbm4b:s9+s13], $0x2800, $0x38;
	[tilespmem:$0x1F000] =	vst v63  }
0x95: {  	_ =	swait.ge [sflag:s23], $0x2800  }
0x96: {  	[sflag:s23] =	ssyncset.done $0x0  }
0x97: {  	[sflag:s23] =	ssyncadd.s32 $0xFFFFD800  }
0x98: {  	v2 =	vld [tilespmem:$0x0]  }
0x99: {  	v3 =	vld [tilespmem:$0x10];
	_ =	sdelay $0x3  }
0x9a: {  	v4 =	vand.u32 $0xFFFF, v2;
	v2 =	vshrl.u32 v2, $0x10  }
0x9b: {  	v49 =	vand.u32 $0xFFFF, v3;
	v4 =	vadd.s32 v0, v4;
	[tilespmem:$0x2880] =	vst v2  }
0x9c: {  	v2 =	vadd.s32 v0, v49;
	[tilespmem:$0x2800] =	vst v4  }
0x9d: {  	[tilespmem:$0x2810] =	vst v2;
	v2 =	vshrl.u32 v3, $0x10  }
0x9e: {  	[tilespmem:$0x2890] =	vst v2  }
0x9f: {  	[tilespmem:s24], [sflag:$0x1] =	stream.indirect.gather [hbm4b:s25+s0], $0x80, s15, s0, $0xb8;
	[tilespmem:$0x1F000] =	vst v63  }
0xa0: {  	v2 =	vld [tilespmem:$0x20]  }
0xa1: {  	v3 =	vld [tilespmem:$0x30];
	_ =	sdelay $0x3  }
0xa2: {  	v50 =	vand.u32 $0xFFFF, v2;
	v2 =	vshrl.u32 v2, $0x10  }
0xa3: {  	v51 =	vand.u32 $0xFFFF, v3;
	v4 =	vadd.s32 v0, v50;
	[tilespmem:$0x2980] =	vst v2  }
0xa4: {  	v2 =	vadd.s32 v0, v51;
	[tilespmem:$0x2900] =	vst v4  }
0xa5: {  	[tilespmem:$0x2910] =	vst v2;
	v2 =	vshrl.u32 v3, $0x10  }
0xa6: {  	s18 =	simm.s32 $0x2900;
	[tilespmem:$0x2990] =	vst v2  }
0xa7: {  	[tilespmem:s4], [sflag:$0x2] =	stream.indirect.gather [hbm4b:s25+s0], $0x80, s18, s0, $0xb8;
	[tilespmem:$0x1F000] =	vst v63  }
0xa8: {  	v2 =	vld [tilespmem:$0x40]  }
0xa9: {  	v3 =	vld [tilespmem:$0x50];
	_ =	sdelay $0x3  }
0xaa: {  	v52 =	vand.u32 $0xFFFF, v2;
	v2 =	vshrl.u32 v2, $0x10  }
0xab: {  	v53 =	vand.u32 $0xFFFF, v3;
	v4 =	vadd.s32 v0, v52;
	[tilespmem:$0x2A80] =	vst v2  }
0xac: {  	v2 =	vadd.s32 v0, v53;
	[tilespmem:$0x2A00] =	vst v4  }
0xad: {  	[tilespmem:$0x2A10] =	vst v2;
	v2 =	vshrl.u32 v3, $0x10  }
0xae: {  	s20 =	simm.s32 $0x2A00;
	[tilespmem:$0x2A90] =	vst v2  }
0xaf: {  	[tilespmem:s6], [sflag:$0x3] =	stream.indirect.gather [hbm4b:s25+s0], $0x80, s20, s0, $0xb8;
	[tilespmem:$0x1F000] =	vst v63  }
0xb0: {  	v2 =	vld [tilespmem:$0x60]  }
0xb1: {  	v3 =	vld [tilespmem:$0x70];
	_ =	sdelay $0x3  }
0xb2: {  	v54 =	vand.u32 $0xFFFF, v2;
	v2 =	vshrl.u32 v2, $0x10  }
0xb3: {  	v55 =	vand.u32 $0xFFFF, v3;
	v4 =	vadd.s32 v0, v54;
	[tilespmem:$0x2B80] =	vst v2  }
0xb4: {  	v2 =	vadd.s32 v0, v55;
	[tilespmem:$0x2B00] =	vst v4  }
0xb5: {  	[tilespmem:$0x2B10] =	vst v2;
	v2 =	vshrl.u32 v3, $0x10  }
0xb6: {  	s22 =	simm.s32 $0x2B00;
	[tilespmem:$0x2B90] =	vst v2  }
0xb7: {  	[tilespmem:s8], [sflag:$0x4] =	stream.indirect.gather [hbm4b:s25+s0], $0x80, s22, s0, $0xb8;
	[tilespmem:$0x1F000] =	vst v63  }
0xb8: {  	v2 =	vld [tilespmem:$0x80]  }
0xb9: {  	v3 =	vld [tilespmem:$0x90];
	_ =	sdelay $0x3  }
0xba: {  	v56 =	vand.u32 $0xFFFF, v2;
	v2 =	vshrl.u32 v2, $0x10  }
0xbb: {  	v57 =	vand.u32 $0xFFFF, v3;
	v4 =	vadd.s32 v0, v56;
	[tilespmem:$0x2C80] =	vst v2  }
0xbc: {  	v2 =	vadd.s32 v0, v57;
	[tilespmem:$0x2C00] =	vst v4  }
0xbd: {  	[tilespmem:$0x2C10] =	vst v2;
	v2 =	vshrl.u32 v3, $0x10  }
0xbe: {  	s26 =	simm.s32 $0x2C00;
	[tilespmem:$0x2C90] =	vst v2  }
0xbf: {  	[tilespmem:s10], [sflag:$0x5] =	stream.indirect.gather [hbm4b:s25+s0], $0x80, s26, s0, $0xb8;
	[tilespmem:$0x1F000] =	vst v63  }
0xc0: {  	v2 =	vld [tilespmem:$0xA0]  }
0xc1: {  	v3 =	vld [tilespmem:$0xB0];
	_ =	sdelay $0x3  }
0xc2: {  	v58 =	vand.u32 $0xFFFF, v2;
	v2 =	vshrl.u32 v2, $0x10  }
0xc3: {  	v59 =	vand.u32 $0xFFFF, v3;
	v4 =	vadd.s32 v0, v58;
	[tilespmem:$0x2D80] =	vst v2  }
0xc4: {  	v2 =	vadd.s32 v0, v59;
	[tilespmem:$0x2D00] =	vst v4  }
0xc5: {  	[tilespmem:$0x2D10] =	vst v2;
	v2 =	vshrl.u32 v3, $0x10  }
0xc6: {  	s9 =	simm.s32 $0x2D00;
	[tilespmem:$0x2D90] =	vst v2  }
0xc7: {  	[tilespmem:s12], [sflag:$0x6] =	stream.indirect.gather [hbm4b:s25+s0], $0x80, s9, s0, $0xb8;
	[tilespmem:$0x1F000] =	vst v63  }
0xc8: {  	v2 =	vld [tilespmem:$0xC0]  }
0xc9: {  	v3 =	vld [tilespmem:$0xD0];
	_ =	sdelay $0x3  }
0xca: {  	v60 =	vand.u32 $0xFFFF, v2;
	v2 =	vshrl.u32 v2, $0x10  }
0xcb: {  	v61 =	vand.u32 $0xFFFF, v3;
	v4 =	vadd.s32 v0, v60;
	[tilespmem:$0x2E80] =	vst v2  }
0xcc: {  	v2 =	vadd.s32 v0, v61;
	[tilespmem:$0x2E00] =	vst v4  }
0xcd: {  	[tilespmem:$0x2E10] =	vst v2;
	v2 =	vshrl.u32 v3, $0x10  }
0xce: {  	s28 =	simm.s32 $0x2E00;
	[tilespmem:$0x2E90] =	vst v2  }
0xcf: {  	[tilespmem:s14], [sflag:$0x7] =	stream.indirect.gather [hbm4b:s25+s0], $0x80, s28, s0, $0xb8;
	[tilespmem:$0x1F000] =	vst v63  }
0xd0: {  	v2 =	vld [tilespmem:$0xE0]  }
0xd1: {  	v3 =	vld [tilespmem:$0xF0];
	_ =	sdelay $0x3  }
0xd2: {  	v62 =	vand.u32 $0xFFFF, v2;
	v2 =	vshrl.u32 v2, $0x10  }
0xd3: {  	v63 =	vand.u32 $0xFFFF, v3;
	v4 =	vadd.s32 v0, v62;
	[tilespmem:$0x2F80] =	vst v2  }
0xd4: {  	v2 =	vadd.s32 v0, v63;
	[tilespmem:$0x2F00] =	vst v4  }
0xd5: {  	[tilespmem:$0x2F10] =	vst v2;
	v2 =	vshrl.u32 v3, $0x10  }
0xd6: {  	s13 =	simm.s32 $0x2F00;
	[tilespmem:$0x2F90] =	vst v2  }
0xd7: {  	[tilespmem:s16], [sflag:$0x8] =	stream.indirect.gather [hbm4b:s25+s0], $0x80, s13, s0, $0xb8;
	[tilespmem:$0x1F000] =	vst v63  }
0xd8: {  	_ =	swait.ge [sflag:s17], $0x1000  }
0xd9: {  	[sflag:s17] =	ssyncset.done $0x0  }
0xda: {  	s5 =	simm.s32 $0x2880;
	[sflag:s17] =	ssyncadd.s32 $0xFFFFF000  }
0xdb: {  	[spmem:s1] =	stream.indirect.scatter.add.f32 [tilespmem:s24], [sflag:$0x9], $0x80, s5, s0, $0xb8;
	[tilespmem:$0x1F000] =	vst v63  }
0xdc: {  	_ =	swait.ge [sflag:s23], $0x1000  }
0xdd: {  	[sflag:s23] =	ssyncset.done $0x0  }
0xde: {  	s11 =	simm.s32 $0x1F0;
	[sflag:s23] =	ssyncadd.s32 $0xFFFFF000  }
0xdf: {  	v2 =	vld [tilespmem:s11+$0xFFFFFF10];
	_ =	sdelay $0x4  }
0xe0: {  	v3 =	vand.u32 $0xFFFF, v2;
	v2 =	vshrl.u32 v2, $0x10  }
0xe1: {  	v3 =	vadd.s32 v0, v3;
	[tilespmem:$0x2880] =	vst v2  }
0xe2: {  	[tilespmem:$0x2800] =	vst v3  }
0xe3: {  	v2 =	vld [tilespmem:s11+$0xFFFFFF20];
	_ =	sdelay $0x4  }
0xe4: {  	v3 =	vand.u32 $0xFFFF, v2;
	v2 =	vshrl.u32 v2, $0x10  }
0xe5: {  	v3 =	vadd.s32 v0, v3;
	[tilespmem:$0x2890] =	vst v2  }
0xe6: {  	[tilespmem:$0x2810] =	vst v3  }
0xe7: {  	[tilespmem:s24], [sflag:$0x1] =	stream.indirect.gather [hbm4b:s25+s0], $0x80, s15, s0, $0xb8;
	[tilespmem:$0x1F000] =	vst v63  }
0xe8: {  	_ =	swait.ge [sflag:s19], $0x1000  }
0xe9: {  	[sflag:s19] =	ssyncset.done $0x0  }
0xea: {  	s5 =	simm.s32 $0x2980;
	[sflag:s19] =	ssyncadd.s32 $0xFFFFF000  }
0xeb: {  	[spmem:s1] =	stream.indirect.scatter.add.f32 [tilespmem:s4], [sflag:$0x9], $0x80, s5, s0, $0xb8;
	[tilespmem:$0x1F000] =	vst v63  }
0xec: {  	_ =	swait.ge [sflag:s23], $0x1000  }
0xed: {  	[sflag:s23] =	ssyncset.done $0x0  }
0xee: {  	[sflag:s23] =	ssyncadd.s32 $0xFFFFF000  }
0xef: {  	v2 =	vld [tilespmem:s11+$0xFFFFFF30];
	_ =	sdelay $0x4  }
0xf0: {  	v3 =	vand.u32 $0xFFFF, v2;
	v2 =	vshrl.u32 v2, $0x10  }
0xf1: {  	v3 =	vadd.s32 v0, v3;
	[tilespmem:$0x2980] =	vst v2  }
0xf2: {  	[tilespmem:$0x2900] =	vst v3  }
0xf3: {  	v2 =	vld [tilespmem:s11+$0xFFFFFF40];
	_ =	sdelay $0x4  }
0xf4: {  	v3 =	vand.u32 $0xFFFF, v2;
	v2 =	vshrl.u32 v2, $0x10  }
0xf5: {  	v3 =	vadd.s32 v0, v3;
	[tilespmem:$0x2990] =	vst v2  }
0xf6: {  	[tilespmem:$0x2910] =	vst v3  }
0xf7: {  	[tilespmem:s4], [sflag:$0x2] =	stream.indirect.gather [hbm4b:s25+s0], $0x80, s18, s0, $0xb8;
	[tilespmem:$0x1F000] =	vst v63  }
0xf8: {  	_ =	swait.ge [sflag:s21], $0x1000  }
0xf9: {  	[sflag:s21] =	ssyncset.done $0x0  }
0xfa: {  	s18 =	simm.s32 $0x2A80;
	[sflag:s21] =	ssyncadd.s32 $0xFFFFF000  }
0xfb: {  	[spmem:s1] =	stream.indirect.scatter.add.f32 [tilespmem:s6], [sflag:$0x9], $0x80, s18, s0, $0xb8;
	[tilespmem:$0x1F000] =	vst v63  }
0xfc: {  	_ =	swait.ge [sflag:s23], $0x1000  }
0xfd: {  	[sflag:s23] =	ssyncset.done $0x0  }
0xfe: {  	[sflag:s23] =	ssyncadd.s32 $0xFFFFF000  }
0xff: {  	v2 =	vld [tilespmem:s11+$0xFFFFFF50];
	_ =	sdelay $0x4  }
0x100: {  	v3 =	vand.u32 $0xFFFF, v2;
	v2 =	vshrl.u32 v2, $0x10  }
0x101: {  	v3 =	vadd.s32 v0, v3;
	[tilespmem:$0x2A80] =	vst v2  }
0x102: {  	[tilespmem:$0x2A00] =	vst v3  }
0x103: {  	v2 =	vld [tilespmem:s11+$0xFFFFFF60];
	_ =	sdelay $0x4  }
0x104: {  	v3 =	vand.u32 $0xFFFF, v2;
	v2 =	vshrl.u32 v2, $0x10  }
0x105: {  	v3 =	vadd.s32 v0, v3;
	[tilespmem:$0x2A90] =	vst v2  }
0x106: {  	[tilespmem:$0x2A10] =	vst v3  }
0x107: {  	[tilespmem:s6], [sflag:$0x3] =	stream.indirect.gather [hbm4b:s25+s0], $0x80, s20, s0, $0xb8;
	[tilespmem:$0x1F000] =	vst v63  }
0x108: {  	_ =	swait.ge [sflag:s29], $0x1000  }
0x109: {  	[sflag:s29] =	ssyncset.done $0x0  }
0x10a: {  	s20 =	simm.s32 $0x2B80;
	[sflag:s29] =	ssyncadd.s32 $0xFFFFF000  }
0x10b: {  	[spmem:s1] =	stream.indirect.scatter.add.f32 [tilespmem:s8], [sflag:$0x9], $0x80, s20, s0, $0xb8;
	[tilespmem:$0x1F000] =	vst v63  }
0x10c: {  	_ =	swait.ge [sflag:s23], $0x1000  }
0x10d: {  	[sflag:s23] =	ssyncset.done $0x0  }
0x10e: {  	[sflag:s23] =	ssyncadd.s32 $0xFFFFF000  }
0x10f: {  	v2 =	vld [tilespmem:s11+$0xFFFFFF70];
	_ =	sdelay $0x4  }
0x110: {  	v3 =	vand.u32 $0xFFFF, v2;
	v2 =	vshrl.u32 v2, $0x10  }
0x111: {  	v3 =	vadd.s32 v0, v3;
	[tilespmem:$0x2B80] =	vst v2  }
0x112: {  	[tilespmem:$0x2B00] =	vst v3  }
0x113: {  	v2 =	vld [tilespmem:s11+$0xFFFFFF80];
	_ =	sdelay $0x4  }
0x114: {  	v3 =	vand.u32 $0xFFFF, v2;
	v2 =	vshrl.u32 v2, $0x10  }
0x115: {  	v3 =	vadd.s32 v0, v3;
	[tilespmem:$0x2B90] =	vst v2  }
0x116: {  	[tilespmem:$0x2B10] =	vst v3  }
0x117: {  	[tilespmem:s8], [sflag:$0x4] =	stream.indirect.gather [hbm4b:s25+s0], $0x80, s22, s0, $0xb8;
	[tilespmem:$0x1F000] =	vst v63  }
0x118: {  	_ =	swait.ge [sflag:s31], $0x1000  }
0x119: {  	[sflag:s31] =	ssyncset.done $0x0  }
0x11a: {  	s22 =	simm.s32 $0x2C80;
	[sflag:s31] =	ssyncadd.s32 $0xFFFFF000  }
0x11b: {  	[spmem:s1] =	stream.indirect.scatter.add.f32 [tilespmem:s10], [sflag:$0x9], $0x80, s22, s0, $0xb8;
	[tilespmem:$0x1F000] =	vst v63  }
0x11c: {  	_ =	swait.ge [sflag:s23], $0x1000  }
0x11d: {  	[sflag:s23] =	ssyncset.done $0x0  }
0x11e: {  	[sflag:s23] =	ssyncadd.s32 $0xFFFFF000  }
0x11f: {  	v2 =	vld [tilespmem:s11+$0xFFFFFF90];
	_ =	sdelay $0x4  }
0x120: {  	v3 =	vand.u32 $0xFFFF, v2;
	v2 =	vshrl.u32 v2, $0x10  }
0x121: {  	v3 =	vadd.s32 v0, v3;
	[tilespmem:$0x2C80] =	vst v2  }
0x122: {  	[tilespmem:$0x2C00] =	vst v3  }
0x123: {  	v2 =	vld [tilespmem:s11+$0xFFFFFFA0];
	_ =	sdelay $0x4  }
0x124: {  	v3 =	vand.u32 $0xFFFF, v2;
	v2 =	vshrl.u32 v2, $0x10  }
0x125: {  	v3 =	vadd.s32 v0, v3;
	[tilespmem:$0x2C90] =	vst v2  }
0x126: {  	[tilespmem:$0x2C10] =	vst v3  }
0x127: {  	[tilespmem:s10], [sflag:$0x5] =	stream.indirect.gather [hbm4b:s25+s0], $0x80, s26, s0, $0xb8;
	[tilespmem:$0x1F000] =	vst v63  }
0x128: {  	_ =	swait.ge [sflag:s2], $0x1000  }
0x129: {  	[sflag:s2] =	ssyncset.done $0x0  }
0x12a: {  	[sflag:s2] =	ssyncadd.s32 $0xFFFFF000  }
0x12b: {  	[spmem:s1] =	stream.indirect.scatter.add.f32 [tilespmem:s12], [sflag:$0x9], $0x80, s30, s0, $0xb8;
	[tilespmem:$0x1F000] =	vst v63  }
0x12c: {  	_ =	swait.ge [sflag:s23], $0x1000  }
0x12d: {  	[sflag:s23] =	ssyncset.done $0x0  }
0x12e: {  	[sflag:s23] =	ssyncadd.s32 $0xFFFFF000  }
0x12f: {  	v2 =	vld [tilespmem:s11+$0xFFFFFFB0];
	_ =	sdelay $0x4  }
0x130: {  	v3 =	vand.u32 $0xFFFF, v2;
	v2 =	vshrl.u32 v2, $0x10  }
0x131: {  	v3 =	vadd.s32 v0, v3;
	[tilespmem:$0x2D80] =	vst v2  }
0x132: {  	[tilespmem:$0x2D00] =	vst v3  }
0x133: {  	v2 =	vld [tilespmem:s11+$0xFFFFFFC0];
	_ =	sdelay $0x4  }
0x134: {  	v3 =	vand.u32 $0xFFFF, v2;
	v2 =	vshrl.u32 v2, $0x10  }
0x135: {  	v3 =	vadd.s32 v0, v3;
	[tilespmem:$0x2D90] =	vst v2  }
0x136: {  	[tilespmem:$0x2D10] =	vst v3  }
0x137: {  	[tilespmem:s12], [sflag:$0x6] =	stream.indirect.gather [hbm4b:s25+s0], $0x80, s9, s0, $0xb8;
	[tilespmem:$0x1F000] =	vst v63  }
0x138: {  	_ =	swait.ge [sflag:s3], $0x1000  }
0x139: {  	[sflag:s3] =	ssyncset.done $0x0  }
0x13a: {  	s26 =	simm.s32 $0x2E80;
	[sflag:s3] =	ssyncadd.s32 $0xFFFFF000  }
0x13b: {  	[spmem:s1] =	stream.indirect.scatter.add.f32 [tilespmem:s14], [sflag:$0x9], $0x80, s26, s0, $0xb8;
	[tilespmem:$0x1F000] =	vst v63  }
0x13c: {  	_ =	swait.ge [sflag:s23], $0x1000  }
0x13d: {  	[sflag:s23] =	ssyncset.done $0x0  }
0x13e: {  	[sflag:s23] =	ssyncadd.s32 $0xFFFFF000  }
0x13f: {  	v2 =	vld [tilespmem:s11+$0xFFFFFFD0];
	_ =	sdelay $0x4  }
0x140: {  	v3 =	vand.u32 $0xFFFF, v2;
	v2 =	vshrl.u32 v2, $0x10  }
0x141: {  	v3 =	vadd.s32 v0, v3;
	[tilespmem:$0x2E80] =	vst v2  }
0x142: {  	[tilespmem:$0x2E00] =	vst v3  }
0x143: {  	v2 =	vld [tilespmem:s11+$0xFFFFFFE0];
	_ =	sdelay $0x4  }
0x144: {  	v3 =	vand.u32 $0xFFFF, v2;
	v2 =	vshrl.u32 v2, $0x10  }
0x145: {  	v3 =	vadd.s32 v0, v3;
	[tilespmem:$0x2E90] =	vst v2  }
0x146: {  	[tilespmem:$0x2E10] =	vst v3  }
0x147: {  	[tilespmem:s14], [sflag:$0x7] =	stream.indirect.gather [hbm4b:s25+s0], $0x80, s28, s0, $0xb8;
	[tilespmem:$0x1F000] =	vst v63  }
0x148: {  	_ =	swait.ge [sflag:s7], $0x1000  }
0x149: {  	[sflag:s7] =	ssyncset.done $0x0  }
0x14a: {  	s22 =	simm.s32 $0x2F80;
	[sflag:s7] =	ssyncadd.s32 $0xFFFFF000  }
0x14b: {  	[spmem:s1] =	stream.indirect.scatter.add.f32 [tilespmem:s16], [sflag:$0x9], $0x80, s22, s0, $0xb8;
	[tilespmem:$0x1F000] =	vst v63  }
0x14c: {  	_ =	swait.ge [sflag:s23], $0x1000  }
0x14d: {  	[sflag:s23] =	ssyncset.done $0x0  }
0x14e: {  	[sflag:s23] =	ssyncadd.s32 $0xFFFFF000  }
0x14f: {  	v2 =	vld [tilespmem:s11+$0xFFFFFFF0];
	_ =	sdelay $0x4  }
0x150: {  	v3 =	vand.u32 $0xFFFF, v2;
	v2 =	vshrl.u32 v2, $0x10  }
0x151: {  	v3 =	vadd.s32 v0, v3;
	[tilespmem:$0x2F80] =	vst v2  }
0x152: {  	[tilespmem:$0x2F00] =	vst v3  }
0x153: {  	v2 =	vld [tilespmem:s11+$0x0];
	_ =	sdelay $0x4  }
0x154: {  	v3 =	vand.u32 $0xFFFF, v2;
	v2 =	vshrl.u32 v2, $0x10  }
0x155: {  	s5 =	simm.s32 $0x2D00;
	s18 =	simm.s32 $0x2B00;
	v3 =	vadd.s32 v0, v3;
	[tilespmem:$0x2F90] =	vst v2  }
0x156: {  	s20 =	simm.s32 $0x2C00;
	s9 =	simm.s32 $0x2E00;
	s11 =	simm.s32 $0xBC0;
	[tilespmem:$0x2F10] =	vst v3  }
.LBB2_4:
0x157: {  	[tilespmem:s16], [sflag:$0x8] =	stream.indirect.gather [hbm4b:s25+s0], $0x80, s13, s0, $0xb8;
	[tilespmem:$0x1F000] =	vst v63  }
0x158: {  	s13 =	smov.u32 s11  }
0x159: {  	p1 =	sne.s32 s11, $0x9FC0;
	s11 =	sadd.s32 $0x400, s11;
	_ =	swait.ge [sflag:s17], $0x1000  }
0x15a: {  	[sflag:s17] =	ssyncset.done $0x0  }
0x15b: {  	s28 =	simm.s32 $0x2880;
	[sflag:s17] =	ssyncadd.s32 $0xFFFFF000  }
0x15c: {  	[spmem:s1] =	stream.indirect.scatter.add.f32 [tilespmem:s24], [sflag:$0x9], $0x80, s28, s0, $0xb8;
	[tilespmem:$0x1F000] =	vst v63  }
0x15d: {  	_ =	swait.ge [sflag:s23], $0x1000  }
0x15e: {  	[sflag:s23] =	ssyncset.done $0x0  }
0x15f: {  	s13 =	sshra.s32 s13, $0x2;
	[sflag:s23] =	ssyncadd.s32 $0xFFFFF000  }
0x160: {  	v2 =	vld [tilespmem:s13+$0xFFFFFF10];
	_ =	sdelay $0x4  }
0x161: {  	v3 =	vand.u32 $0xFFFF, v2;
	v2 =	vshrl.u32 v2, $0x10  }
0x162: {  	v3 =	vadd.s32 v0, v3;
	[tilespmem:$0x2880] =	vst v2  }
0x163: {  	[tilespmem:$0x2800] =	vst v3  }
0x164: {  	v2 =	vld [tilespmem:s13+$0xFFFFFF20];
	_ =	sdelay $0x4  }
0x165: {  	v3 =	vand.u32 $0xFFFF, v2;
	v2 =	vshrl.u32 v2, $0x10  }
0x166: {  	v3 =	vadd.s32 v0, v3;
	[tilespmem:$0x2890] =	vst v2  }
0x167: {  	[tilespmem:$0x2810] =	vst v3  }
0x168: {  	[tilespmem:s24], [sflag:$0x1] =	stream.indirect.gather [hbm4b:s25+s0], $0x80, s15, s0, $0xb8;
	[tilespmem:$0x1F000] =	vst v63  }
0x169: {  	_ =	swait.ge [sflag:s19], $0x1000  }
0x16a: {  	[sflag:s19] =	ssyncset.done $0x0  }
0x16b: {  	s28 =	simm.s32 $0x2980;
	[sflag:s19] =	ssyncadd.s32 $0xFFFFF000  }
0x16c: {  	[spmem:s1] =	stream.indirect.scatter.add.f32 [tilespmem:s4], [sflag:$0x9], $0x80, s28, s0, $0xb8;
	[tilespmem:$0x1F000] =	vst v63  }
0x16d: {  	_ =	swait.ge [sflag:s23], $0x1000  }
0x16e: {  	[sflag:s23] =	ssyncset.done $0x0  }
0x16f: {  	[sflag:s23] =	ssyncadd.s32 $0xFFFFF000  }
0x170: {  	v2 =	vld [tilespmem:s13+$0xFFFFFF30];
	_ =	sdelay $0x4  }
0x171: {  	v3 =	vand.u32 $0xFFFF, v2;
	v2 =	vshrl.u32 v2, $0x10  }
0x172: {  	v3 =	vadd.s32 v0, v3;
	[tilespmem:$0x2980] =	vst v2  }
0x173: {  	[tilespmem:$0x2900] =	vst v3  }
0x174: {  	v2 =	vld [tilespmem:s13+$0xFFFFFF40];
	_ =	sdelay $0x4  }
0x175: {  	v3 =	vand.u32 $0xFFFF, v2;
	v2 =	vshrl.u32 v2, $0x10  }
0x176: {  	v3 =	vadd.s32 v0, v3;
	[tilespmem:$0x2990] =	vst v2  }
0x177: {  	s28 =	simm.s32 $0x2900;
	[tilespmem:$0x2910] =	vst v3  }
0x178: {  	[tilespmem:s4], [sflag:$0x2] =	stream.indirect.gather [hbm4b:s25+s0], $0x80, s28, s0, $0xb8;
	[tilespmem:$0x1F000] =	vst v63  }
0x179: {  	_ =	swait.ge [sflag:s21], $0x1000  }
0x17a: {  	[sflag:s21] =	ssyncset.done $0x0  }
0x17b: {  	s28 =	simm.s32 $0x2A80;
	[sflag:s21] =	ssyncadd.s32 $0xFFFFF000  }
0x17c: {  	[spmem:s1] =	stream.indirect.scatter.add.f32 [tilespmem:s6], [sflag:$0x9], $0x80, s28, s0, $0xb8;
	[tilespmem:$0x1F000] =	vst v63  }
0x17d: {  	_ =	swait.ge [sflag:s23], $0x1000  }
0x17e: {  	[sflag:s23] =	ssyncset.done $0x0  }
0x17f: {  	[sflag:s23] =	ssyncadd.s32 $0xFFFFF000  }
0x180: {  	v2 =	vld [tilespmem:s13+$0xFFFFFF50];
	_ =	sdelay $0x4  }
0x181: {  	v3 =	vand.u32 $0xFFFF, v2;
	v2 =	vshrl.u32 v2, $0x10  }
0x182: {  	v3 =	vadd.s32 v0, v3;
	[tilespmem:$0x2A80] =	vst v2  }
0x183: {  	[tilespmem:$0x2A00] =	vst v3  }
0x184: {  	v2 =	vld [tilespmem:s13+$0xFFFFFF60];
	_ =	sdelay $0x4  }
0x185: {  	v3 =	vand.u32 $0xFFFF, v2;
	v2 =	vshrl.u32 v2, $0x10  }
0x186: {  	v3 =	vadd.s32 v0, v3;
	[tilespmem:$0x2A90] =	vst v2  }
0x187: {  	s28 =	simm.s32 $0x2A00;
	[tilespmem:$0x2A10] =	vst v3  }
0x188: {  	[tilespmem:s6], [sflag:$0x3] =	stream.indirect.gather [hbm4b:s25+s0], $0x80, s28, s0, $0xb8;
	[tilespmem:$0x1F000] =	vst v63  }
0x189: {  	_ =	swait.ge [sflag:s29], $0x1000  }
0x18a: {  	[sflag:s29] =	ssyncset.done $0x0  }
0x18b: {  	s28 =	simm.s32 $0x2B80;
	[sflag:s29] =	ssyncadd.s32 $0xFFFFF000  }
0x18c: {  	[spmem:s1] =	stream.indirect.scatter.add.f32 [tilespmem:s8], [sflag:$0x9], $0x80, s28, s0, $0xb8;
	[tilespmem:$0x1F000] =	vst v63  }
0x18d: {  	_ =	swait.ge [sflag:s23], $0x1000  }
0x18e: {  	[sflag:s23] =	ssyncset.done $0x0  }
0x18f: {  	[sflag:s23] =	ssyncadd.s32 $0xFFFFF000  }
0x190: {  	v2 =	vld [tilespmem:s13+$0xFFFFFF70];
	_ =	sdelay $0x4  }
0x191: {  	v3 =	vand.u32 $0xFFFF, v2;
	v2 =	vshrl.u32 v2, $0x10  }
0x192: {  	v3 =	vadd.s32 v0, v3;
	[tilespmem:$0x2B80] =	vst v2  }
0x193: {  	[tilespmem:$0x2B00] =	vst v3  }
0x194: {  	v2 =	vld [tilespmem:s13+$0xFFFFFF80];
	_ =	sdelay $0x4  }
0x195: {  	v3 =	vand.u32 $0xFFFF, v2;
	v2 =	vshrl.u32 v2, $0x10  }
0x196: {  	v3 =	vadd.s32 v0, v3;
	[tilespmem:$0x2B90] =	vst v2  }
0x197: {  	[tilespmem:$0x2B10] =	vst v3  }
0x198: {  	[tilespmem:s8], [sflag:$0x4] =	stream.indirect.gather [hbm4b:s25+s0], $0x80, s18, s0, $0xb8;
	[tilespmem:$0x1F000] =	vst v63  }
0x199: {  	_ =	swait.ge [sflag:s31], $0x1000  }
0x19a: {  	[sflag:s31] =	ssyncset.done $0x0  }
0x19b: {  	s28 =	simm.s32 $0x2C80;
	[sflag:s31] =	ssyncadd.s32 $0xFFFFF000  }
0x19c: {  	[spmem:s1] =	stream.indirect.scatter.add.f32 [tilespmem:s10], [sflag:$0x9], $0x80, s28, s0, $0xb8;
	[tilespmem:$0x1F000] =	vst v63  }
0x19d: {  	_ =	swait.ge [sflag:s23], $0x1000  }
0x19e: {  	[sflag:s23] =	ssyncset.done $0x0  }
0x19f: {  	[sflag:s23] =	ssyncadd.s32 $0xFFFFF000  }
0x1a0: {  	v2 =	vld [tilespmem:s13+$0xFFFFFF90];
	_ =	sdelay $0x4  }
0x1a1: {  	v3 =	vand.u32 $0xFFFF, v2;
	v2 =	vshrl.u32 v2, $0x10  }
0x1a2: {  	v3 =	vadd.s32 v0, v3;
	[tilespmem:$0x2C80] =	vst v2  }
0x1a3: {  	[tilespmem:$0x2C00] =	vst v3  }
0x1a4: {  	v2 =	vld [tilespmem:s13+$0xFFFFFFA0];
	_ =	sdelay $0x4  }
0x1a5: {  	v3 =	vand.u32 $0xFFFF, v2;
	v2 =	vshrl.u32 v2, $0x10  }
0x1a6: {  	v3 =	vadd.s32 v0, v3;
	[tilespmem:$0x2C90] =	vst v2  }
0x1a7: {  	[tilespmem:$0x2C10] =	vst v3  }
0x1a8: {  	[tilespmem:s10], [sflag:$0x5] =	stream.indirect.gather [hbm4b:s25+s0], $0x80, s20, s0, $0xb8;
	[tilespmem:$0x1F000] =	vst v63  }
0x1a9: {  	_ =	swait.ge [sflag:s2], $0x1000  }
0x1aa: {  	[sflag:s2] =	ssyncset.done $0x0  }
0x1ab: {  	[sflag:s2] =	ssyncadd.s32 $0xFFFFF000  }
0x1ac: {  	[spmem:s1] =	stream.indirect.scatter.add.f32 [tilespmem:s12], [sflag:$0x9], $0x80, s30, s0, $0xb8;
	[tilespmem:$0x1F000] =	vst v63  }
0x1ad: {  	_ =	swait.ge [sflag:s23], $0x1000  }
0x1ae: {  	[sflag:s23] =	ssyncset.done $0x0  }
0x1af: {  	[sflag:s23] =	ssyncadd.s32 $0xFFFFF000  }
0x1b0: {  	v2 =	vld [tilespmem:s13+$0xFFFFFFB0];
	_ =	sdelay $0x4  }
0x1b1: {  	v3 =	vand.u32 $0xFFFF, v2;
	v2 =	vshrl.u32 v2, $0x10  }
0x1b2: {  	v3 =	vadd.s32 v0, v3;
	[tilespmem:$0x2D80] =	vst v2  }
0x1b3: {  	[tilespmem:$0x2D00] =	vst v3  }
0x1b4: {  	v2 =	vld [tilespmem:s13+$0xFFFFFFC0];
	_ =	sdelay $0x4  }
0x1b5: {  	v3 =	vand.u32 $0xFFFF, v2;
	v2 =	vshrl.u32 v2, $0x10  }
0x1b6: {  	v3 =	vadd.s32 v0, v3;
	[tilespmem:$0x2D90] =	vst v2  }
0x1b7: {  	[tilespmem:$0x2D10] =	vst v3  }
0x1b8: {  	[tilespmem:s12], [sflag:$0x6] =	stream.indirect.gather [hbm4b:s25+s0], $0x80, s5, s0, $0xb8;
	[tilespmem:$0x1F000] =	vst v63  }
0x1b9: {  	_ =	swait.ge [sflag:s3], $0x1000  }
0x1ba: {  	[sflag:s3] =	ssyncset.done $0x0  }
0x1bb: {  	[sflag:s3] =	ssyncadd.s32 $0xFFFFF000  }
0x1bc: {  	[spmem:s1] =	stream.indirect.scatter.add.f32 [tilespmem:s14], [sflag:$0x9], $0x80, s26, s0, $0xb8;
	[tilespmem:$0x1F000] =	vst v63  }
0x1bd: {  	_ =	swait.ge [sflag:s23], $0x1000  }
0x1be: {  	[sflag:s23] =	ssyncset.done $0x0  }
0x1bf: {  	[sflag:s23] =	ssyncadd.s32 $0xFFFFF000  }
0x1c0: {  	v2 =	vld [tilespmem:s13+$0xFFFFFFD0];
	_ =	sdelay $0x4  }
0x1c1: {  	v3 =	vand.u32 $0xFFFF, v2;
	v2 =	vshrl.u32 v2, $0x10  }
0x1c2: {  	v3 =	vadd.s32 v0, v3;
	[tilespmem:$0x2E80] =	vst v2  }
0x1c3: {  	[tilespmem:$0x2E00] =	vst v3  }
0x1c4: {  	v2 =	vld [tilespmem:s13+$0xFFFFFFE0];
	_ =	sdelay $0x4  }
0x1c5: {  	v3 =	vand.u32 $0xFFFF, v2;
	v2 =	vshrl.u32 v2, $0x10  }
0x1c6: {  	v3 =	vadd.s32 v0, v3;
	[tilespmem:$0x2E90] =	vst v2  }
0x1c7: {  	[tilespmem:$0x2E10] =	vst v3  }
0x1c8: {  	[tilespmem:s14], [sflag:$0x7] =	stream.indirect.gather [hbm4b:s25+s0], $0x80, s9, s0, $0xb8;
	[tilespmem:$0x1F000] =	vst v63  }
0x1c9: {  	_ =	swait.ge [sflag:s7], $0x1000  }
0x1ca: {  	[sflag:s7] =	ssyncset.done $0x0  }
0x1cb: {  	[sflag:s7] =	ssyncadd.s32 $0xFFFFF000  }
0x1cc: {  	[spmem:s1] =	stream.indirect.scatter.add.f32 [tilespmem:s16], [sflag:$0x9], $0x80, s22, s0, $0xb8;
	[tilespmem:$0x1F000] =	vst v63  }
0x1cd: {  	_ =	swait.ge [sflag:s23], $0x1000  }
0x1ce: {  	[sflag:s23] =	ssyncset.done $0x0  }
0x1cf: {  	[sflag:s23] =	ssyncadd.s32 $0xFFFFF000  }
0x1d0: {  	v2 =	vld [tilespmem:s13+$0xFFFFFFF0];
	_ =	sdelay $0x4  }
0x1d1: {  	v3 =	vand.u32 $0xFFFF, v2;
	v2 =	vshrl.u32 v2, $0x10  }
0x1d2: {  	v3 =	vadd.s32 v0, v3;
	[tilespmem:$0x2F80] =	vst v2  }
0x1d3: {  	[tilespmem:$0x2F00] =	vst v3  }
0x1d4: {  	v2 =	vld [tilespmem:s13+$0x0];
	s13 =	simm.s32 $0x2F00;
	_ =	sdelay $0x2  }
.Ltmp1:
0x1d5: {  	(pc) =	sbr.rel @p1 .LBB2_4-.Ltmp1, $4  }
0x1d6: {  	_ = 	snop  }
0x1d7: {  	v3 =	vand.u32 $0xFFFF, v2;
	v2 =	vshrl.u32 v2, $0x10  }
0x1d8: {  	v3 =	vadd.s32 v0, v3;
	[tilespmem:$0x2F90] =	vst v2  }
0x1d9: {  	[tilespmem:$0x2F10] =	vst v3  }
0x1da: {  	[tilespmem:s16], [sflag:$0x8] =	stream.indirect.gather [hbm4b:s25+s0], $0x80, s13, s0, $0xb8;
	[tilespmem:$0x1F000] =	vst v63  }
0x1db: {  	_ =	swait.ge [sflag:s17], $0x1000  }
0x1dc: {  	[sflag:s17] =	ssyncset.done $0x0  }
0x1dd: {  	s5 =	simm.s32 $0x2880;
	[sflag:s17] =	ssyncadd.s32 $0xFFFFF000  }
0x1de: {  	[spmem:s1] =	stream.indirect.scatter.add.f32 [tilespmem:s24], [sflag:$0x9], $0x80, s5, s0, $0xb8;
	[tilespmem:$0x1F000] =	vst v63  }
0x1df: {  	_ =	swait.ge [sflag:s23], $0x1000  }
0x1e0: {  	[sflag:s23] =	ssyncset.done $0x0  }
0x1e1: {  	[sflag:s23] =	ssyncadd.s32 $0xFFFFF000  }
0x1e2: {  	_ =	swait.ge [sflag:s19], $0x1000  }
0x1e3: {  	[sflag:s19] =	ssyncset.done $0x0  }
0x1e4: {  	s13 =	simm.s32 $0x2980;
	[sflag:s19] =	ssyncadd.s32 $0xFFFFF000  }
0x1e5: {  	[spmem:s1] =	stream.indirect.scatter.add.f32 [tilespmem:s4], [sflag:$0x9], $0x80, s13, s0, $0xb8;
	[tilespmem:$0x1F000] =	vst v63  }
0x1e6: {  	_ =	swait.ge [sflag:s23], $0x1000  }
0x1e7: {  	[sflag:s23] =	ssyncset.done $0x0  }
0x1e8: {  	[sflag:s23] =	ssyncadd.s32 $0xFFFFF000  }
0x1e9: {  	_ =	swait.ge [sflag:s21], $0x1000  }
0x1ea: {  	[sflag:s21] =	ssyncset.done $0x0  }
0x1eb: {  	s15 =	simm.s32 $0x2A80;
	[sflag:s21] =	ssyncadd.s32 $0xFFFFF000  }
0x1ec: {  	[spmem:s1] =	stream.indirect.scatter.add.f32 [tilespmem:s6], [sflag:$0x9], $0x80, s15, s0, $0xb8;
	[tilespmem:$0x1F000] =	vst v63  }
0x1ed: {  	_ =	swait.ge [sflag:s23], $0x1000  }
0x1ee: {  	[sflag:s23] =	ssyncset.done $0x0  }
0x1ef: {  	[sflag:s23] =	ssyncadd.s32 $0xFFFFF000  }
0x1f0: {  	_ =	swait.ge [sflag:s29], $0x1000  }
0x1f1: {  	[sflag:s29] =	ssyncset.done $0x0  }
0x1f2: {  	s18 =	simm.s32 $0x2B80;
	[sflag:s29] =	ssyncadd.s32 $0xFFFFF000  }
0x1f3: {  	[spmem:s1] =	stream.indirect.scatter.add.f32 [tilespmem:s8], [sflag:$0x9], $0x80, s18, s0, $0xb8;
	[tilespmem:$0x1F000] =	vst v63  }
0x1f4: {  	_ =	swait.ge [sflag:s23], $0x1000  }
0x1f5: {  	[sflag:s23] =	ssyncset.done $0x0  }
0x1f6: {  	[sflag:s23] =	ssyncadd.s32 $0xFFFFF000  }
0x1f7: {  	_ =	swait.ge [sflag:s31], $0x1000  }
0x1f8: {  	[sflag:s31] =	ssyncset.done $0x0  }
0x1f9: {  	s20 =	simm.s32 $0x2C80;
	[sflag:s31] =	ssyncadd.s32 $0xFFFFF000  }
0x1fa: {  	[spmem:s1] =	stream.indirect.scatter.add.f32 [tilespmem:s10], [sflag:$0x9], $0x80, s20, s0, $0xb8;
	[tilespmem:$0x1F000] =	vst v63  }
0x1fb: {  	_ =	swait.ge [sflag:s23], $0x1000  }
0x1fc: {  	[sflag:s23] =	ssyncset.done $0x0  }
0x1fd: {  	[sflag:s23] =	ssyncadd.s32 $0xFFFFF000  }
0x1fe: {  	_ =	swait.ge [sflag:s2], $0x1000  }
0x1ff: {  	[sflag:s2] =	ssyncset.done $0x0  }
0x200: {  	[sflag:s2] =	ssyncadd.s32 $0xFFFFF000  }
0x201: {  	[spmem:s1] =	stream.indirect.scatter.add.f32 [tilespmem:s12], [sflag:$0x9], $0x80, s30, s0, $0xb8;
	[tilespmem:$0x1F000] =	vst v63  }
0x202: {  	_ =	swait.ge [sflag:s23], $0x1000  }
0x203: {  	[sflag:s23] =	ssyncset.done $0x0  }
0x204: {  	[sflag:s23] =	ssyncadd.s32 $0xFFFFF000  }
0x205: {  	_ =	swait.ge [sflag:s3], $0x1000  }
0x206: {  	[sflag:s3] =	ssyncset.done $0x0  }
0x207: {  	[sflag:s3] =	ssyncadd.s32 $0xFFFFF000  }
0x208: {  	[spmem:s1] =	stream.indirect.scatter.add.f32 [tilespmem:s14], [sflag:$0x9], $0x80, s26, s0, $0xb8;
	[tilespmem:$0x1F000] =	vst v63  }
0x209: {  	_ =	swait.ge [sflag:s23], $0x1000  }
0x20a: {  	[sflag:s23] =	ssyncset.done $0x0  }
0x20b: {  	[sflag:s23] =	ssyncadd.s32 $0xFFFFF000  }
0x20c: {  	_ =	swait.ge [sflag:s7], $0x1000  }
0x20d: {  	[sflag:s7] =	ssyncset.done $0x0  }
0x20e: {  	[sflag:s7] =	ssyncadd.s32 $0xFFFFF000  }
0x20f: {  	[spmem:s1] =	stream.indirect.scatter.add.f32 [tilespmem:s16], [sflag:$0x9], $0x80, s22, s0, $0xb8;
	[tilespmem:$0x1F000] =	vst v63  }
0x210: {  	_ =	swait.ge [sflag:s23], $0x1000  }
0x211: {  	[sflag:s23] =	ssyncset.done $0x0  }
0x212: {  	[sflag:s23] =	ssyncadd.s32 $0xFFFFF000  }
0x213: {  	[bflag:$0x0] =	sbarrier.arrive $0xFFFF  }
0x214: {  	s11 =	rddreg [dreg:$0x1a]  }
0x215: {  	s13 =	simm.s32 @p0 $0x1FC9;
	s5 =	sadd.s32 @p0 $0x24900, s11;
	s11 =	rddreg [dreg:$0x1c]  }
0x216: {  	[hbm:s5], [sflag:s13] =	dma.local @p0 [spmem:s11], $0x2800  }
0x217: {  	s11 =	simm.s32 @p0 $0x9  }
0x218: {  	s13 =	stileid.u32;
	_ =	swait.ge @p0 [sflag:s11], $0x2800  }
0x219: {  	s13 =	sshll.u32 @!p0 s13, $0x6;
	[sflag:s11] =	ssyncset.done @p0 $0x0;
	s15 =	rddreg [dreg:$0x1e]  }
0x21a: {  	[sflag:s11] =	ssyncadd.s32 @p0 $0xFFFFD800;
	s11 =	sor.u32 @!p0 $0x1C09, s13;
	s13 =	rddreg [dreg:$0x1d]  }
0x21b: {  	[hbm:s13], [sflag:s11] =	dma.local @!p0 [spmem:s15], $0x2700  }
0x21c: {  	s11 =	simm.s32 @!p0 $0x9  }
0x21d: {  	_ =	swait.ge @!p0 [sflag:s11], $0x2700  }
0x21e: {  	s26 =	rddreg [dreg:$0x1f]  }
0x21f: {  	s28 =	rddreg [dreg:$0x1b];
	s5 =	sadd.s32 $0x1, s26  }
0x220: {  	p1 =	sne.s32 s5, s28  }
.Ltmp2:
0x221: {  	_ = 	snop;
	(pc) =	sbr.rel @p1 .LBB2_1-.Ltmp2, $3  }
0x222: {  	_ =	sdelay $0x1  }
0x223: {  	[sflag:s11] =	ssyncset.done @!p0 $0x0  }
0x224: {  	s15 =	simm.s32 $0x2800;
	[sflag:s11] =	ssyncadd.s32 @!p0 $0xFFFFD900  }
0x225: {  	_ =	sfence.sel $0x180000  }
0x226: {  	[bflag:$0x0] =	sbarrier.arrive $0xFFFF  }
0x227: {  	_ =	strace $0x90000047  }
0x228: {  	s0 =	stileid.u32;
	[bflag:$0x2] =	sbarrier.arrive $0xFFFF  }
0x229: {  	p0 =	sne.s32 s0, $0x0;
	s0 =	rddreg [dreg:$0x4]  }
0x22a: {  	s0 =	sadd.s32 @!p0 $0x100000, s0  }
0x22b: {  	[sflag:s0] =	ssyncadd.tile.s32 @!p0 $0x1;
	_ =	shalt  }
.Lfunc_end2:
_tile_overlayer_lowered:
.L_overlay_start_2:
0x22c: {  	(tag) =	ssettag $0x2  }
0x22d: {  	s0 =	rddreg [dreg:$0x0];
	s2 =	stileid.u32  }
0x22e: {  	s1 =	rddreg [dreg:$0x1];
	p0 =	sne.s32 s2, $0x0  }
0x22f: {  	s3 =	rddreg [dreg:$0x2];
	[bflag:$0x3] =	sbarrier.arrive $0xFFFF;
	s2 =	simm.s32 @!p0 $0x1C09  }
0x230: {  	[timem:s3], [sflag:s2] =	dma.local @!p0 [hbm:s0], s1  }
0x231: {  	s0 =	simm.s32 @!p0 $0x9  }
0x232: {  	_ =	swait.ge @!p0 [sflag:s0], s1  }
0x233: {  	s1 =	ssub.s32 @!p0 $0x0, s1;
	[sflag:s0] =	ssyncset.done @!p0 $0x0  }
0x234: {  	[sflag:s0] =	ssyncadd.s32 @!p0 s1  }
0x235: {  	[bflag:$0x3] =	sbarrier.arrive $0xFFFF  }
0x236: {  	_ =	shalt  }

</sc_bundles>
